<compile_context>
chip_gen: v7x
topology: tpu7x:2x2x1
jax: 0.10.2.dev20260603
libtpu: 0.0.44.dev20260713+nightly
codegen_flags: <defaults>
</compile_context>

<pallas_src>
import functools

import jax
import jax.numpy as jnp
from jax import lax
from jax.experimental import pallas as pl
from jax.experimental.pallas import tpu as pltpu
from jax.experimental.pallas import tpu_sc as plsc

N = 10000
E = 160000
F = 256
FH = 128
NC = 2
NS = 16
L = 16
EPT = E // NS
CH = 80
NCH = EPT // CH
NBLK = N // CH
MAXB = (NBLK + NS - 1) // NS


def _tc_body(x_ref, w_ref, att_ref, wx2_ref, a_ref):
    xb = x_ref[...]
    wx = lax.dot_general(xb, w_ref[...], (((1,), (1,)), ((), ())),
                         preferred_element_type=jnp.float32)
    wx2_ref[0] = wx[:, :FH]
    wx2_ref[1] = wx[:, FH:]
    ab = jnp.dot(wx, att_ref[...], preferred_element_type=jnp.float32)
    a_ref[0] = ab[:, :L]
    a_ref[1] = ab[:, L:]


def _tc_matmul(x, W, att32):
    nb = 1000
    grid = N // nb
    return pl.pallas_call(
        _tc_body,
        grid=(grid,),
        in_specs=[
            pl.BlockSpec((nb, F), lambda i: (i, 0)),
            pl.BlockSpec((F, F), lambda i: (0, 0)),
            pl.BlockSpec((F, 2 * L), lambda i: (0, 0)),
        ],
        out_specs=[
            pl.BlockSpec((NC, nb, FH), lambda i: (0, i, 0)),
            pl.BlockSpec((2, nb, L), lambda i: (0, i, 0)),
        ],
        out_shape=[
            jax.ShapeDtypeStruct((NC, N, FH), jnp.float32),
            jax.ShapeDtypeStruct((2, N, L), jnp.float32),
        ],
    )(x, W, att32)


def _sc_body(wx_ref, asr_ref, adr_ref, eidx_ref, out_ref,
             sedge, wxidx, dscat, avs, avd, dv, expc, rows, coeff, qf,
             semA, semB, semC, semD, semE, semF, denom_sp, acc_sp):
    c = lax.axis_index("c")
    s = lax.axis_index("s")
    iota = lax.iota(jnp.int32, L)
    head_mask = iota < 4
    zero16 = jnp.zeros((L,), jnp.float32)
    ebase = pl.multiple_of(s * EPT, 8)
    coff = c * N

    def idx_load(j, sl):
        off = ebase + j * CH
        pltpu.sync_copy(eidx_ref.at[:, pl.ds(off, CH)], sedge.at[sl])

    def idx_issue(j, sl):
        off = ebase + j * CH
        pltpu.async_copy(eidx_ref.at[:, pl.ds(off, CH)], sedge.at[sl], semE)

    def idx_wait(j, sl):
        off = ebase + j * CH
        pltpu.make_async_copy(eidx_ref.at[:, pl.ds(off, CH)], sedge.at[sl],
                              semE).wait()

    def compute_wi(sl):
        for l in range(CH // L):
            wxidx[sl, pl.ds(l * L, L)] = sedge[sl, 0, pl.ds(l * L, L)] + coff

    def issue_p1(sl):
        return [
            pltpu.async_copy(asr_ref.at[sedge.at[sl, 0]], avs.at[sl], semA),
            pltpu.async_copy(adr_ref.at[sedge.at[sl, 1]], avd.at[sl], semB),
        ]

    def issue_p2(sl):
        return issue_p1(sl) + [
            pltpu.async_copy(wx_ref.at[wxidx.at[sl]], rows.at[sl], semC),
            pltpu.async_copy(denom_sp.at[sedge.at[sl, 1]], dv.at[sl], semD),
        ]

    def zero_bufs(k, carry):
        for l in range(FH // L):
            rows[0, k, pl.ds(l * L, L)] = zero16
        expc[0, k, :] = zero16
        return carry
    lax.fori_loop(0, CH, zero_bufs, 0)

    def z_blk(k, carry):
        b = s + k * NS

        @pl.when(b < NBLK)
        def _():
            nb0 = pl.multiple_of(b * CH, 8)
            pltpu.sync_copy(rows.at[0], acc_sp.at[pl.ds(nb0, CH), :])
            pltpu.sync_copy(expc.at[0], denom_sp.at[pl.ds(nb0, CH), :])
        return carry
    lax.fori_loop(0, MAXB, z_blk, 0)
    plsc.subcore_barrier()

    idx_load(0, 0)
    for d in issue_p1(0):
        d.wait()
    idx_issue(1, 1)

    def p1_body(j, carry):
        p = j & 1
        jn = jnp.minimum(j + 1, NCH - 1)
        jn2 = jnp.minimum(j + 2, NCH - 1)
        idx_wait(jn, 1 - p)
        descs = issue_p1(1 - p)
        for l in range(CH // L):
            dscat[p, pl.ds(l * L, L)] = sedge[p, 1, pl.ds(l * L, L)]

        @plsc.parallel_loop(0, CH, unroll=4)
        def _(k):
            ee = avs[p, k, :] + avd[p, k, :]
            ee = jnp.maximum(ee, 0.2 * ee)
            expc[p, k, :] = jnp.where(head_mask, jnp.exp(ee), 0.0)

        @pl.when(j > 0)
        def _():
            pltpu.make_async_copy(expc.at[1 - p],
                                  denom_sp.at[dscat.at[1 - p]], semF).wait()
        pltpu.async_copy(expc.at[p], denom_sp.at[dscat.at[p]], semF,
                         add=True)
        idx_issue(jn2, p)
        for d in descs:
            d.wait()
        return carry
    lax.fori_loop(0, NCH, p1_body, 0)
    idx_wait(NCH - 1, (NCH - 1) & 1)
    pf = (NCH - 1) & 1
    pltpu.make_async_copy(expc.at[pf], denom_sp.at[dscat.at[pf]],
                          semF).wait()
    plsc.subcore_barrier()

    def r_blk(k, carry):
        b = s + k * NS

        @pl.when(b < NBLK)
        def _():
            nb0 = pl.multiple_of(b * CH, 8)
            pltpu.sync_copy(denom_sp.at[pl.ds(nb0, CH), :], expc.at[0])

            @plsc.parallel_loop(0, CH, unroll=4)
            def _(r):
                expc[0, r, :] = 1.0 / (expc[0, r, :] + 2e-9)
            pltpu.sync_copy(expc.at[0], denom_sp.at[pl.ds(nb0, CH), :])
        return carry
    lax.fori_loop(0, MAXB, r_blk, 0)
    plsc.subcore_barrier()

    idx_load(0, 0)
    compute_wi(0)
    for d in issue_p2(0):
        d.wait()
    idx_issue(1, 1)

    def p2_body(j, carry):
        p = j & 1
        jn = jnp.minimum(j + 1, NCH - 1)
        jn2 = jnp.minimum(j + 2, NCH - 1)
        idx_wait(jn, 1 - p)
        compute_wi(1 - p)
        descs = issue_p2(1 - p)

        @plsc.parallel_loop(0, CH, unroll=4)
        def _(k):
            ee = avs[p, k, :] + avd[p, k, :]
            ee = jnp.maximum(ee, 0.2 * ee)
            qf[pl.ds(k * L, L)] = jnp.exp(ee) * dv[p, k, :]

        @plsc.parallel_loop(0, CH // L, unroll=5)
        def _(m):
            i0 = (m * L + iota) * L
            v = (plsc.load_gather(qf, [i0])
                 + plsc.load_gather(qf, [i0 + 1])
                 + plsc.load_gather(qf, [i0 + 2])
                 + plsc.load_gather(qf, [i0 + 3]))
            coeff[pl.ds(m * L, L)] = v

        @plsc.parallel_loop(0, CH, unroll=8)
        def _(k):
            cb = plsc.load_gather(coeff, [jnp.zeros((L,), jnp.int32) + k])
            for l in range(FH // L):
                rows[p, k, pl.ds(l * L, L)] = (
                    rows[p, k, pl.ds(l * L, L)] * cb)
        pltpu.sync_copy(rows.at[p], acc_sp.at[sedge.at[p, 1]], add=True)
        idx_issue(jn2, p)
        for d in descs:
            d.wait()
        return carry
    lax.fori_loop(0, NCH, p2_body, 0)
    idx_wait(NCH - 1, (NCH - 1) & 1)
    plsc.subcore_barrier()

    cfh = pl.multiple_of(c * FH, FH)

    def p3_blk(k, carry):
        b = s + k * NS

        @pl.when(b < NBLK)
        def _():
            nb0 = pl.multiple_of(b * CH, 8)
            pltpu.sync_copy(acc_sp.at[pl.ds(nb0, CH), :], rows.at[0])

            @plsc.parallel_loop(0, CH, unroll=2)
            def _(r):
                for l in range(FH // L):
                    v = rows[0, r, pl.ds(l * L, L)] * 0.25
                    rows[0, r, pl.ds(l * L, L)] = jnp.where(
                        v > 0, v, jnp.exp(v) - 1.0)
            pltpu.sync_copy(rows.at[0],
                            out_ref.at[pl.ds(nb0, CH), pl.ds(cfh, FH)])
        return carry
    lax.fori_loop(0, MAXB, p3_blk, 0)


@functools.partial(
    pl.kernel,
    out_type=jax.ShapeDtypeStruct((N, F), jnp.float32),
    mesh=plsc.VectorSubcoreMesh(core_axis_name="c", subcore_axis_name="s"),
    scratch_types=[
        pltpu.VMEM((2, 2, CH), jnp.int32),
        pltpu.VMEM((2, CH), jnp.int32),
        pltpu.VMEM((2, CH), jnp.int32),
        pltpu.VMEM((2, CH, L), jnp.float32),
        pltpu.VMEM((2, CH, L), jnp.float32),
        pltpu.VMEM((2, CH, L), jnp.float32),
        pltpu.VMEM((2, CH, L), jnp.float32),
        pltpu.VMEM((2, CH, FH), jnp.float32),
        pltpu.VMEM((CH,), jnp.float32),
        pltpu.VMEM((CH * L,), jnp.float32),
        pltpu.SemaphoreType.DMA,
        pltpu.SemaphoreType.DMA,
        pltpu.SemaphoreType.DMA,
        pltpu.SemaphoreType.DMA,
        pltpu.SemaphoreType.DMA,
        pltpu.SemaphoreType.DMA,
        pltpu.VMEM_SHARED((N, L), jnp.float32),
        pltpu.VMEM_SHARED((N, FH), jnp.float32),
    ],
    compiler_params=pltpu.CompilerParams(needs_layout_passes=False,
                                         use_tc_tiling_on_sc=False),
)
def _sc_edge_kernel(wx_ref, asr_ref, adr_ref, eidx_ref, out_ref, *scratch):
    _sc_body(wx_ref, asr_ref, adr_ref, eidx_ref, out_ref, *scratch)


def kernel(x, edge_index, W, att_W):
    eidx = edge_index.astype(jnp.int32)
    att32 = jnp.zeros((F, 2 * L), jnp.float32)
    att32 = att32.at[:, 0:4].set(att_W[:, :F].T)
    att32 = att32.at[:, L:L + 4].set(att_W[:, F:].T)
    wx2, a2 = _tc_matmul(x, W, att32)
    wx_cat = wx2.reshape(NC * N, FH)
    return _sc_edge_kernel(wx_cat, a2[0], a2[1], eidx)

# --- scband reference (transcript-rebuilt; emitter-appended) ---
"""Pipeline reference for scband-manual-gatconv-89953795047695 (READ-ONLY COPY).

The authoritative reference and input builder live on the scoring server;
editing this copy changes nothing except your own understanding.
"""

import jax, jax.numpy as jnp
import numpy as np

N_NODES = 10000
N_EDGES = 160000
IN_CH = 256
OUT_CH = 256
HEADS = 4

def setup_inputs(seed: int = 0) -> dict:
    key = jax.random.key(seed)
    k1, k2, k3, k4 = jax.random.split(key, 4)
    x = jax.random.normal(k1, (N_NODES, IN_CH), dtype=jnp.float32)
    edge_index = jax.random.randint(k2, (2, N_EDGES), 0, N_NODES, dtype=jnp.int64)
    # Learned parameters (torch nn.Linear stores weight as [out, in])
    W = jax.random.normal(k3, (OUT_CH, IN_CH), dtype=jnp.float32) * (1.0 / np.sqrt(IN_CH))
    att_W = jax.random.normal(k4, (HEADS, 2 * OUT_CH), dtype=jnp.float32) * (1.0 / np.sqrt(2 * OUT_CH))
    return {"x": x, "edge_index": edge_index, "W": W, "att_W": att_W}

def reference(x, edge_index, W, att_W):
    n = x.shape[0]
    Wx = x @ W.T  # [N, out_channels]
    src = edge_index[0]
    dst = edge_index[1]
    pair = jnp.concatenate([Wx[src], Wx[dst]], axis=-1)  # [E, 2*out]
    e = pair @ att_W.T  # [E, heads]
    e = jax.nn.leaky_relu(e, negative_slope=0.2)
    # per-head scalar max (matches torch a_h.max())
    e_max = jnp.max(e, axis=0)  # [heads]
    exp_e = jnp.exp(e - e_max)  # [E, heads]
    # alpha[:, h] = scatter_add(exp_a over dst) + 1e-9
    denom = jax.ops.segment_sum(exp_e, dst, num_segments=n) + 1e-9  # [N, heads]
    out = jnp.zeros_like(Wx)
    for h in range(HEADS):
        a_h = exp_e[:, h] / (denom[dst, h] + 1e-9)  # [E]
        msg = Wx[src] * a_h[:, None]  # [E, out]
        out = out + jax.ops.segment_sum(msg, dst, num_segments=n)
    return jax.nn.elu(out / HEADS)

if __name__ == "__main__":
    import jax
    _d = setup_inputs()
    print(jax.jit(kernel)(*tuple(_d.values())))

</pallas_src>

<mosaic_0001>
#map = affine_map<(d0, d1) -> (0, 0)>
module attributes {stable_mosaic.version = 14 : i64} {
  func.func @_sc_edge_kernel(%arg0: i32, %arg1: i32, %arg2: memref<20000x128xf32, #tpu.memory_space<hbm>>, %arg3: memref<10000x16xf32, #tpu.memory_space<hbm>>, %arg4: memref<10000x16xf32, #tpu.memory_space<hbm>>, %arg5: memref<2x160000xi32, #tpu.memory_space<hbm>>, %arg6: memref<10000x256xf32, #tpu.memory_space<hbm>>, %arg7: memref<2x2x80xi32, #tpu.memory_space<vmem>>, %arg8: memref<2x80xi32, #tpu.memory_space<vmem>>, %arg9: memref<2x80xi32, #tpu.memory_space<vmem>>, %arg10: memref<2x80x16xf32, #tpu.memory_space<vmem>>, %arg11: memref<2x80x16xf32, #tpu.memory_space<vmem>>, %arg12: memref<2x80x16xf32, #tpu.memory_space<vmem>>, %arg13: memref<2x80x16xf32, #tpu.memory_space<vmem>>, %arg14: memref<2x80x128xf32, #tpu.memory_space<vmem>>, %arg15: memref<80xf32, #tpu.memory_space<vmem>>, %arg16: memref<1280xf32, #tpu.memory_space<vmem>>, %arg17: memref<!tpu.dma_semaphore, #tpu.memory_space<semaphore_mem>>, %arg18: memref<!tpu.dma_semaphore, #tpu.memory_space<semaphore_mem>>, %arg19: memref<!tpu.dma_semaphore, #tpu.memory_space<semaphore_mem>>, %arg20: memref<!tpu.dma_semaphore, #tpu.memory_space<semaphore_mem>>, %arg21: memref<!tpu.dma_semaphore, #tpu.memory_space<semaphore_mem>>, %arg22: memref<!tpu.dma_semaphore, #tpu.memory_space<semaphore_mem>>, %arg23: memref<10000x16xf32, #tpu.memory_space<vmem_shared>>, %arg24: memref<10000x128xf32, #tpu.memory_space<vmem_shared>>) attributes {dimension_semantics = [#tpu.dimension_semantics<core_parallel>, #tpu.dimension_semantics<subcore_parallel>], iteration_bounds = array<i64: 2, 16>, scalar_prefetch = 0 : i64, scratch_operands = 18 : i64, tpu.core_type = #tpu.core_type<sc_vector_subcore>, window_params = [{transform_indices = #map}, {transform_indices = #map}, {transform_indices = #map}, {transform_indices = #map}, {transform_indices = #map}]} {
    %iota3A = tpu.iota {dimensions = array<i32: 0>} : vector<16xi32>
    %lt3A = arith.constant 4 : i32
    %lt3A_0 = vector.broadcast %lt3A : i32 to vector<16xi32>
    %lt3A_1 = arith.cmpi slt, %iota3A, %lt3A_0 : vector<16xi32>
    %broadcast_in_dim3A = arith.constant 0.000000e+00 : f32
    %broadcast_in_dim3A_2 = vector.broadcast %broadcast_in_dim3A : f32 to vector<16xf32>
    %mul3A = arith.constant 10000 : i32
    %mul3A_3 = arith.muli %arg1, %mul3A : i32
    %multiple_of3A = tpu.assume_multiple %mul3A_3, 8 : i32
    %mul3A_4 = arith.constant 10000 : i32
    %mul3A_5 = arith.muli %arg0, %mul3A_4 : i32
    %scan3A = arith.constant 0 : i32
    %scan3A_6 = arith.constant 0 : i32
    %scan3A_7 = arith.constant 80 : i32
    %scan3A_8 = arith.addi %scan3A_6, %scan3A_7 : i32
    %scan3A_9 = arith.constant 1 : i32
    scf.for %scan3A_333 = %scan3A_6 to %scan3A_8 step %scan3A_9  : i32 {
      %swap3A_334 = arith.constant 0 : i32
      %swap3A_335 = arith.index_cast %swap3A_334 : i32 to index
      %swap3A_336 = arith.index_cast %scan3A_333 : i32 to index
      %swap3A_337 = arith.constant 0 : index
      %swap3A_338 = tpu.vector_load %arg14[%swap3A_335, %swap3A_336, %swap3A_337] {strides = array<i32>} : memref<2x80x128xf32, #tpu.memory_space<vmem>>, vector<16xf32>,
      tpu.vector_store %arg14[%swap3A_335, %swap3A_336, %swap3A_337], %broadcast_in_dim3A_2 {strides = array<i32>} : memref<2x80x128xf32, #tpu.memory_space<vmem>>, vector<16xf32>,
      %swap3A_339 = arith.constant 0 : i32
      %swap3A_340 = arith.index_cast %swap3A_339 : i32 to index
      %swap3A_341 = arith.index_cast %scan3A_333 : i32 to index
      %swap3A_342 = arith.constant 16 : index
      %swap3A_343 = tpu.vector_load %arg14[%swap3A_340, %swap3A_341, %swap3A_342] {strides = array<i32>} : memref<2x80x128xf32, #tpu.memory_space<vmem>>, vector<16xf32>,
      tpu.vector_store %arg14[%swap3A_340, %swap3A_341, %swap3A_342], %broadcast_in_dim3A_2 {strides = array<i32>} : memref<2x80x128xf32, #tpu.memory_space<vmem>>, vector<16xf32>,
      %swap3A_344 = arith.constant 0 : i32
      %swap3A_345 = arith.index_cast %swap3A_344 : i32 to index
      %swap3A_346 = arith.index_cast %scan3A_333 : i32 to index
      %swap3A_347 = arith.constant 32 : index
      %swap3A_348 = tpu.vector_load %arg14[%swap3A_345, %swap3A_346, %swap3A_347] {strides = array<i32>} : memref<2x80x128xf32, #tpu.memory_space<vmem>>, vector<16xf32>,
      tpu.vector_store %arg14[%swap3A_345, %swap3A_346, %swap3A_347], %broadcast_in_dim3A_2 {strides = array<i32>} : memref<2x80x128xf32, #tpu.memory_space<vmem>>, vector<16xf32>,
      %swap3A_349 = arith.constant 0 : i32
      %swap3A_350 = arith.index_cast %swap3A_349 : i32 to index
      %swap3A_351 = arith.index_cast %scan3A_333 : i32 to index
      %swap3A_352 = arith.constant 48 : index
      %swap3A_353 = tpu.vector_load %arg14[%swap3A_350, %swap3A_351, %swap3A_352] {strides = array<i32>} : memref<2x80x128xf32, #tpu.memory_space<vmem>>, vector<16xf32>,
      tpu.vector_store %arg14[%swap3A_350, %swap3A_351, %swap3A_352], %broadcast_in_dim3A_2 {strides = array<i32>} : memref<2x80x128xf32, #tpu.memory_space<vmem>>, vector<16xf32>,
      %swap3A_354 = arith.constant 0 : i32
      %swap3A_355 = arith.index_cast %swap3A_354 : i32 to index
      %swap3A_356 = arith.index_cast %scan3A_333 : i32 to index
      %swap3A_357 = arith.constant 64 : index
      %swap3A_358 = tpu.vector_load %arg14[%swap3A_355, %swap3A_356, %swap3A_357] {strides = array<i32>} : memref<2x80x128xf32, #tpu.memory_space<vmem>>, vector<16xf32>,
      tpu.vector_store %arg14[%swap3A_355, %swap3A_356, %swap3A_357], %broadcast_in_dim3A_2 {strides = array<i32>} : memref<2x80x128xf32, #tpu.memory_space<vmem>>, vector<16xf32>,
      %swap3A_359 = arith.constant 0 : i32
      %swap3A_360 = arith.index_cast %swap3A_359 : i32 to index
      %swap3A_361 = arith.index_cast %scan3A_333 : i32 to index
      %swap3A_362 = arith.constant 80 : index
      %swap3A_363 = tpu.vector_load %arg14[%swap3A_360, %swap3A_361, %swap3A_362] {strides = array<i32>} : memref<2x80x128xf32, #tpu.memory_space<vmem>>, vector<16xf32>,
      tpu.vector_store %arg14[%swap3A_360, %swap3A_361, %swap3A_362], %broadcast_in_dim3A_2 {strides = array<i32>} : memref<2x80x128xf32, #tpu.memory_space<vmem>>, vector<16xf32>,
      %swap3A_364 = arith.constant 0 : i32
      %swap3A_365 = arith.index_cast %swap3A_364 : i32 to index
      %swap3A_366 = arith.index_cast %scan3A_333 : i32 to index
      %swap3A_367 = arith.constant 96 : index
      %swap3A_368 = tpu.vector_load %arg14[%swap3A_365, %swap3A_366, %swap3A_367] {strides = array<i32>} : memref<2x80x128xf32, #tpu.memory_space<vmem>>, vector<16xf32>,
      tpu.vector_store %arg14[%swap3A_365, %swap3A_366, %swap3A_367], %broadcast_in_dim3A_2 {strides = array<i32>} : memref<2x80x128xf32, #tpu.memory_space<vmem>>, vector<16xf32>,
      %swap3A_369 = arith.constant 0 : i32
      %swap3A_370 = arith.index_cast %swap3A_369 : i32 to index
      %swap3A_371 = arith.index_cast %scan3A_333 : i32 to index
      %swap3A_372 = arith.constant 112 : index
      %swap3A_373 = tpu.vector_load %arg14[%swap3A_370, %swap3A_371, %swap3A_372] {strides = array<i32>} : memref<2x80x128xf32, #tpu.memory_space<vmem>>, vector<16xf32>,
      tpu.vector_store %arg14[%swap3A_370, %swap3A_371, %swap3A_372], %broadcast_in_dim3A_2 {strides = array<i32>} : memref<2x80x128xf32, #tpu.memory_space<vmem>>, vector<16xf32>,
      %swap3A_374 = arith.constant 0 : i32
      %swap3A_375 = arith.index_cast %swap3A_374 : i32 to index
      %swap3A_376 = arith.index_cast %scan3A_333 : i32 to index
      %swap3A_377 = arith.constant 0 : index
      %swap3A_378 = tpu.vector_load %arg13[%swap3A_375, %swap3A_376, %swap3A_377] {strides = array<i32>} : memref<2x80x16xf32, #tpu.memory_space<vmem>>, vector<16xf32>,
      tpu.vector_store %arg13[%swap3A_375, %swap3A_376, %swap3A_377], %broadcast_in_dim3A_2 {strides = array<i32>} : memref<2x80x16xf32, #tpu.memory_space<vmem>>, vector<16xf32>,
    }
    %scan3A_10 = arith.constant 80 : i32
    %scan3A_11 = arith.constant 0 : i32
    %scan3A_12 = arith.constant 0 : i32
    %scan3A_13 = arith.constant 8 : i32
    %scan3A_14 = arith.addi %scan3A_12, %scan3A_13 : i32
    %scan3A_15 = arith.constant 1 : i32
    scf.for %scan3A_333 = %scan3A_12 to %scan3A_14 step %scan3A_15  : i32 {
      %mul3A_334 = arith.constant 16 : i32
      %mul3A_335 = arith.muli %scan3A_333, %mul3A_334 : i32
      %add3A_336 = arith.addi %arg1, %mul3A_335 : i32
      %lt3A_337 = arith.constant 125 : i32
      %lt3A_338 = arith.cmpi slt, %add3A_336, %lt3A_337 : i32
      %convert_element_type3A = arith.extui %lt3A_338 : i1 to i32
      %cond3A = arith.constant 0 : i32
      %cond3A_339 = arith.cmpi ne, %convert_element_type3A, %cond3A : i32
      scf.if %cond3A_339 {
        %mul3A_340 = arith.constant 80 : i32
        %mul3A_341 = arith.muli %add3A_336, %mul3A_340 : i32
        %multiple_of3A_342 = tpu.assume_multiple %mul3A_341, 8 : i32
        %run_scoped3A_343 = arith.constant 0 : i32
        "tpu.region"() ({
          %run_scoped3A_345 = tpu.sem_alloc : memref<!tpu.dma_semaphore, #tpu.memory_space<semaphore_mem>>
          %dma_start3A_346 = arith.constant 0 : i32
          %dma_start3A_347 = arith.constant 0 : i32
          %dma_start3A_348 = tpu.memref_slice %arg14[%run_scoped3A_343, %dma_start3A_346, %dma_start3A_347] : memref<2x80x128xf32, #tpu.memory_space<vmem>> -> memref<1x80x128xf32, #tpu.memory_space<vmem>>
          %dma_start3A_349 = tpu.memref_squeeze %dma_start3A_348 : memref<1x80x128xf32, #tpu.memory_space<vmem>> -> memref<80x128xf32, #tpu.memory_space<vmem>>
          %dma_start3A_350 = arith.constant 0 : i32
          %dma_start3A_351 = tpu.memref_slice %arg24[%multiple_of3A_342, %dma_start3A_350] : memref<10000x128xf32, #tpu.memory_space<vmem_shared>> -> memref<80x128xf32, #tpu.memory_space<vmem_shared>>
          %dma_start3A_352 = arith.constant 0 : i32
          %dma_start3A_353 = tpu.memref_slice %arg24[%multiple_of3A_342, %dma_start3A_352] : memref<10000x128xf32, #tpu.memory_space<vmem_shared>> -> memref<80x128xf32, #tpu.memory_space<vmem_shared>>
          %dma_start3A_354 = arith.constant 0 : i32
          %dma_start3A_355 = arith.constant 0 : i32
          %dma_start3A_356 = tpu.memref_slice %arg14[%run_scoped3A_343, %dma_start3A_354, %dma_start3A_355] : memref<2x80x128xf32, #tpu.memory_space<vmem>> -> memref<1x80x128xf32, #tpu.memory_space<vmem>>
          %dma_start3A_357 = tpu.memref_squeeze %dma_start3A_356 : memref<1x80x128xf32, #tpu.memory_space<vmem>> -> memref<80x128xf32, #tpu.memory_space<vmem>>
          tpu.enqueue_dma source(%dma_start3A_357 : memref<80x128xf32, #tpu.memory_space<vmem>>) target(%dma_start3A_353 : memref<80x128xf32, #tpu.memory_space<vmem_shared>>) target_semaphore(%run_scoped3A_345 : memref<!tpu.dma_semaphore, #tpu.memory_space<semaphore_mem>>)
          %dma_wait3A_358 = arith.constant 0 : i32
          %dma_wait3A_359 = arith.constant 0 : i32
          %dma_wait3A_360 = tpu.memref_slice %arg14[%run_scoped3A_343, %dma_wait3A_358, %dma_wait3A_359] : memref<2x80x128xf32, #tpu.memory_space<vmem>> -> memref<1x80x128xf32, #tpu.memory_space<vmem>>
          %dma_wait3A_361 = tpu.memref_squeeze %dma_wait3A_360 : memref<1x80x128xf32, #tpu.memory_space<vmem>> -> memref<80x128xf32, #tpu.memory_space<vmem>>
          %dma_wait3A_362 = arith.constant 0 : i32
          %dma_wait3A_363 = tpu.memref_slice %arg24[%multiple_of3A_342, %dma_wait3A_362] : memref<10000x128xf32, #tpu.memory_space<vmem_shared>> -> memref<80x128xf32, #tpu.memory_space<vmem_shared>>
          %dma_wait3A_364 = arith.constant 0 : i32
          %dma_wait3A_365 = tpu.memref_slice %arg24[%multiple_of3A_342, %dma_wait3A_364] : memref<10000x128xf32, #tpu.memory_space<vmem_shared>> -> memref<80x128xf32, #tpu.memory_space<vmem_shared>>
          %dma_wait3A_366 = arith.constant 0 : i32
          %dma_wait3A_367 = arith.constant 0 : i32
          %dma_wait3A_368 = tpu.memref_slice %arg14[%run_scoped3A_343, %dma_wait3A_366, %dma_wait3A_367] : memref<2x80x128xf32, #tpu.memory_space<vmem>> -> memref<1x80x128xf32, #tpu.memory_space<vmem>>
          %dma_wait3A_369 = tpu.memref_squeeze %dma_wait3A_368 : memref<1x80x128xf32, #tpu.memory_space<vmem>> -> memref<80x128xf32, #tpu.memory_space<vmem>>
          tpu.wait_dma2 semaphore(%run_scoped3A_345 : memref<!tpu.dma_semaphore, #tpu.memory_space<semaphore_mem>>) src(%dma_wait3A_369 : memref<80x128xf32, #tpu.memory_space<vmem>>) dst(%dma_wait3A_365 : memref<80x128xf32, #tpu.memory_space<vmem_shared>>)
          tpu.yield
        }) : () -> ()
        %run_scoped3A_344 = arith.constant 0 : i32
        "tpu.region"() ({
          %run_scoped3A_345 = tpu.sem_alloc : memref<!tpu.dma_semaphore, #tpu.memory_space<semaphore_mem>>
          %dma_start3A_346 = arith.constant 0 : i32
          %dma_start3A_347 = arith.constant 0 : i32
          %dma_start3A_348 = tpu.memref_slice %arg13[%run_scoped3A_344, %dma_start3A_346, %dma_start3A_347] : memref<2x80x16xf32, #tpu.memory_space<vmem>> -> memref<1x80x16xf32, #tpu.memory_space<vmem>>
          %dma_start3A_349 = tpu.memref_squeeze %dma_start3A_348 : memref<1x80x16xf32, #tpu.memory_space<vmem>> -> memref<80x16xf32, #tpu.memory_space<vmem>>
          %dma_start3A_350 = arith.constant 0 : i32
          %dma_start3A_351 = tpu.memref_slice %arg23[%multiple_of3A_342, %dma_start3A_350] : memref<10000x16xf32, #tpu.memory_space<vmem_shared>> -> memref<80x16xf32, #tpu.memory_space<vmem_shared>>
          %dma_start3A_352 = arith.constant 0 : i32
          %dma_start3A_353 = tpu.memref_slice %arg23[%multiple_of3A_342, %dma_start3A_352] : memref<10000x16xf32, #tpu.memory_space<vmem_shared>> -> memref<80x16xf32, #tpu.memory_space<vmem_shared>>
          %dma_start3A_354 = arith.constant 0 : i32
          %dma_start3A_355 = arith.constant 0 : i32
          %dma_start3A_356 = tpu.memref_slice %arg13[%run_scoped3A_344, %dma_start3A_354, %dma_start3A_355] : memref<2x80x16xf32, #tpu.memory_space<vmem>> -> memref<1x80x16xf32, #tpu.memory_space<vmem>>
          %dma_start3A_357 = tpu.memref_squeeze %dma_start3A_356 : memref<1x80x16xf32, #tpu.memory_space<vmem>> -> memref<80x16xf32, #tpu.memory_space<vmem>>
          tpu.enqueue_dma source(%dma_start3A_357 : memref<80x16xf32, #tpu.memory_space<vmem>>) target(%dma_start3A_353 : memref<80x16xf32, #tpu.memory_space<vmem_shared>>) target_semaphore(%run_scoped3A_345 : memref<!tpu.dma_semaphore, #tpu.memory_space<semaphore_mem>>)
          %dma_wait3A_358 = arith.constant 0 : i32
          %dma_wait3A_359 = arith.constant 0 : i32
          %dma_wait3A_360 = tpu.memref_slice %arg13[%run_scoped3A_344, %dma_wait3A_358, %dma_wait3A_359] : memref<2x80x16xf32, #tpu.memory_space<vmem>> -> memref<1x80x16xf32, #tpu.memory_space<vmem>>
          %dma_wait3A_361 = tpu.memref_squeeze %dma_wait3A_360 : memref<1x80x16xf32, #tpu.memory_space<vmem>> -> memref<80x16xf32, #tpu.memory_space<vmem>>
          %dma_wait3A_362 = arith.constant 0 : i32
          %dma_wait3A_363 = tpu.memref_slice %arg23[%multiple_of3A_342, %dma_wait3A_362] : memref<10000x16xf32, #tpu.memory_space<vmem_shared>> -> memref<80x16xf32, #tpu.memory_space<vmem_shared>>
          %dma_wait3A_364 = arith.constant 0 : i32
          %dma_wait3A_365 = tpu.memref_slice %arg23[%multiple_of3A_342, %dma_wait3A_364] : memref<10000x16xf32, #tpu.memory_space<vmem_shared>> -> memref<80x16xf32, #tpu.memory_space<vmem_shared>>
          %dma_wait3A_366 = arith.constant 0 : i32
          %dma_wait3A_367 = arith.constant 0 : i32
          %dma_wait3A_368 = tpu.memref_slice %arg13[%run_scoped3A_344, %dma_wait3A_366, %dma_wait3A_367] : memref<2x80x16xf32, #tpu.memory_space<vmem>> -> memref<1x80x16xf32, #tpu.memory_space<vmem>>
          %dma_wait3A_369 = tpu.memref_squeeze %dma_wait3A_368 : memref<1x80x16xf32, #tpu.memory_space<vmem>> -> memref<80x16xf32, #tpu.memory_space<vmem>>
          tpu.wait_dma2 semaphore(%run_scoped3A_345 : memref<!tpu.dma_semaphore, #tpu.memory_space<semaphore_mem>>) src(%dma_wait3A_369 : memref<80x16xf32, #tpu.memory_space<vmem>>) dst(%dma_wait3A_365 : memref<80x16xf32, #tpu.memory_space<vmem_shared>>)
          tpu.yield
        }) : () -> ()
      } else {
      }
    }
    %scan3A_16 = arith.constant 8 : i32
    %barrier3A = arith.constant 0 : index
    tpu.barrier barrier_id(%barrier3A)
    %add3A = arith.constant 0 : i32
    %add3A_17 = arith.addi %multiple_of3A, %add3A : i32
    %run_scoped3A = arith.constant 0 : i32
    "tpu.region"() ({
      %run_scoped3A_333 = tpu.sem_alloc : memref<!tpu.dma_semaphore, #tpu.memory_space<semaphore_mem>>
      %dma_start3A_334 = arith.constant 0 : i32
      %dma_start3A_335 = arith.constant 0 : i32
      %dma_start3A_336 = tpu.memref_slice %arg7[%run_scoped3A, %dma_start3A_334, %dma_start3A_335] : memref<2x2x80xi32, #tpu.memory_space<vmem>> -> memref<1x2x80xi32, #tpu.memory_space<vmem>>
      %dma_start3A_337 = tpu.memref_squeeze %dma_start3A_336 : memref<1x2x80xi32, #tpu.memory_space<vmem>> -> memref<2x80xi32, #tpu.memory_space<vmem>>
      %dma_start3A_338 = arith.constant 0 : i32
      %dma_start3A_339 = tpu.memref_slice %arg5[%dma_start3A_338, %add3A_17] : memref<2x160000xi32, #tpu.memory_space<hbm>> -> memref<2x80xi32, #tpu.memory_space<hbm>>
      %dma_start3A_340 = arith.constant 0 : i32
      %dma_start3A_341 = arith.constant 0 : i32
      %dma_start3A_342 = tpu.memref_slice %arg7[%run_scoped3A, %dma_start3A_340, %dma_start3A_341] : memref<2x2x80xi32, #tpu.memory_space<vmem>> -> memref<1x2x80xi32, #tpu.memory_space<vmem>>
      %dma_start3A_343 = tpu.memref_squeeze %dma_start3A_342 : memref<1x2x80xi32, #tpu.memory_space<vmem>> -> memref<2x80xi32, #tpu.memory_space<vmem>>
      %dma_start3A_344 = arith.constant 0 : i32
      %dma_start3A_345 = tpu.memref_slice %arg5[%dma_start3A_344, %add3A_17] : memref<2x160000xi32, #tpu.memory_space<hbm>> -> memref<2x80xi32, #tpu.memory_space<hbm>>
      tpu.enqueue_dma source(%dma_start3A_345 : memref<2x80xi32, #tpu.memory_space<hbm>>) target(%dma_start3A_343 : memref<2x80xi32, #tpu.memory_space<vmem>>) target_semaphore(%run_scoped3A_333 : memref<!tpu.dma_semaphore, #tpu.memory_space<semaphore_mem>>)
      %dma_wait3A_346 = arith.constant 0 : i32
      %dma_wait3A_347 = arith.constant 0 : i32
      %dma_wait3A_348 = tpu.memref_slice %arg7[%run_scoped3A, %dma_wait3A_346, %dma_wait3A_347] : memref<2x2x80xi32, #tpu.memory_space<vmem>> -> memref<1x2x80xi32, #tpu.memory_space<vmem>>
      %dma_wait3A_349 = tpu.memref_squeeze %dma_wait3A_348 : memref<1x2x80xi32, #tpu.memory_space<vmem>> -> memref<2x80xi32, #tpu.memory_space<vmem>>
      %dma_wait3A_350 = arith.constant 0 : i32
      %dma_wait3A_351 = tpu.memref_slice %arg5[%dma_wait3A_350, %add3A_17] : memref<2x160000xi32, #tpu.memory_space<hbm>> -> memref<2x80xi32, #tpu.memory_space<hbm>>
      %dma_wait3A_352 = arith.constant 0 : i32
      %dma_wait3A_353 = arith.constant 0 : i32
      %dma_wait3A_354 = tpu.memref_slice %arg7[%run_scoped3A, %dma_wait3A_352, %dma_wait3A_353] : memref<2x2x80xi32, #tpu.memory_space<vmem>> -> memref<1x2x80xi32, #tpu.memory_space<vmem>>
      %dma_wait3A_355 = tpu.memref_squeeze %dma_wait3A_354 : memref<1x2x80xi32, #tpu.memory_space<vmem>> -> memref<2x80xi32, #tpu.memory_space<vmem>>
      %dma_wait3A_356 = arith.constant 0 : i32
      %dma_wait3A_357 = tpu.memref_slice %arg5[%dma_wait3A_356, %add3A_17] : memref<2x160000xi32, #tpu.memory_space<hbm>> -> memref<2x80xi32, #tpu.memory_space<hbm>>
      tpu.wait_dma2 semaphore(%run_scoped3A_333 : memref<!tpu.dma_semaphore, #tpu.memory_space<semaphore_mem>>) src(%dma_wait3A_357 : memref<2x80xi32, #tpu.memory_space<hbm>>) dst(%dma_wait3A_355 : memref<2x80xi32, #tpu.memory_space<vmem>>)
      tpu.yield
    }) : () -> ()
    %dma_start3A = arith.constant 0 : i32
    %dma_start3A_18 = arith.constant 0 : i32
    %dma_start3A_19 = arith.constant 0 : i32
    %dma_start3A_20 = arith.constant 0 : i32
    %dma_start3A_21 = arith.constant 0 : i32
    %dma_start3A_22 = tpu.memref_slice %arg10[%dma_start3A_19, %dma_start3A_20, %dma_start3A_21] : memref<2x80x16xf32, #tpu.memory_space<vmem>> -> memref<1x80x16xf32, #tpu.memory_space<vmem>>
    %dma_start3A_23 = tpu.memref_squeeze %dma_start3A_22 : memref<1x80x16xf32, #tpu.memory_space<vmem>> -> memref<80x16xf32, #tpu.memory_space<vmem>>
    %dma_start3A_24 = arith.constant 0 : i32
    %dma_start3A_25 = tpu.memref_slice %arg7[%dma_start3A, %dma_start3A_18, %dma_start3A_24] : memref<2x2x80xi32, #tpu.memory_space<vmem>> -> memref<1x1x80xi32, #tpu.memory_space<vmem>>
    %dma_start3A_26 = tpu.memref_squeeze %dma_start3A_25 : memref<1x1x80xi32, #tpu.memory_space<vmem>> -> memref<80xi32, #tpu.memory_space<vmem>>
    %dma_start3A_27 = arith.constant 0 : i32
    %dma_start3A_28 = arith.constant 0 : i32
    %dma_start3A_29 = tpu.memref_slice %arg3[%dma_start3A_27, %dma_start3A_28] : memref<10000x16xf32, #tpu.memory_space<hbm>> -> memref<10000x16xf32, #tpu.memory_space<hbm>>
    tpu.enqueue_indirect_dma source(%dma_start3A_29 : memref<10000x16xf32, #tpu.memory_space<hbm>>) target(%dma_start3A_23 : memref<80x16xf32, #tpu.memory_space<vmem>>) offsets(%dma_start3A_26 : memref<80xi32, #tpu.memory_space<vmem>>) semaphore(%arg17 : memref<!tpu.dma_semaphore, #tpu.memory_space<semaphore_mem>>)
    %dma_start3A_30 = arith.constant 0 : i32
    %dma_start3A_31 = arith.constant 1 : i32
    %dma_start3A_32 = arith.constant 0 : i32
    %dma_start3A_33 = arith.constant 0 : i32
    %dma_start3A_34 = arith.constant 0 : i32
    %dma_start3A_35 = tpu.memref_slice %arg11[%dma_start3A_32, %dma_start3A_33, %dma_start3A_34] : memref<2x80x16xf32, #tpu.memory_space<vmem>> -> memref<1x80x16xf32, #tpu.memory_space<vmem>>
    %dma_start3A_36 = tpu.memref_squeeze %dma_start3A_35 : memref<1x80x16xf32, #tpu.memory_space<vmem>> -> memref<80x16xf32, #tpu.memory_space<vmem>>
    %dma_start3A_37 = arith.constant 0 : i32
    %dma_start3A_38 = tpu.memref_slice %arg7[%dma_start3A_30, %dma_start3A_31, %dma_start3A_37] : memref<2x2x80xi32, #tpu.memory_space<vmem>> -> memref<1x1x80xi32, #tpu.memory_space<vmem>>
    %dma_start3A_39 = tpu.memref_squeeze %dma_start3A_38 : memref<1x1x80xi32, #tpu.memory_space<vmem>> -> memref<80xi32, #tpu.memory_space<vmem>>
    %dma_start3A_40 = arith.constant 0 : i32
    %dma_start3A_41 = arith.constant 0 : i32
    %dma_start3A_42 = tpu.memref_slice %arg4[%dma_start3A_40, %dma_start3A_41] : memref<10000x16xf32, #tpu.memory_space<hbm>> -> memref<10000x16xf32, #tpu.memory_space<hbm>>
    tpu.enqueue_indirect_dma source(%dma_start3A_42 : memref<10000x16xf32, #tpu.memory_space<hbm>>) target(%dma_start3A_36 : memref<80x16xf32, #tpu.memory_space<vmem>>) offsets(%dma_start3A_39 : memref<80xi32, #tpu.memory_space<vmem>>) semaphore(%arg18 : memref<!tpu.dma_semaphore, #tpu.memory_space<semaphore_mem>>)
    %dma_wait3A = arith.constant 0 : i32
    %dma_wait3A_43 = arith.constant 0 : i32
    %dma_wait3A_44 = arith.constant 0 : i32
    %dma_wait3A_45 = arith.constant 0 : i32
    %dma_wait3A_46 = arith.constant 0 : i32
    %dma_wait3A_47 = tpu.memref_slice %arg10[%dma_wait3A_44, %dma_wait3A_45, %dma_wait3A_46] : memref<2x80x16xf32, #tpu.memory_space<vmem>> -> memref<1x80x16xf32, #tpu.memory_space<vmem>>
    %dma_wait3A_48 = tpu.memref_squeeze %dma_wait3A_47 : memref<1x80x16xf32, #tpu.memory_space<vmem>> -> memref<80x16xf32, #tpu.memory_space<vmem>>
    %dma_wait3A_49 = arith.constant 0 : i32
    %dma_wait3A_50 = tpu.memref_slice %arg7[%dma_wait3A, %dma_wait3A_43, %dma_wait3A_49] : memref<2x2x80xi32, #tpu.memory_space<vmem>> -> memref<1x1x80xi32, #tpu.memory_space<vmem>>
    %dma_wait3A_51 = tpu.memref_squeeze %dma_wait3A_50 : memref<1x1x80xi32, #tpu.memory_space<vmem>> -> memref<80xi32, #tpu.memory_space<vmem>>
    %dma_wait3A_52 = arith.constant 0 : i32
    %dma_wait3A_53 = arith.constant 0 : i32
    %dma_wait3A_54 = tpu.memref_slice %arg3[%dma_wait3A_52, %dma_wait3A_53] : memref<10000x16xf32, #tpu.memory_space<hbm>> -> memref<10000x16xf32, #tpu.memory_space<hbm>>
    tpu.wait_indirect_dma semaphore(%arg17 : memref<!tpu.dma_semaphore, #tpu.memory_space<semaphore_mem>>) src(%dma_wait3A_54 : memref<10000x16xf32, #tpu.memory_space<hbm>>) dst(%dma_wait3A_48 : memref<80x16xf32, #tpu.memory_space<vmem>>)
    %dma_wait3A_55 = arith.constant 0 : i32
    %dma_wait3A_56 = arith.constant 1 : i32
    %dma_wait3A_57 = arith.constant 0 : i32
    %dma_wait3A_58 = arith.constant 0 : i32
    %dma_wait3A_59 = arith.constant 0 : i32
    %dma_wait3A_60 = tpu.memref_slice %arg11[%dma_wait3A_57, %dma_wait3A_58, %dma_wait3A_59] : memref<2x80x16xf32, #tpu.memory_space<vmem>> -> memref<1x80x16xf32, #tpu.memory_space<vmem>>
    %dma_wait3A_61 = tpu.memref_squeeze %dma_wait3A_60 : memref<1x80x16xf32, #tpu.memory_space<vmem>> -> memref<80x16xf32, #tpu.memory_space<vmem>>
    %dma_wait3A_62 = arith.constant 0 : i32
    %dma_wait3A_63 = tpu.memref_slice %arg7[%dma_wait3A_55, %dma_wait3A_56, %dma_wait3A_62] : memref<2x2x80xi32, #tpu.memory_space<vmem>> -> memref<1x1x80xi32, #tpu.memory_space<vmem>>
    %dma_wait3A_64 = tpu.memref_squeeze %dma_wait3A_63 : memref<1x1x80xi32, #tpu.memory_space<vmem>> -> memref<80xi32, #tpu.memory_space<vmem>>
    %dma_wait3A_65 = arith.constant 0 : i32
    %dma_wait3A_66 = arith.constant 0 : i32
    %dma_wait3A_67 = tpu.memref_slice %arg4[%dma_wait3A_65, %dma_wait3A_66] : memref<10000x16xf32, #tpu.memory_space<hbm>> -> memref<10000x16xf32, #tpu.memory_space<hbm>>
    tpu.wait_indirect_dma semaphore(%arg18 : memref<!tpu.dma_semaphore, #tpu.memory_space<semaphore_mem>>) src(%dma_wait3A_67 : memref<10000x16xf32, #tpu.memory_space<hbm>>) dst(%dma_wait3A_61 : memref<80x16xf32, #tpu.memory_space<vmem>>)
    %add3A_68 = arith.constant 80 : i32
    %add3A_69 = arith.addi %multiple_of3A, %add3A_68 : i32
    %dma_start3A_70 = arith.constant 1 : i32
    %dma_start3A_71 = arith.constant 0 : i32
    %dma_start3A_72 = arith.constant 0 : i32
    %dma_start3A_73 = tpu.memref_slice %arg7[%dma_start3A_70, %dma_start3A_71, %dma_start3A_72] : memref<2x2x80xi32, #tpu.memory_space<vmem>> -> memref<1x2x80xi32, #tpu.memory_space<vmem>>
    %dma_start3A_74 = tpu.memref_squeeze %dma_start3A_73 : memref<1x2x80xi32, #tpu.memory_space<vmem>> -> memref<2x80xi32, #tpu.memory_space<vmem>>
    %dma_start3A_75 = arith.constant 0 : i32
    %dma_start3A_76 = tpu.memref_slice %arg5[%dma_start3A_75, %add3A_69] : memref<2x160000xi32, #tpu.memory_space<hbm>> -> memref<2x80xi32, #tpu.memory_space<hbm>>
    %dma_start3A_77 = arith.constant 0 : i32
    %dma_start3A_78 = arith.constant 0 : i32
    %dma_start3A_79 = tpu.memref_slice %arg7[%dma_start3A_70, %dma_start3A_77, %dma_start3A_78] : memref<2x2x80xi32, #tpu.memory_space<vmem>> -> memref<1x2x80xi32, #tpu.memory_space<vmem>>
    %dma_start3A_80 = tpu.memref_squeeze %dma_start3A_79 : memref<1x2x80xi32, #tpu.memory_space<vmem>> -> memref<2x80xi32, #tpu.memory_space<vmem>>
    %dma_start3A_81 = arith.constant 0 : i32
    %dma_start3A_82 = tpu.memref_slice %arg5[%dma_start3A_81, %add3A_69] : memref<2x160000xi32, #tpu.memory_space<hbm>> -> memref<2x80xi32, #tpu.memory_space<hbm>>
    tpu.enqueue_dma source(%dma_start3A_82 : memref<2x80xi32, #tpu.memory_space<hbm>>) target(%dma_start3A_80 : memref<2x80xi32, #tpu.memory_space<vmem>>) target_semaphore(%arg21 : memref<!tpu.dma_semaphore, #tpu.memory_space<semaphore_mem>>)
    %scan3A_83 = arith.constant 0 : i32
    %scan3A_84 = arith.constant 0 : i32
    %scan3A_85 = arith.constant 125 : i32
    %scan3A_86 = arith.addi %scan3A_84, %scan3A_85 : i32
    %scan3A_87 = arith.constant 1 : i32
    scf.for %scan3A_333 = %scan3A_84 to %scan3A_86 step %scan3A_87  : i32 {
      %and3A = arith.constant 1 : i32
      %and3A_334 = arith.andi %scan3A_333, %and3A : i32
      %add3A_335 = arith.constant 1 : i32
      %add3A_336 = arith.addi %scan3A_333, %add3A_335 : i32
      %min3A = arith.constant 124 : i32
      %min3A_337 = arith.minsi %add3A_336, %min3A : i32
      %add3A_338 = arith.constant 2 : i32
      %add3A_339 = arith.addi %scan3A_333, %add3A_338 : i32
      %min3A_340 = arith.constant 124 : i32
      %min3A_341 = arith.minsi %add3A_339, %min3A_340 : i32
      %sub3A = arith.constant 1 : i32
      %sub3A_342 = arith.subi %sub3A, %and3A_334 : i32
      %mul3A_343 = arith.constant 80 : i32
      %mul3A_344 = arith.muli %min3A_337, %mul3A_343 : i32
      %add3A_345 = arith.addi %multiple_of3A, %mul3A_344 : i32
      %dma_wait3A_346 = arith.constant 0 : i32
      %dma_wait3A_347 = arith.constant 0 : i32
      %dma_wait3A_348 = tpu.memref_slice %arg7[%sub3A_342, %dma_wait3A_346, %dma_wait3A_347] : memref<2x2x80xi32, #tpu.memory_space<vmem>> -> memref<1x2x80xi32, #tpu.memory_space<vmem>>
      %dma_wait3A_349 = tpu.memref_squeeze %dma_wait3A_348 : memref<1x2x80xi32, #tpu.memory_space<vmem>> -> memref<2x80xi32, #tpu.memory_space<vmem>>
      %dma_wait3A_350 = arith.constant 0 : i32
      %dma_wait3A_351 = tpu.memref_slice %arg5[%dma_wait3A_350, %add3A_345] : memref<2x160000xi32, #tpu.memory_space<hbm>> -> memref<2x80xi32, #tpu.memory_space<hbm>>
      %dma_wait3A_352 = arith.constant 0 : i32
      %dma_wait3A_353 = arith.constant 0 : i32
      %dma_wait3A_354 = tpu.memref_slice %arg7[%sub3A_342, %dma_wait3A_352, %dma_wait3A_353] : memref<2x2x80xi32, #tpu.memory_space<vmem>> -> memref<1x2x80xi32, #tpu.memory_space<vmem>>
      %dma_wait3A_355 = tpu.memref_squeeze %dma_wait3A_354 : memref<1x2x80xi32, #tpu.memory_space<vmem>> -> memref<2x80xi32, #tpu.memory_space<vmem>>
      %dma_wait3A_356 = arith.constant 0 : i32
      %dma_wait3A_357 = tpu.memref_slice %arg5[%dma_wait3A_356, %add3A_345] : memref<2x160000xi32, #tpu.memory_space<hbm>> -> memref<2x80xi32, #tpu.memory_space<hbm>>
      tpu.wait_dma2 semaphore(%arg21 : memref<!tpu.dma_semaphore, #tpu.memory_space<semaphore_mem>>) src(%dma_wait3A_357 : memref<2x80xi32, #tpu.memory_space<hbm>>) dst(%dma_wait3A_355 : memref<2x80xi32, #tpu.memory_space<vmem>>)
      %sub3A_358 = arith.constant 1 : i32
      %sub3A_359 = arith.subi %sub3A_358, %and3A_334 : i32
      %dma_start3A_360 = arith.constant 0 : i32
      %dma_start3A_361 = arith.constant 0 : i32
      %dma_start3A_362 = arith.constant 0 : i32
      %dma_start3A_363 = tpu.memref_slice %arg10[%sub3A_359, %dma_start3A_361, %dma_start3A_362] : memref<2x80x16xf32, #tpu.memory_space<vmem>> -> memref<1x80x16xf32, #tpu.memory_space<vmem>>
      %dma_start3A_364 = tpu.memref_squeeze %dma_start3A_363 : memref<1x80x16xf32, #tpu.memory_space<vmem>> -> memref<80x16xf32, #tpu.memory_space<vmem>>
      %dma_start3A_365 = arith.constant 0 : i32
      %dma_start3A_366 = tpu.memref_slice %arg7[%sub3A_359, %dma_start3A_360, %dma_start3A_365] : memref<2x2x80xi32, #tpu.memory_space<vmem>> -> memref<1x1x80xi32, #tpu.memory_space<vmem>>
      %dma_start3A_367 = tpu.memref_squeeze %dma_start3A_366 : memref<1x1x80xi32, #tpu.memory_space<vmem>> -> memref<80xi32, #tpu.memory_space<vmem>>
      %dma_start3A_368 = arith.constant 0 : i32
      %dma_start3A_369 = arith.constant 0 : i32
      %dma_start3A_370 = tpu.memref_slice %arg3[%dma_start3A_368, %dma_start3A_369] : memref<10000x16xf32, #tpu.memory_space<hbm>> -> memref<10000x16xf32, #tpu.memory_space<hbm>>
      tpu.enqueue_indirect_dma source(%dma_start3A_370 : memref<10000x16xf32, #tpu.memory_space<hbm>>) target(%dma_start3A_364 : memref<80x16xf32, #tpu.memory_space<vmem>>) offsets(%dma_start3A_367 : memref<80xi32, #tpu.memory_space<vmem>>) semaphore(%arg17 : memref<!tpu.dma_semaphore, #tpu.memory_space<semaphore_mem>>)
      %dma_start3A_371 = arith.constant 1 : i32
      %dma_start3A_372 = arith.constant 0 : i32
      %dma_start3A_373 = arith.constant 0 : i32
      %dma_start3A_374 = tpu.memref_slice %arg11[%sub3A_359, %dma_start3A_372, %dma_start3A_373] : memref<2x80x16xf32, #tpu.memory_space<vmem>> -> memref<1x80x16xf32, #tpu.memory_space<vmem>>
      %dma_start3A_375 = tpu.memref_squeeze %dma_start3A_374 : memref<1x80x16xf32, #tpu.memory_space<vmem>> -> memref<80x16xf32, #tpu.memory_space<vmem>>
      %dma_start3A_376 = arith.constant 0 : i32
      %dma_start3A_377 = tpu.memref_slice %arg7[%sub3A_359, %dma_start3A_371, %dma_start3A_376] : memref<2x2x80xi32, #tpu.memory_space<vmem>> -> memref<1x1x80xi32, #tpu.memory_space<vmem>>
      %dma_start3A_378 = tpu.memref_squeeze %dma_start3A_377 : memref<1x1x80xi32, #tpu.memory_space<vmem>> -> memref<80xi32, #tpu.memory_space<vmem>>
      %dma_start3A_379 = arith.constant 0 : i32
      %dma_start3A_380 = arith.constant 0 : i32
      %dma_start3A_381 = tpu.memref_slice %arg4[%dma_start3A_379, %dma_start3A_380] : memref<10000x16xf32, #tpu.memory_space<hbm>> -> memref<10000x16xf32, #tpu.memory_space<hbm>>
      tpu.enqueue_indirect_dma source(%dma_start3A_381 : memref<10000x16xf32, #tpu.memory_space<hbm>>) target(%dma_start3A_375 : memref<80x16xf32, #tpu.memory_space<vmem>>) offsets(%dma_start3A_378 : memref<80xi32, #tpu.memory_space<vmem>>) semaphore(%arg18 : memref<!tpu.dma_semaphore, #tpu.memory_space<semaphore_mem>>)
      %get3A_382 = arith.constant 1 : i32
      %get3A_383 = arith.index_cast %and3A_334 : i32 to index
      %get3A_384 = arith.index_cast %get3A_382 : i32 to index
      %get3A_385 = arith.constant 0 : index
      %get3A_386 = tpu.vector_load %arg7[%get3A_383, %get3A_384, %get3A_385] {strides = array<i32>} : memref<2x2x80xi32, #tpu.memory_space<vmem>>, vector<16xi32>,
      %swap3A_387 = arith.index_cast %and3A_334 : i32 to index
      %swap3A_388 = arith.constant 0 : index
      %swap3A_389 = tpu.vector_load %arg9[%swap3A_387, %swap3A_388] {strides = array<i32>} : memref<2x80xi32, #tpu.memory_space<vmem>>, vector<16xi32>,
      tpu.vector_store %arg9[%swap3A_387, %swap3A_388], %get3A_386 {strides = array<i32>} : memref<2x80xi32, #tpu.memory_space<vmem>>, vector<16xi32>,
      %get3A_390 = arith.constant 1 : i32
      %get3A_391 = arith.index_cast %and3A_334 : i32 to index
      %get3A_392 = arith.index_cast %get3A_390 : i32 to index
      %get3A_393 = arith.constant 16 : index
      %get3A_394 = tpu.vector_load %arg7[%get3A_391, %get3A_392, %get3A_393] {strides = array<i32>} : memref<2x2x80xi32, #tpu.memory_space<vmem>>, vector<16xi32>,
      %swap3A_395 = arith.index_cast %and3A_334 : i32 to index
      %swap3A_396 = arith.constant 16 : index
      %swap3A_397 = tpu.vector_load %arg9[%swap3A_395, %swap3A_396] {strides = array<i32>} : memref<2x80xi32, #tpu.memory_space<vmem>>, vector<16xi32>,
      tpu.vector_store %arg9[%swap3A_395, %swap3A_396], %get3A_394 {strides = array<i32>} : memref<2x80xi32, #tpu.memory_space<vmem>>, vector<16xi32>,
      %get3A_398 = arith.constant 1 : i32
      %get3A_399 = arith.index_cast %and3A_334 : i32 to index
      %get3A_400 = arith.index_cast %get3A_398 : i32 to index
      %get3A_401 = arith.constant 32 : index
      %get3A_402 = tpu.vector_load %arg7[%get3A_399, %get3A_400, %get3A_401] {strides = array<i32>} : memref<2x2x80xi32, #tpu.memory_space<vmem>>, vector<16xi32>,
      %swap3A_403 = arith.index_cast %and3A_334 : i32 to index
      %swap3A_404 = arith.constant 32 : index
      %swap3A_405 = tpu.vector_load %arg9[%swap3A_403, %swap3A_404] {strides = array<i32>} : memref<2x80xi32, #tpu.memory_space<vmem>>, vector<16xi32>,
      tpu.vector_store %arg9[%swap3A_403, %swap3A_404], %get3A_402 {strides = array<i32>} : memref<2x80xi32, #tpu.memory_space<vmem>>, vector<16xi32>,
      %get3A_406 = arith.constant 1 : i32
      %get3A_407 = arith.index_cast %and3A_334 : i32 to index
      %get3A_408 = arith.index_cast %get3A_406 : i32 to index
      %get3A_409 = arith.constant 48 : index
      %get3A_410 = tpu.vector_load %arg7[%get3A_407, %get3A_408, %get3A_409] {strides = array<i32>} : memref<2x2x80xi32, #tpu.memory_space<vmem>>, vector<16xi32>,
      %swap3A_411 = arith.index_cast %and3A_334 : i32 to index
      %swap3A_412 = arith.constant 48 : index
      %swap3A_413 = tpu.vector_load %arg9[%swap3A_411, %swap3A_412] {strides = array<i32>} : memref<2x80xi32, #tpu.memory_space<vmem>>, vector<16xi32>,
      tpu.vector_store %arg9[%swap3A_411, %swap3A_412], %get3A_410 {strides = array<i32>} : memref<2x80xi32, #tpu.memory_space<vmem>>, vector<16xi32>,
      %get3A_414 = arith.constant 1 : i32
      %get3A_415 = arith.index_cast %and3A_334 : i32 to index
      %get3A_416 = arith.index_cast %get3A_414 : i32 to index
      %get3A_417 = arith.constant 64 : index
      %get3A_418 = tpu.vector_load %arg7[%get3A_415, %get3A_416, %get3A_417] {strides = array<i32>} : memref<2x2x80xi32, #tpu.memory_space<vmem>>, vector<16xi32>,
      %swap3A_419 = arith.index_cast %and3A_334 : i32 to index
      %swap3A_420 = arith.constant 64 : index
      %swap3A_421 = tpu.vector_load %arg9[%swap3A_419, %swap3A_420] {strides = array<i32>} : memref<2x80xi32, #tpu.memory_space<vmem>>, vector<16xi32>,
      tpu.vector_store %arg9[%swap3A_419, %swap3A_420], %get3A_418 {strides = array<i32>} : memref<2x80xi32, #tpu.memory_space<vmem>>, vector<16xi32>,
      %parallel_loop3A = arith.constant 0 : i32
      %parallel_loop3A_422 = arith.constant 80 : i32
      %parallel_loop3A_423 = arith.constant 1 : i32
      scf.for %parallel_loop3A_473 = %parallel_loop3A to %parallel_loop3A_422 step %parallel_loop3A_423  : i32 {
        %parallel_loop3A_474 = arith.index_cast %and3A_334 : i32 to index
        %parallel_loop3A_475 = arith.index_cast %parallel_loop3A_473 : i32 to index
        %parallel_loop3A_476 = arith.constant 0 : index
        %parallel_loop3A_477 = tpu.vector_load %arg10[%parallel_loop3A_474, %parallel_loop3A_475, %parallel_loop3A_476] {strides = array<i32>} : memref<2x80x16xf32, #tpu.memory_space<vmem>>, vector<16xf32>,
        %parallel_loop3A_478 = arith.index_cast %and3A_334 : i32 to index
        %parallel_loop3A_479 = arith.index_cast %parallel_loop3A_473 : i32 to index
        %parallel_loop3A_480 = arith.constant 0 : index
        %parallel_loop3A_481 = tpu.vector_load %arg11[%parallel_loop3A_478, %parallel_loop3A_479, %parallel_loop3A_480] {strides = array<i32>} : memref<2x80x16xf32, #tpu.memory_space<vmem>>, vector<16xf32>,
        %parallel_loop3A_482 = arith.addf %parallel_loop3A_477, %parallel_loop3A_481 : vector<16xf32>
        %parallel_loop3A_483 = arith.constant 2.000000e-01 : f32
        %parallel_loop3A_484 = vector.broadcast %parallel_loop3A_483 : f32 to vector<16xf32>
        %parallel_loop3A_485 = arith.mulf %parallel_loop3A_484, %parallel_loop3A_482 : vector<16xf32>
        %parallel_loop3A_486 = arith.maximumf %parallel_loop3A_482, %parallel_loop3A_485 : vector<16xf32>
        %parallel_loop3A_487 = math.exp %parallel_loop3A_486 : vector<16xf32>
        %parallel_loop3A_488 = arith.constant 0.000000e+00 : f32
        %parallel_loop3A_489 = vector.broadcast %parallel_loop3A_488 : f32 to vector<16xf32>
        %parallel_loop3A_490 = arith.select %lt3A_1, %parallel_loop3A_487, %parallel_loop3A_489 : vector<16xi1>, vector<16xf32>
        %parallel_loop3A_491 = arith.index_cast %and3A_334 : i32 to index
        %parallel_loop3A_492 = arith.index_cast %parallel_loop3A_473 : i32 to index
        %parallel_loop3A_493 = arith.constant 0 : index
        %parallel_loop3A_494 = tpu.vector_load %arg13[%parallel_loop3A_491, %parallel_loop3A_492, %parallel_loop3A_493] {strides = array<i32>} : memref<2x80x16xf32, #tpu.memory_space<vmem>>, vector<16xf32>,
        tpu.vector_store %arg13[%parallel_loop3A_491, %parallel_loop3A_492, %parallel_loop3A_493], %parallel_loop3A_490 {strides = array<i32>} : memref<2x80x16xf32, #tpu.memory_space<vmem>>, vector<16xf32>,
      } {sc.loop_unroll_factor = 4 : i64, sc.parallel_access}
      %gt3A = arith.constant 0 : i32
      %gt3A_424 = arith.cmpi sgt, %scan3A_333, %gt3A : i32
      %convert_element_type3A = arith.extui %gt3A_424 : i1 to i32
      %cond3A = arith.constant 0 : i32
      %cond3A_425 = arith.cmpi ne, %convert_element_type3A, %cond3A : i32
      scf.if %cond3A_425 {
        %sub3A_473 = arith.constant 1 : i32
        %sub3A_474 = arith.subi %sub3A_473, %and3A_334 : i32
        %sub3A_475 = arith.constant 1 : i32
        %sub3A_476 = arith.subi %sub3A_475, %and3A_334 : i32
        %dma_wait3A_477 = arith.constant 0 : i32
        %dma_wait3A_478 = arith.constant 0 : i32
        %dma_wait3A_479 = tpu.memref_slice %arg13[%sub3A_474, %dma_wait3A_477, %dma_wait3A_478] : memref<2x80x16xf32, #tpu.memory_space<vmem>> -> memref<1x80x16xf32, #tpu.memory_space<vmem>>
        %dma_wait3A_480 = tpu.memref_squeeze %dma_wait3A_479 : memref<1x80x16xf32, #tpu.memory_space<vmem>> -> memref<80x16xf32, #tpu.memory_space<vmem>>
        %dma_wait3A_481 = arith.constant 0 : i32
        %dma_wait3A_482 = tpu.memref_slice %arg9[%sub3A_476, %dma_wait3A_481] : memref<2x80xi32, #tpu.memory_space<vmem>> -> memref<1x80xi32, #tpu.memory_space<vmem>>
        %dma_wait3A_483 = tpu.memref_squeeze %dma_wait3A_482 : memref<1x80xi32, #tpu.memory_space<vmem>> -> memref<80xi32, #tpu.memory_space<vmem>>
        %dma_wait3A_484 = arith.constant 0 : i32
        %dma_wait3A_485 = arith.constant 0 : i32
        %dma_wait3A_486 = tpu.memref_slice %arg23[%dma_wait3A_484, %dma_wait3A_485] : memref<10000x16xf32, #tpu.memory_space<vmem_shared>> -> memref<10000x16xf32, #tpu.memory_space<vmem_shared>>
        tpu.wait_indirect_dma semaphore(%arg22 : memref<!tpu.dma_semaphore, #tpu.memory_space<semaphore_mem>>) src(%dma_wait3A_480 : memref<80x16xf32, #tpu.memory_space<vmem>>) dst(%dma_wait3A_486 : memref<10000x16xf32, #tpu.memory_space<vmem_shared>>)
      } else {
      }
      %dma_start3A_426 = arith.constant 0 : i32
      %dma_start3A_427 = arith.constant 0 : i32
      %dma_start3A_428 = tpu.memref_slice %arg13[%and3A_334, %dma_start3A_426, %dma_start3A_427] : memref<2x80x16xf32, #tpu.memory_space<vmem>> -> memref<1x80x16xf32, #tpu.memory_space<vmem>>
      %dma_start3A_429 = tpu.memref_squeeze %dma_start3A_428 : memref<1x80x16xf32, #tpu.memory_space<vmem>> -> memref<80x16xf32, #tpu.memory_space<vmem>>
      %dma_start3A_430 = arith.constant 0 : i32
      %dma_start3A_431 = tpu.memref_slice %arg9[%and3A_334, %dma_start3A_430] : memref<2x80xi32, #tpu.memory_space<vmem>> -> memref<1x80xi32, #tpu.memory_space<vmem>>
      %dma_start3A_432 = tpu.memref_squeeze %dma_start3A_431 : memref<1x80xi32, #tpu.memory_space<vmem>> -> memref<80xi32, #tpu.memory_space<vmem>>
      %dma_start3A_433 = arith.constant 0 : i32
      %dma_start3A_434 = arith.constant 0 : i32
      %dma_start3A_435 = tpu.memref_slice %arg23[%dma_start3A_433, %dma_start3A_434] : memref<10000x16xf32, #tpu.memory_space<vmem_shared>> -> memref<10000x16xf32, #tpu.memory_space<vmem_shared>>
      tpu.enqueue_indirect_dma source(%dma_start3A_429 : memref<80x16xf32, #tpu.memory_space<vmem>>) target(%dma_start3A_435 : memref<10000x16xf32, #tpu.memory_space<vmem_shared>>) offsets(%dma_start3A_432 : memref<80xi32, #tpu.memory_space<vmem>>) semaphore(%arg22 : memref<!tpu.dma_semaphore, #tpu.memory_space<semaphore_mem>>) {add = true}
      %mul3A_436 = arith.constant 80 : i32
      %mul3A_437 = arith.muli %min3A_341, %mul3A_436 : i32
      %add3A_438 = arith.addi %multiple_of3A, %mul3A_437 : i32
      %dma_start3A_439 = arith.constant 0 : i32
      %dma_start3A_440 = arith.constant 0 : i32
      %dma_start3A_441 = tpu.memref_slice %arg7[%and3A_334, %dma_start3A_439, %dma_start3A_440] : memref<2x2x80xi32, #tpu.memory_space<vmem>> -> memref<1x2x80xi32, #tpu.memory_space<vmem>>
      %dma_start3A_442 = tpu.memref_squeeze %dma_start3A_441 : memref<1x2x80xi32, #tpu.memory_space<vmem>> -> memref<2x80xi32, #tpu.memory_space<vmem>>
      %dma_start3A_443 = arith.constant 0 : i32
      %dma_start3A_444 = tpu.memref_slice %arg5[%dma_start3A_443, %add3A_438] : memref<2x160000xi32, #tpu.memory_space<hbm>> -> memref<2x80xi32, #tpu.memory_space<hbm>>
      %dma_start3A_445 = arith.constant 0 : i32
      %dma_start3A_446 = arith.constant 0 : i32
      %dma_start3A_447 = tpu.memref_slice %arg7[%and3A_334, %dma_start3A_445, %dma_start3A_446] : memref<2x2x80xi32, #tpu.memory_space<vmem>> -> memref<1x2x80xi32, #tpu.memory_space<vmem>>
      %dma_start3A_448 = tpu.memref_squeeze %dma_start3A_447 : memref<1x2x80xi32, #tpu.memory_space<vmem>> -> memref<2x80xi32, #tpu.memory_space<vmem>>
      %dma_start3A_449 = arith.constant 0 : i32
      %dma_start3A_450 = tpu.memref_slice %arg5[%dma_start3A_449, %add3A_438] : memref<2x160000xi32, #tpu.memory_space<hbm>> -> memref<2x80xi32, #tpu.memory_space<hbm>>
      tpu.enqueue_dma source(%dma_start3A_450 : memref<2x80xi32, #tpu.memory_space<hbm>>) target(%dma_start3A_448 : memref<2x80xi32, #tpu.memory_space<vmem>>) target_semaphore(%arg21 : memref<!tpu.dma_semaphore, #tpu.memory_space<semaphore_mem>>)
      %dma_wait3A_451 = arith.constant 0 : i32
      %dma_wait3A_452 = arith.constant 0 : i32
      %dma_wait3A_453 = arith.constant 0 : i32
      %dma_wait3A_454 = tpu.memref_slice %arg10[%sub3A_359, %dma_wait3A_452, %dma_wait3A_453] : memref<2x80x16xf32, #tpu.memory_space<vmem>> -> memref<1x80x16xf32, #tpu.memory_space<vmem>>
      %dma_wait3A_455 = tpu.memref_squeeze %dma_wait3A_454 : memref<1x80x16xf32, #tpu.memory_space<vmem>> -> memref<80x16xf32, #tpu.memory_space<vmem>>
      %dma_wait3A_456 = arith.constant 0 : i32
      %dma_wait3A_457 = tpu.memref_slice %arg7[%sub3A_359, %dma_wait3A_451, %dma_wait3A_456] : memref<2x2x80xi32, #tpu.memory_space<vmem>> -> memref<1x1x80xi32, #tpu.memory_space<vmem>>
      %dma_wait3A_458 = tpu.memref_squeeze %dma_wait3A_457 : memref<1x1x80xi32, #tpu.memory_space<vmem>> -> memref<80xi32, #tpu.memory_space<vmem>>
      %dma_wait3A_459 = arith.constant 0 : i32
      %dma_wait3A_460 = arith.constant 0 : i32
      %dma_wait3A_461 = tpu.memref_slice %arg3[%dma_wait3A_459, %dma_wait3A_460] : memref<10000x16xf32, #tpu.memory_space<hbm>> -> memref<10000x16xf32, #tpu.memory_space<hbm>>
      tpu.wait_indirect_dma semaphore(%arg17 : memref<!tpu.dma_semaphore, #tpu.memory_space<semaphore_mem>>) src(%dma_wait3A_461 : memref<10000x16xf32, #tpu.memory_space<hbm>>) dst(%dma_wait3A_455 : memref<80x16xf32, #tpu.memory_space<vmem>>)
      %dma_wait3A_462 = arith.constant 1 : i32
      %dma_wait3A_463 = arith.constant 0 : i32
      %dma_wait3A_464 = arith.constant 0 : i32
      %dma_wait3A_465 = tpu.memref_slice %arg11[%sub3A_359, %dma_wait3A_463, %dma_wait3A_464] : memref<2x80x16xf32, #tpu.memory_space<vmem>> -> memref<1x80x16xf32, #tpu.memory_space<vmem>>
      %dma_wait3A_466 = tpu.memref_squeeze %dma_wait3A_465 : memref<1x80x16xf32, #tpu.memory_space<vmem>> -> memref<80x16xf32, #tpu.memory_space<vmem>>
      %dma_wait3A_467 = arith.constant 0 : i32
      %dma_wait3A_468 = tpu.memref_slice %arg7[%sub3A_359, %dma_wait3A_462, %dma_wait3A_467] : memref<2x2x80xi32, #tpu.memory_space<vmem>> -> memref<1x1x80xi32, #tpu.memory_space<vmem>>
      %dma_wait3A_469 = tpu.memref_squeeze %dma_wait3A_468 : memref<1x1x80xi32, #tpu.memory_space<vmem>> -> memref<80xi32, #tpu.memory_space<vmem>>
      %dma_wait3A_470 = arith.constant 0 : i32
      %dma_wait3A_471 = arith.constant 0 : i32
      %dma_wait3A_472 = tpu.memref_slice %arg4[%dma_wait3A_470, %dma_wait3A_471] : memref<10000x16xf32, #tpu.memory_space<hbm>> -> memref<10000x16xf32, #tpu.memory_space<hbm>>
      tpu.wait_indirect_dma semaphore(%arg18 : memref<!tpu.dma_semaphore, #tpu.memory_space<semaphore_mem>>) src(%dma_wait3A_472 : memref<10000x16xf32, #tpu.memory_space<hbm>>) dst(%dma_wait3A_466 : memref<80x16xf32, #tpu.memory_space<vmem>>)
    }
    %scan3A_88 = arith.constant 125 : i32
    %add3A_89 = arith.constant 9920 : i32
    %add3A_90 = arith.addi %multiple_of3A, %add3A_89 : i32
    %dma_wait3A_91 = arith.constant 0 : i32
    %dma_wait3A_92 = arith.constant 0 : i32
    %dma_wait3A_93 = arith.constant 0 : i32
    %dma_wait3A_94 = tpu.memref_slice %arg7[%dma_wait3A_91, %dma_wait3A_92, %dma_wait3A_93] : memref<2x2x80xi32, #tpu.memory_space<vmem>> -> memref<1x2x80xi32, #tpu.memory_space<vmem>>
    %dma_wait3A_95 = tpu.memref_squeeze %dma_wait3A_94 : memref<1x2x80xi32, #tpu.memory_space<vmem>> -> memref<2x80xi32, #tpu.memory_space<vmem>>
    %dma_wait3A_96 = arith.constant 0 : i32
    %dma_wait3A_97 = tpu.memref_slice %arg5[%dma_wait3A_96, %add3A_90] : memref<2x160000xi32, #tpu.memory_space<hbm>> -> memref<2x80xi32, #tpu.memory_space<hbm>>
    %dma_wait3A_98 = arith.constant 0 : i32
    %dma_wait3A_99 = arith.constant 0 : i32
    %dma_wait3A_100 = tpu.memref_slice %arg7[%dma_wait3A_91, %dma_wait3A_98, %dma_wait3A_99] : memref<2x2x80xi32, #tpu.memory_space<vmem>> -> memref<1x2x80xi32, #tpu.memory_space<vmem>>
    %dma_wait3A_101 = tpu.memref_squeeze %dma_wait3A_100 : memref<1x2x80xi32, #tpu.memory_space<vmem>> -> memref<2x80xi32, #tpu.memory_space<vmem>>
    %dma_wait3A_102 = arith.constant 0 : i32
    %dma_wait3A_103 = tpu.memref_slice %arg5[%dma_wait3A_102, %add3A_90] : memref<2x160000xi32, #tpu.memory_space<hbm>> -> memref<2x80xi32, #tpu.memory_space<hbm>>
    tpu.wait_dma2 semaphore(%arg21 : memref<!tpu.dma_semaphore, #tpu.memory_space<semaphore_mem>>) src(%dma_wait3A_103 : memref<2x80xi32, #tpu.memory_space<hbm>>) dst(%dma_wait3A_101 : memref<2x80xi32, #tpu.memory_space<vmem>>)
    %dma_wait3A_104 = arith.constant 0 : i32
    %dma_wait3A_105 = arith.constant 0 : i32
    %dma_wait3A_106 = arith.constant 0 : i32
    %dma_wait3A_107 = arith.constant 0 : i32
    %dma_wait3A_108 = tpu.memref_slice %arg13[%dma_wait3A_104, %dma_wait3A_106, %dma_wait3A_107] : memref<2x80x16xf32, #tpu.memory_space<vmem>> -> memref<1x80x16xf32, #tpu.memory_space<vmem>>
    %dma_wait3A_109 = tpu.memref_squeeze %dma_wait3A_108 : memref<1x80x16xf32, #tpu.memory_space<vmem>> -> memref<80x16xf32, #tpu.memory_space<vmem>>
    %dma_wait3A_110 = arith.constant 0 : i32
    %dma_wait3A_111 = tpu.memref_slice %arg9[%dma_wait3A_105, %dma_wait3A_110] : memref<2x80xi32, #tpu.memory_space<vmem>> -> memref<1x80xi32, #tpu.memory_space<vmem>>
    %dma_wait3A_112 = tpu.memref_squeeze %dma_wait3A_111 : memref<1x80xi32, #tpu.memory_space<vmem>> -> memref<80xi32, #tpu.memory_space<vmem>>
    %dma_wait3A_113 = arith.constant 0 : i32
    %dma_wait3A_114 = arith.constant 0 : i32
    %dma_wait3A_115 = tpu.memref_slice %arg23[%dma_wait3A_113, %dma_wait3A_114] : memref<10000x16xf32, #tpu.memory_space<vmem_shared>> -> memref<10000x16xf32, #tpu.memory_space<vmem_shared>>
    tpu.wait_indirect_dma semaphore(%arg22 : memref<!tpu.dma_semaphore, #tpu.memory_space<semaphore_mem>>) src(%dma_wait3A_109 : memref<80x16xf32, #tpu.memory_space<vmem>>) dst(%dma_wait3A_115 : memref<10000x16xf32, #tpu.memory_space<vmem_shared>>)
    %barrier3A_116 = arith.constant 0 : index
    tpu.barrier barrier_id(%barrier3A_116)
    %scan3A_117 = arith.constant 0 : i32
    %scan3A_118 = arith.constant 0 : i32
    %scan3A_119 = arith.constant 8 : i32
    %scan3A_120 = arith.addi %scan3A_118, %scan3A_119 : i32
    %scan3A_121 = arith.constant 1 : i32
    scf.for %scan3A_333 = %scan3A_118 to %scan3A_120 step %scan3A_121  : i32 {
      %mul3A_334 = arith.constant 16 : i32
      %mul3A_335 = arith.muli %scan3A_333, %mul3A_334 : i32
      %add3A_336 = arith.addi %arg1, %mul3A_335 : i32
      %lt3A_337 = arith.constant 125 : i32
      %lt3A_338 = arith.cmpi slt, %add3A_336, %lt3A_337 : i32
      %convert_element_type3A = arith.extui %lt3A_338 : i1 to i32
      %cond3A = arith.constant 0 : i32
      %cond3A_339 = arith.cmpi ne, %convert_element_type3A, %cond3A : i32
      scf.if %cond3A_339 {
        %mul3A_340 = arith.constant 80 : i32
        %mul3A_341 = arith.muli %add3A_336, %mul3A_340 : i32
        %multiple_of3A_342 = tpu.assume_multiple %mul3A_341, 8 : i32
        %run_scoped3A_343 = arith.constant 0 : i32
        "tpu.region"() ({
          %run_scoped3A_347 = tpu.sem_alloc : memref<!tpu.dma_semaphore, #tpu.memory_space<semaphore_mem>>
          %dma_start3A_348 = arith.constant 0 : i32
          %dma_start3A_349 = arith.constant 0 : i32
          %dma_start3A_350 = tpu.memref_slice %arg13[%run_scoped3A_343, %dma_start3A_348, %dma_start3A_349] : memref<2x80x16xf32, #tpu.memory_space<vmem>> -> memref<1x80x16xf32, #tpu.memory_space<vmem>>
          %dma_start3A_351 = tpu.memref_squeeze %dma_start3A_350 : memref<1x80x16xf32, #tpu.memory_space<vmem>> -> memref<80x16xf32, #tpu.memory_space<vmem>>
          %dma_start3A_352 = arith.constant 0 : i32
          %dma_start3A_353 = tpu.memref_slice %arg23[%multiple_of3A_342, %dma_start3A_352] : memref<10000x16xf32, #tpu.memory_space<vmem_shared>> -> memref<80x16xf32, #tpu.memory_space<vmem_shared>>
          %dma_start3A_354 = arith.constant 0 : i32
          %dma_start3A_355 = arith.constant 0 : i32
          %dma_start3A_356 = tpu.memref_slice %arg13[%run_scoped3A_343, %dma_start3A_354, %dma_start3A_355] : memref<2x80x16xf32, #tpu.memory_space<vmem>> -> memref<1x80x16xf32, #tpu.memory_space<vmem>>
          %dma_start3A_357 = tpu.memref_squeeze %dma_start3A_356 : memref<1x80x16xf32, #tpu.memory_space<vmem>> -> memref<80x16xf32, #tpu.memory_space<vmem>>
          %dma_start3A_358 = arith.constant 0 : i32
          %dma_start3A_359 = tpu.memref_slice %arg23[%multiple_of3A_342, %dma_start3A_358] : memref<10000x16xf32, #tpu.memory_space<vmem_shared>> -> memref<80x16xf32, #tpu.memory_space<vmem_shared>>
          tpu.enqueue_dma source(%dma_start3A_359 : memref<80x16xf32, #tpu.memory_space<vmem_shared>>) target(%dma_start3A_357 : memref<80x16xf32, #tpu.memory_space<vmem>>) target_semaphore(%run_scoped3A_347 : memref<!tpu.dma_semaphore, #tpu.memory_space<semaphore_mem>>)
          %dma_wait3A_360 = arith.constant 0 : i32
          %dma_wait3A_361 = arith.constant 0 : i32
          %dma_wait3A_362 = tpu.memref_slice %arg13[%run_scoped3A_343, %dma_wait3A_360, %dma_wait3A_361] : memref<2x80x16xf32, #tpu.memory_space<vmem>> -> memref<1x80x16xf32, #tpu.memory_space<vmem>>
          %dma_wait3A_363 = tpu.memref_squeeze %dma_wait3A_362 : memref<1x80x16xf32, #tpu.memory_space<vmem>> -> memref<80x16xf32, #tpu.memory_space<vmem>>
          %dma_wait3A_364 = arith.constant 0 : i32
          %dma_wait3A_365 = tpu.memref_slice %arg23[%multiple_of3A_342, %dma_wait3A_364] : memref<10000x16xf32, #tpu.memory_space<vmem_shared>> -> memref<80x16xf32, #tpu.memory_space<vmem_shared>>
          %dma_wait3A_366 = arith.constant 0 : i32
          %dma_wait3A_367 = arith.constant 0 : i32
          %dma_wait3A_368 = tpu.memref_slice %arg13[%run_scoped3A_343, %dma_wait3A_366, %dma_wait3A_367] : memref<2x80x16xf32, #tpu.memory_space<vmem>> -> memref<1x80x16xf32, #tpu.memory_space<vmem>>
          %dma_wait3A_369 = tpu.memref_squeeze %dma_wait3A_368 : memref<1x80x16xf32, #tpu.memory_space<vmem>> -> memref<80x16xf32, #tpu.memory_space<vmem>>
          %dma_wait3A_370 = arith.constant 0 : i32
          %dma_wait3A_371 = tpu.memref_slice %arg23[%multiple_of3A_342, %dma_wait3A_370] : memref<10000x16xf32, #tpu.memory_space<vmem_shared>> -> memref<80x16xf32, #tpu.memory_space<vmem_shared>>
          tpu.wait_dma2 semaphore(%run_scoped3A_347 : memref<!tpu.dma_semaphore, #tpu.memory_space<semaphore_mem>>) src(%dma_wait3A_371 : memref<80x16xf32, #tpu.memory_space<vmem_shared>>) dst(%dma_wait3A_369 : memref<80x16xf32, #tpu.memory_space<vmem>>)
          tpu.yield
        }) : () -> ()
        %parallel_loop3A = arith.constant 0 : i32
        %parallel_loop3A_344 = arith.constant 80 : i32
        %parallel_loop3A_345 = arith.constant 1 : i32
        scf.for %parallel_loop3A_347 = %parallel_loop3A to %parallel_loop3A_344 step %parallel_loop3A_345  : i32 {
          %parallel_loop3A_348 = arith.constant 0 : i32
          %parallel_loop3A_349 = arith.index_cast %parallel_loop3A_348 : i32 to index
          %parallel_loop3A_350 = arith.index_cast %parallel_loop3A_347 : i32 to index
          %parallel_loop3A_351 = arith.constant 0 : index
          %parallel_loop3A_352 = tpu.vector_load %arg13[%parallel_loop3A_349, %parallel_loop3A_350, %parallel_loop3A_351] {strides = array<i32>} : memref<2x80x16xf32, #tpu.memory_space<vmem>>, vector<16xf32>,
          %parallel_loop3A_353 = arith.constant 2.000000e-09 : f32
          %parallel_loop3A_354 = vector.broadcast %parallel_loop3A_353 : f32 to vector<16xf32>
          %parallel_loop3A_355 = arith.addf %parallel_loop3A_352, %parallel_loop3A_354 : vector<16xf32>
          %parallel_loop3A_356 = arith.constant 1.000000e+00 : f32
          %parallel_loop3A_357 = vector.broadcast %parallel_loop3A_356 : f32 to vector<16xf32>
          %parallel_loop3A_358 = arith.divf %parallel_loop3A_357, %parallel_loop3A_355 : vector<16xf32>
          %parallel_loop3A_359 = arith.constant 0 : i32
          %parallel_loop3A_360 = arith.index_cast %parallel_loop3A_359 : i32 to index
          %parallel_loop3A_361 = arith.index_cast %parallel_loop3A_347 : i32 to index
          %parallel_loop3A_362 = arith.constant 0 : index
          %parallel_loop3A_363 = tpu.vector_load %arg13[%parallel_loop3A_360, %parallel_loop3A_361, %parallel_loop3A_362] {strides = array<i32>} : memref<2x80x16xf32, #tpu.memory_space<vmem>>, vector<16xf32>,
          tpu.vector_store %arg13[%parallel_loop3A_360, %parallel_loop3A_361, %parallel_loop3A_362], %parallel_loop3A_358 {strides = array<i32>} : memref<2x80x16xf32, #tpu.memory_space<vmem>>, vector<16xf32>,
        } {sc.loop_unroll_factor = 4 : i64, sc.parallel_access}
        %run_scoped3A_346 = arith.constant 0 : i32
        "tpu.region"() ({
          %run_scoped3A_347 = tpu.sem_alloc : memref<!tpu.dma_semaphore, #tpu.memory_space<semaphore_mem>>
          %dma_start3A_348 = arith.constant 0 : i32
          %dma_start3A_349 = arith.constant 0 : i32
          %dma_start3A_350 = tpu.memref_slice %arg13[%run_scoped3A_346, %dma_start3A_348, %dma_start3A_349] : memref<2x80x16xf32, #tpu.memory_space<vmem>> -> memref<1x80x16xf32, #tpu.memory_space<vmem>>
          %dma_start3A_351 = tpu.memref_squeeze %dma_start3A_350 : memref<1x80x16xf32, #tpu.memory_space<vmem>> -> memref<80x16xf32, #tpu.memory_space<vmem>>
          %dma_start3A_352 = arith.constant 0 : i32
          %dma_start3A_353 = tpu.memref_slice %arg23[%multiple_of3A_342, %dma_start3A_352] : memref<10000x16xf32, #tpu.memory_space<vmem_shared>> -> memref<80x16xf32, #tpu.memory_space<vmem_shared>>
          %dma_start3A_354 = arith.constant 0 : i32
          %dma_start3A_355 = tpu.memref_slice %arg23[%multiple_of3A_342, %dma_start3A_354] : memref<10000x16xf32, #tpu.memory_space<vmem_shared>> -> memref<80x16xf32, #tpu.memory_space<vmem_shared>>
          %dma_start3A_356 = arith.constant 0 : i32
          %dma_start3A_357 = arith.constant 0 : i32
          %dma_start3A_358 = tpu.memref_slice %arg13[%run_scoped3A_346, %dma_start3A_356, %dma_start3A_357] : memref<2x80x16xf32, #tpu.memory_space<vmem>> -> memref<1x80x16xf32, #tpu.memory_space<vmem>>
          %dma_start3A_359 = tpu.memref_squeeze %dma_start3A_358 : memref<1x80x16xf32, #tpu.memory_space<vmem>> -> memref<80x16xf32, #tpu.memory_space<vmem>>
          tpu.enqueue_dma source(%dma_start3A_359 : memref<80x16xf32, #tpu.memory_space<vmem>>) target(%dma_start3A_355 : memref<80x16xf32, #tpu.memory_space<vmem_shared>>) target_semaphore(%run_scoped3A_347 : memref<!tpu.dma_semaphore, #tpu.memory_space<semaphore_mem>>)
          %dma_wait3A_360 = arith.constant 0 : i32
          %dma_wait3A_361 = arith.constant 0 : i32
          %dma_wait3A_362 = tpu.memref_slice %arg13[%run_scoped3A_346, %dma_wait3A_360, %dma_wait3A_361] : memref<2x80x16xf32, #tpu.memory_space<vmem>> -> memref<1x80x16xf32, #tpu.memory_space<vmem>>
          %dma_wait3A_363 = tpu.memref_squeeze %dma_wait3A_362 : memref<1x80x16xf32, #tpu.memory_space<vmem>> -> memref<80x16xf32, #tpu.memory_space<vmem>>
          %dma_wait3A_364 = arith.constant 0 : i32
          %dma_wait3A_365 = tpu.memref_slice %arg23[%multiple_of3A_342, %dma_wait3A_364] : memref<10000x16xf32, #tpu.memory_space<vmem_shared>> -> memref<80x16xf32, #tpu.memory_space<vmem_shared>>
          %dma_wait3A_366 = arith.constant 0 : i32
          %dma_wait3A_367 = tpu.memref_slice %arg23[%multiple_of3A_342, %dma_wait3A_366] : memref<10000x16xf32, #tpu.memory_space<vmem_shared>> -> memref<80x16xf32, #tpu.memory_space<vmem_shared>>
          %dma_wait3A_368 = arith.constant 0 : i32
          %dma_wait3A_369 = arith.constant 0 : i32
          %dma_wait3A_370 = tpu.memref_slice %arg13[%run_scoped3A_346, %dma_wait3A_368, %dma_wait3A_369] : memref<2x80x16xf32, #tpu.memory_space<vmem>> -> memref<1x80x16xf32, #tpu.memory_space<vmem>>
          %dma_wait3A_371 = tpu.memref_squeeze %dma_wait3A_370 : memref<1x80x16xf32, #tpu.memory_space<vmem>> -> memref<80x16xf32, #tpu.memory_space<vmem>>
          tpu.wait_dma2 semaphore(%run_scoped3A_347 : memref<!tpu.dma_semaphore, #tpu.memory_space<semaphore_mem>>) src(%dma_wait3A_371 : memref<80x16xf32, #tpu.memory_space<vmem>>) dst(%dma_wait3A_367 : memref<80x16xf32, #tpu.memory_space<vmem_shared>>)
          tpu.yield
        }) : () -> ()
      } else {
      }
    }
    %scan3A_122 = arith.constant 8 : i32
    %barrier3A_123 = arith.constant 0 : index
    tpu.barrier barrier_id(%barrier3A_123)
    %add3A_124 = arith.constant 0 : i32
    %add3A_125 = arith.addi %multiple_of3A, %add3A_124 : i32
    %run_scoped3A_126 = arith.constant 0 : i32
    "tpu.region"() ({
      %run_scoped3A_333 = tpu.sem_alloc : memref<!tpu.dma_semaphore, #tpu.memory_space<semaphore_mem>>
      %dma_start3A_334 = arith.constant 0 : i32
      %dma_start3A_335 = arith.constant 0 : i32
      %dma_start3A_336 = tpu.memref_slice %arg7[%run_scoped3A_126, %dma_start3A_334, %dma_start3A_335] : memref<2x2x80xi32, #tpu.memory_space<vmem>> -> memref<1x2x80xi32, #tpu.memory_space<vmem>>
      %dma_start3A_337 = tpu.memref_squeeze %dma_start3A_336 : memref<1x2x80xi32, #tpu.memory_space<vmem>> -> memref<2x80xi32, #tpu.memory_space<vmem>>
      %dma_start3A_338 = arith.constant 0 : i32
      %dma_start3A_339 = tpu.memref_slice %arg5[%dma_start3A_338, %add3A_125] : memref<2x160000xi32, #tpu.memory_space<hbm>> -> memref<2x80xi32, #tpu.memory_space<hbm>>
      %dma_start3A_340 = arith.constant 0 : i32
      %dma_start3A_341 = arith.constant 0 : i32
      %dma_start3A_342 = tpu.memref_slice %arg7[%run_scoped3A_126, %dma_start3A_340, %dma_start3A_341] : memref<2x2x80xi32, #tpu.memory_space<vmem>> -> memref<1x2x80xi32, #tpu.memory_space<vmem>>
      %dma_start3A_343 = tpu.memref_squeeze %dma_start3A_342 : memref<1x2x80xi32, #tpu.memory_space<vmem>> -> memref<2x80xi32, #tpu.memory_space<vmem>>
      %dma_start3A_344 = arith.constant 0 : i32
      %dma_start3A_345 = tpu.memref_slice %arg5[%dma_start3A_344, %add3A_125] : memref<2x160000xi32, #tpu.memory_space<hbm>> -> memref<2x80xi32, #tpu.memory_space<hbm>>
      tpu.enqueue_dma source(%dma_start3A_345 : memref<2x80xi32, #tpu.memory_space<hbm>>) target(%dma_start3A_343 : memref<2x80xi32, #tpu.memory_space<vmem>>) target_semaphore(%run_scoped3A_333 : memref<!tpu.dma_semaphore, #tpu.memory_space<semaphore_mem>>)
      %dma_wait3A_346 = arith.constant 0 : i32
      %dma_wait3A_347 = arith.constant 0 : i32
      %dma_wait3A_348 = tpu.memref_slice %arg7[%run_scoped3A_126, %dma_wait3A_346, %dma_wait3A_347] : memref<2x2x80xi32, #tpu.memory_space<vmem>> -> memref<1x2x80xi32, #tpu.memory_space<vmem>>
      %dma_wait3A_349 = tpu.memref_squeeze %dma_wait3A_348 : memref<1x2x80xi32, #tpu.memory_space<vmem>> -> memref<2x80xi32, #tpu.memory_space<vmem>>
      %dma_wait3A_350 = arith.constant 0 : i32
      %dma_wait3A_351 = tpu.memref_slice %arg5[%dma_wait3A_350, %add3A_125] : memref<2x160000xi32, #tpu.memory_space<hbm>> -> memref<2x80xi32, #tpu.memory_space<hbm>>
      %dma_wait3A_352 = arith.constant 0 : i32
      %dma_wait3A_353 = arith.constant 0 : i32
      %dma_wait3A_354 = tpu.memref_slice %arg7[%run_scoped3A_126, %dma_wait3A_352, %dma_wait3A_353] : memref<2x2x80xi32, #tpu.memory_space<vmem>> -> memref<1x2x80xi32, #tpu.memory_space<vmem>>
      %dma_wait3A_355 = tpu.memref_squeeze %dma_wait3A_354 : memref<1x2x80xi32, #tpu.memory_space<vmem>> -> memref<2x80xi32, #tpu.memory_space<vmem>>
      %dma_wait3A_356 = arith.constant 0 : i32
      %dma_wait3A_357 = tpu.memref_slice %arg5[%dma_wait3A_356, %add3A_125] : memref<2x160000xi32, #tpu.memory_space<hbm>> -> memref<2x80xi32, #tpu.memory_space<hbm>>
      tpu.wait_dma2 semaphore(%run_scoped3A_333 : memref<!tpu.dma_semaphore, #tpu.memory_space<semaphore_mem>>) src(%dma_wait3A_357 : memref<2x80xi32, #tpu.memory_space<hbm>>) dst(%dma_wait3A_355 : memref<2x80xi32, #tpu.memory_space<vmem>>)
      tpu.yield
    }) : () -> ()
    %get3A = arith.constant 0 : i32
    %get3A_127 = arith.constant 0 : i32
    %get3A_128 = arith.index_cast %get3A : i32 to index
    %get3A_129 = arith.index_cast %get3A_127 : i32 to index
    %get3A_130 = arith.constant 0 : index
    %get3A_131 = tpu.vector_load %arg7[%get3A_128, %get3A_129, %get3A_130] {strides = array<i32>} : memref<2x2x80xi32, #tpu.memory_space<vmem>>, vector<16xi32>,
    %add3A_132 = vector.broadcast %mul3A_5 : i32 to vector<16xi32>
    %add3A_133 = arith.addi %get3A_131, %add3A_132 : vector<16xi32>
    %swap3A = arith.constant 0 : i32
    %swap3A_134 = arith.index_cast %swap3A : i32 to index
    %swap3A_135 = arith.constant 0 : index
    %swap3A_136 = tpu.vector_load %arg8[%swap3A_134, %swap3A_135] {strides = array<i32>} : memref<2x80xi32, #tpu.memory_space<vmem>>, vector<16xi32>,
    tpu.vector_store %arg8[%swap3A_134, %swap3A_135], %add3A_133 {strides = array<i32>} : memref<2x80xi32, #tpu.memory_space<vmem>>, vector<16xi32>,
    %get3A_137 = arith.constant 0 : i32
    %get3A_138 = arith.constant 0 : i32
    %get3A_139 = arith.index_cast %get3A_137 : i32 to index
    %get3A_140 = arith.index_cast %get3A_138 : i32 to index
    %get3A_141 = arith.constant 16 : index
    %get3A_142 = tpu.vector_load %arg7[%get3A_139, %get3A_140, %get3A_141] {strides = array<i32>} : memref<2x2x80xi32, #tpu.memory_space<vmem>>, vector<16xi32>,
    %add3A_143 = vector.broadcast %mul3A_5 : i32 to vector<16xi32>
    %add3A_144 = arith.addi %get3A_142, %add3A_143 : vector<16xi32>
    %swap3A_145 = arith.constant 0 : i32
    %swap3A_146 = arith.index_cast %swap3A_145 : i32 to index
    %swap3A_147 = arith.constant 16 : index
    %swap3A_148 = tpu.vector_load %arg8[%swap3A_146, %swap3A_147] {strides = array<i32>} : memref<2x80xi32, #tpu.memory_space<vmem>>, vector<16xi32>,
    tpu.vector_store %arg8[%swap3A_146, %swap3A_147], %add3A_144 {strides = array<i32>} : memref<2x80xi32, #tpu.memory_space<vmem>>, vector<16xi32>,
    %get3A_149 = arith.constant 0 : i32
    %get3A_150 = arith.constant 0 : i32
    %get3A_151 = arith.index_cast %get3A_149 : i32 to index
    %get3A_152 = arith.index_cast %get3A_150 : i32 to index
    %get3A_153 = arith.constant 32 : index
    %get3A_154 = tpu.vector_load %arg7[%get3A_151, %get3A_152, %get3A_153] {strides = array<i32>} : memref<2x2x80xi32, #tpu.memory_space<vmem>>, vector<16xi32>,
    %add3A_155 = vector.broadcast %mul3A_5 : i32 to vector<16xi32>
    %add3A_156 = arith.addi %get3A_154, %add3A_155 : vector<16xi32>
    %swap3A_157 = arith.constant 0 : i32
    %swap3A_158 = arith.index_cast %swap3A_157 : i32 to index
    %swap3A_159 = arith.constant 32 : index
    %swap3A_160 = tpu.vector_load %arg8[%swap3A_158, %swap3A_159] {strides = array<i32>} : memref<2x80xi32, #tpu.memory_space<vmem>>, vector<16xi32>,
    tpu.vector_store %arg8[%swap3A_158, %swap3A_159], %add3A_156 {strides = array<i32>} : memref<2x80xi32, #tpu.memory_space<vmem>>, vector<16xi32>,
    %get3A_161 = arith.constant 0 : i32
    %get3A_162 = arith.constant 0 : i32
    %get3A_163 = arith.index_cast %get3A_161 : i32 to index
    %get3A_164 = arith.index_cast %get3A_162 : i32 to index
    %get3A_165 = arith.constant 48 : index
    %get3A_166 = tpu.vector_load %arg7[%get3A_163, %get3A_164, %get3A_165] {strides = array<i32>} : memref<2x2x80xi32, #tpu.memory_space<vmem>>, vector<16xi32>,
    %add3A_167 = vector.broadcast %mul3A_5 : i32 to vector<16xi32>
    %add3A_168 = arith.addi %get3A_166, %add3A_167 : vector<16xi32>
    %swap3A_169 = arith.constant 0 : i32
    %swap3A_170 = arith.index_cast %swap3A_169 : i32 to index
    %swap3A_171 = arith.constant 48 : index
    %swap3A_172 = tpu.vector_load %arg8[%swap3A_170, %swap3A_171] {strides = array<i32>} : memref<2x80xi32, #tpu.memory_space<vmem>>, vector<16xi32>,
    tpu.vector_store %arg8[%swap3A_170, %swap3A_171], %add3A_168 {strides = array<i32>} : memref<2x80xi32, #tpu.memory_space<vmem>>, vector<16xi32>,
    %get3A_173 = arith.constant 0 : i32
    %get3A_174 = arith.constant 0 : i32
    %get3A_175 = arith.index_cast %get3A_173 : i32 to index
    %get3A_176 = arith.index_cast %get3A_174 : i32 to index
    %get3A_177 = arith.constant 64 : index
    %get3A_178 = tpu.vector_load %arg7[%get3A_175, %get3A_176, %get3A_177] {strides = array<i32>} : memref<2x2x80xi32, #tpu.memory_space<vmem>>, vector<16xi32>,
    %add3A_179 = vector.broadcast %mul3A_5 : i32 to vector<16xi32>
    %add3A_180 = arith.addi %get3A_178, %add3A_179 : vector<16xi32>
    %swap3A_181 = arith.constant 0 : i32
    %swap3A_182 = arith.index_cast %swap3A_181 : i32 to index
    %swap3A_183 = arith.constant 64 : index
    %swap3A_184 = tpu.vector_load %arg8[%swap3A_182, %swap3A_183] {strides = array<i32>} : memref<2x80xi32, #tpu.memory_space<vmem>>, vector<16xi32>,
    tpu.vector_store %arg8[%swap3A_182, %swap3A_183], %add3A_180 {strides = array<i32>} : memref<2x80xi32, #tpu.memory_space<vmem>>, vector<16xi32>,
    %dma_start3A_185 = arith.constant 0 : i32
    %dma_start3A_186 = arith.constant 0 : i32
    %dma_start3A_187 = arith.constant 0 : i32
    %dma_start3A_188 = arith.constant 0 : i32
    %dma_start3A_189 = arith.constant 0 : i32
    %dma_start3A_190 = tpu.memref_slice %arg10[%dma_start3A_187, %dma_start3A_188, %dma_start3A_189] : memref<2x80x16xf32, #tpu.memory_space<vmem>> -> memref<1x80x16xf32, #tpu.memory_space<vmem>>
    %dma_start3A_191 = tpu.memref_squeeze %dma_start3A_190 : memref<1x80x16xf32, #tpu.memory_space<vmem>> -> memref<80x16xf32, #tpu.memory_space<vmem>>
    %dma_start3A_192 = arith.constant 0 : i32
    %dma_start3A_193 = tpu.memref_slice %arg7[%dma_start3A_185, %dma_start3A_186, %dma_start3A_192] : memref<2x2x80xi32, #tpu.memory_space<vmem>> -> memref<1x1x80xi32, #tpu.memory_space<vmem>>
    %dma_start3A_194 = tpu.memref_squeeze %dma_start3A_193 : memref<1x1x80xi32, #tpu.memory_space<vmem>> -> memref<80xi32, #tpu.memory_space<vmem>>
    %dma_start3A_195 = arith.constant 0 : i32
    %dma_start3A_196 = arith.constant 0 : i32
    %dma_start3A_197 = tpu.memref_slice %arg3[%dma_start3A_195, %dma_start3A_196] : memref<10000x16xf32, #tpu.memory_space<hbm>> -> memref<10000x16xf32, #tpu.memory_space<hbm>>
    tpu.enqueue_indirect_dma source(%dma_start3A_197 : memref<10000x16xf32, #tpu.memory_space<hbm>>) target(%dma_start3A_191 : memref<80x16xf32, #tpu.memory_space<vmem>>) offsets(%dma_start3A_194 : memref<80xi32, #tpu.memory_space<vmem>>) semaphore(%arg17 : memref<!tpu.dma_semaphore, #tpu.memory_space<semaphore_mem>>)
    %dma_start3A_198 = arith.constant 0 : i32
    %dma_start3A_199 = arith.constant 1 : i32
    %dma_start3A_200 = arith.constant 0 : i32
    %dma_start3A_201 = arith.constant 0 : i32
    %dma_start3A_202 = arith.constant 0 : i32
    %dma_start3A_203 = tpu.memref_slice %arg11[%dma_start3A_200, %dma_start3A_201, %dma_start3A_202] : memref<2x80x16xf32, #tpu.memory_space<vmem>> -> memref<1x80x16xf32, #tpu.memory_space<vmem>>
    %dma_start3A_204 = tpu.memref_squeeze %dma_start3A_203 : memref<1x80x16xf32, #tpu.memory_space<vmem>> -> memref<80x16xf32, #tpu.memory_space<vmem>>
    %dma_start3A_205 = arith.constant 0 : i32
    %dma_start3A_206 = tpu.memref_slice %arg7[%dma_start3A_198, %dma_start3A_199, %dma_start3A_205] : memref<2x2x80xi32, #tpu.memory_space<vmem>> -> memref<1x1x80xi32, #tpu.memory_space<vmem>>
    %dma_start3A_207 = tpu.memref_squeeze %dma_start3A_206 : memref<1x1x80xi32, #tpu.memory_space<vmem>> -> memref<80xi32, #tpu.memory_space<vmem>>
    %dma_start3A_208 = arith.constant 0 : i32
    %dma_start3A_209 = arith.constant 0 : i32
    %dma_start3A_210 = tpu.memref_slice %arg4[%dma_start3A_208, %dma_start3A_209] : memref<10000x16xf32, #tpu.memory_space<hbm>> -> memref<10000x16xf32, #tpu.memory_space<hbm>>
    tpu.enqueue_indirect_dma source(%dma_start3A_210 : memref<10000x16xf32, #tpu.memory_space<hbm>>) target(%dma_start3A_204 : memref<80x16xf32, #tpu.memory_space<vmem>>) offsets(%dma_start3A_207 : memref<80xi32, #tpu.memory_space<vmem>>) semaphore(%arg18 : memref<!tpu.dma_semaphore, #tpu.memory_space<semaphore_mem>>)
    %dma_start3A_211 = arith.constant 0 : i32
    %dma_start3A_212 = arith.constant 0 : i32
    %dma_start3A_213 = arith.constant 0 : i32
    %dma_start3A_214 = arith.constant 0 : i32
    %dma_start3A_215 = tpu.memref_slice %arg14[%dma_start3A_212, %dma_start3A_213, %dma_start3A_214] : memref<2x80x128xf32, #tpu.memory_space<vmem>> -> memref<1x80x128xf32, #tpu.memory_space<vmem>>
    %dma_start3A_216 = tpu.memref_squeeze %dma_start3A_215 : memref<1x80x128xf32, #tpu.memory_space<vmem>> -> memref<80x128xf32, #tpu.memory_space<vmem>>
    %dma_start3A_217 = arith.constant 0 : i32
    %dma_start3A_218 = tpu.memref_slice %arg8[%dma_start3A_211, %dma_start3A_217] : memref<2x80xi32, #tpu.memory_space<vmem>> -> memref<1x80xi32, #tpu.memory_space<vmem>>
    %dma_start3A_219 = tpu.memref_squeeze %dma_start3A_218 : memref<1x80xi32, #tpu.memory_space<vmem>> -> memref<80xi32, #tpu.memory_space<vmem>>
    %dma_start3A_220 = arith.constant 0 : i32
    %dma_start3A_221 = arith.constant 0 : i32
    %dma_start3A_222 = tpu.memref_slice %arg2[%dma_start3A_220, %dma_start3A_221] : memref<20000x128xf32, #tpu.memory_space<hbm>> -> memref<20000x128xf32, #tpu.memory_space<hbm>>
    tpu.enqueue_indirect_dma source(%dma_start3A_222 : memref<20000x128xf32, #tpu.memory_space<hbm>>) target(%dma_start3A_216 : memref<80x128xf32, #tpu.memory_space<vmem>>) offsets(%dma_start3A_219 : memref<80xi32, #tpu.memory_space<vmem>>) semaphore(%arg19 : memref<!tpu.dma_semaphore, #tpu.memory_space<semaphore_mem>>)
    %dma_start3A_223 = arith.constant 0 : i32
    %dma_start3A_224 = arith.constant 1 : i32
    %dma_start3A_225 = arith.constant 0 : i32
    %dma_start3A_226 = arith.constant 0 : i32
    %dma_start3A_227 = arith.constant 0 : i32
    %dma_start3A_228 = tpu.memref_slice %arg12[%dma_start3A_225, %dma_start3A_226, %dma_start3A_227] : memref<2x80x16xf32, #tpu.memory_space<vmem>> -> memref<1x80x16xf32, #tpu.memory_space<vmem>>
    %dma_start3A_229 = tpu.memref_squeeze %dma_start3A_228 : memref<1x80x16xf32, #tpu.memory_space<vmem>> -> memref<80x16xf32, #tpu.memory_space<vmem>>
    %dma_start3A_230 = arith.constant 0 : i32
    %dma_start3A_231 = tpu.memref_slice %arg7[%dma_start3A_223, %dma_start3A_224, %dma_start3A_230] : memref<2x2x80xi32, #tpu.memory_space<vmem>> -> memref<1x1x80xi32, #tpu.memory_space<vmem>>
    %dma_start3A_232 = tpu.memref_squeeze %dma_start3A_231 : memref<1x1x80xi32, #tpu.memory_space<vmem>> -> memref<80xi32, #tpu.memory_space<vmem>>
    %dma_start3A_233 = arith.constant 0 : i32
    %dma_start3A_234 = arith.constant 0 : i32
    %dma_start3A_235 = tpu.memref_slice %arg23[%dma_start3A_233, %dma_start3A_234] : memref<10000x16xf32, #tpu.memory_space<vmem_shared>> -> memref<10000x16xf32, #tpu.memory_space<vmem_shared>>
    tpu.enqueue_indirect_dma source(%dma_start3A_235 : memref<10000x16xf32, #tpu.memory_space<vmem_shared>>) target(%dma_start3A_229 : memref<80x16xf32, #tpu.memory_space<vmem>>) offsets(%dma_start3A_232 : memref<80xi32, #tpu.memory_space<vmem>>) semaphore(%arg20 : memref<!tpu.dma_semaphore, #tpu.memory_space<semaphore_mem>>)
    %dma_wait3A_236 = arith.constant 0 : i32
    %dma_wait3A_237 = arith.constant 0 : i32
    %dma_wait3A_238 = arith.constant 0 : i32
    %dma_wait3A_239 = arith.constant 0 : i32
    %dma_wait3A_240 = arith.constant 0 : i32
    %dma_wait3A_241 = tpu.memref_slice %arg10[%dma_wait3A_238, %dma_wait3A_239, %dma_wait3A_240] : memref<2x80x16xf32, #tpu.memory_space<vmem>> -> memref<1x80x16xf32, #tpu.memory_space<vmem>>
    %dma_wait3A_242 = tpu.memref_squeeze %dma_wait3A_241 : memref<1x80x16xf32, #tpu.memory_space<vmem>> -> memref<80x16xf32, #tpu.memory_space<vmem>>
    %dma_wait3A_243 = arith.constant 0 : i32
    %dma_wait3A_244 = tpu.memref_slice %arg7[%dma_wait3A_236, %dma_wait3A_237, %dma_wait3A_243] : memref<2x2x80xi32, #tpu.memory_space<vmem>> -> memref<1x1x80xi32, #tpu.memory_space<vmem>>
    %dma_wait3A_245 = tpu.memref_squeeze %dma_wait3A_244 : memref<1x1x80xi32, #tpu.memory_space<vmem>> -> memref<80xi32, #tpu.memory_space<vmem>>
    %dma_wait3A_246 = arith.constant 0 : i32
    %dma_wait3A_247 = arith.constant 0 : i32
    %dma_wait3A_248 = tpu.memref_slice %arg3[%dma_wait3A_246, %dma_wait3A_247] : memref<10000x16xf32, #tpu.memory_space<hbm>> -> memref<10000x16xf32, #tpu.memory_space<hbm>>
    tpu.wait_indirect_dma semaphore(%arg17 : memref<!tpu.dma_semaphore, #tpu.memory_space<semaphore_mem>>) src(%dma_wait3A_248 : memref<10000x16xf32, #tpu.memory_space<hbm>>) dst(%dma_wait3A_242 : memref<80x16xf32, #tpu.memory_space<vmem>>)
    %dma_wait3A_249 = arith.constant 0 : i32
    %dma_wait3A_250 = arith.constant 1 : i32
    %dma_wait3A_251 = arith.constant 0 : i32
    %dma_wait3A_252 = arith.constant 0 : i32
    %dma_wait3A_253 = arith.constant 0 : i32
    %dma_wait3A_254 = tpu.memref_slice %arg11[%dma_wait3A_251, %dma_wait3A_252, %dma_wait3A_253] : memref<2x80x16xf32, #tpu.memory_space<vmem>> -> memref<1x80x16xf32, #tpu.memory_space<vmem>>
    %dma_wait3A_255 = tpu.memref_squeeze %dma_wait3A_254 : memref<1x80x16xf32, #tpu.memory_space<vmem>> -> memref<80x16xf32, #tpu.memory_space<vmem>>
    %dma_wait3A_256 = arith.constant 0 : i32
    %dma_wait3A_257 = tpu.memref_slice %arg7[%dma_wait3A_249, %dma_wait3A_250, %dma_wait3A_256] : memref<2x2x80xi32, #tpu.memory_space<vmem>> -> memref<1x1x80xi32, #tpu.memory_space<vmem>>
    %dma_wait3A_258 = tpu.memref_squeeze %dma_wait3A_257 : memref<1x1x80xi32, #tpu.memory_space<vmem>> -> memref<80xi32, #tpu.memory_space<vmem>>
    %dma_wait3A_259 = arith.constant 0 : i32
    %dma_wait3A_260 = arith.constant 0 : i32
    %dma_wait3A_261 = tpu.memref_slice %arg4[%dma_wait3A_259, %dma_wait3A_260] : memref<10000x16xf32, #tpu.memory_space<hbm>> -> memref<10000x16xf32, #tpu.memory_space<hbm>>
    tpu.wait_indirect_dma semaphore(%arg18 : memref<!tpu.dma_semaphore, #tpu.memory_space<semaphore_mem>>) src(%dma_wait3A_261 : memref<10000x16xf32, #tpu.memory_space<hbm>>) dst(%dma_wait3A_255 : memref<80x16xf32, #tpu.memory_space<vmem>>)
    %dma_wait3A_262 = arith.constant 0 : i32
    %dma_wait3A_263 = arith.constant 0 : i32
    %dma_wait3A_264 = arith.constant 0 : i32
    %dma_wait3A_265 = arith.constant 0 : i32
    %dma_wait3A_266 = tpu.memref_slice %arg14[%dma_wait3A_263, %dma_wait3A_264, %dma_wait3A_265] : memref<2x80x128xf32, #tpu.memory_space<vmem>> -> memref<1x80x128xf32, #tpu.memory_space<vmem>>
    %dma_wait3A_267 = tpu.memref_squeeze %dma_wait3A_266 : memref<1x80x128xf32, #tpu.memory_space<vmem>> -> memref<80x128xf32, #tpu.memory_space<vmem>>
    %dma_wait3A_268 = arith.constant 0 : i32
    %dma_wait3A_269 = tpu.memref_slice %arg8[%dma_wait3A_262, %dma_wait3A_268] : memref<2x80xi32, #tpu.memory_space<vmem>> -> memref<1x80xi32, #tpu.memory_space<vmem>>
    %dma_wait3A_270 = tpu.memref_squeeze %dma_wait3A_269 : memref<1x80xi32, #tpu.memory_space<vmem>> -> memref<80xi32, #tpu.memory_space<vmem>>
    %dma_wait3A_271 = arith.constant 0 : i32
    %dma_wait3A_272 = arith.constant 0 : i32
    %dma_wait3A_273 = tpu.memref_slice %arg2[%dma_wait3A_271, %dma_wait3A_272] : memref<20000x128xf32, #tpu.memory_space<hbm>> -> memref<20000x128xf32, #tpu.memory_space<hbm>>
    tpu.wait_indirect_dma semaphore(%arg19 : memref<!tpu.dma_semaphore, #tpu.memory_space<semaphore_mem>>) src(%dma_wait3A_273 : memref<20000x128xf32, #tpu.memory_space<hbm>>) dst(%dma_wait3A_267 : memref<80x128xf32, #tpu.memory_space<vmem>>)
    %dma_wait3A_274 = arith.constant 0 : i32
    %dma_wait3A_275 = arith.constant 1 : i32
    %dma_wait3A_276 = arith.constant 0 : i32
    %dma_wait3A_277 = arith.constant 0 : i32
    %dma_wait3A_278 = arith.constant 0 : i32
    %dma_wait3A_279 = tpu.memref_slice %arg12[%dma_wait3A_276, %dma_wait3A_277, %dma_wait3A_278] : memref<2x80x16xf32, #tpu.memory_space<vmem>> -> memref<1x80x16xf32, #tpu.memory_space<vmem>>
    %dma_wait3A_280 = tpu.memref_squeeze %dma_wait3A_279 : memref<1x80x16xf32, #tpu.memory_space<vmem>> -> memref<80x16xf32, #tpu.memory_space<vmem>>
    %dma_wait3A_281 = arith.constant 0 : i32
    %dma_wait3A_282 = tpu.memref_slice %arg7[%dma_wait3A_274, %dma_wait3A_275, %dma_wait3A_281] : memref<2x2x80xi32, #tpu.memory_space<vmem>> -> memref<1x1x80xi32, #tpu.memory_space<vmem>>
    %dma_wait3A_283 = tpu.memref_squeeze %dma_wait3A_282 : memref<1x1x80xi32, #tpu.memory_space<vmem>> -> memref<80xi32, #tpu.memory_space<vmem>>
    %dma_wait3A_284 = arith.constant 0 : i32
    %dma_wait3A_285 = arith.constant 0 : i32
    %dma_wait3A_286 = tpu.memref_slice %arg23[%dma_wait3A_284, %dma_wait3A_285] : memref<10000x16xf32, #tpu.memory_space<vmem_shared>> -> memref<10000x16xf32, #tpu.memory_space<vmem_shared>>
    tpu.wait_indirect_dma semaphore(%arg20 : memref<!tpu.dma_semaphore, #tpu.memory_space<semaphore_mem>>) src(%dma_wait3A_286 : memref<10000x16xf32, #tpu.memory_space<vmem_shared>>) dst(%dma_wait3A_280 : memref<80x16xf32, #tpu.memory_space<vmem>>)
    %add3A_287 = arith.constant 80 : i32
    %add3A_288 = arith.addi %multiple_of3A, %add3A_287 : i32
    %dma_start3A_289 = arith.constant 1 : i32
    %dma_start3A_290 = arith.constant 0 : i32
    %dma_start3A_291 = arith.constant 0 : i32
    %dma_start3A_292 = tpu.memref_slice %arg7[%dma_start3A_289, %dma_start3A_290, %dma_start3A_291] : memref<2x2x80xi32, #tpu.memory_space<vmem>> -> memref<1x2x80xi32, #tpu.memory_space<vmem>>
    %dma_start3A_293 = tpu.memref_squeeze %dma_start3A_292 : memref<1x2x80xi32, #tpu.memory_space<vmem>> -> memref<2x80xi32, #tpu.memory_space<vmem>>
    %dma_start3A_294 = arith.constant 0 : i32
    %dma_start3A_295 = tpu.memref_slice %arg5[%dma_start3A_294, %add3A_288] : memref<2x160000xi32, #tpu.memory_space<hbm>> -> memref<2x80xi32, #tpu.memory_space<hbm>>
    %dma_start3A_296 = arith.constant 0 : i32
    %dma_start3A_297 = arith.constant 0 : i32
    %dma_start3A_298 = tpu.memref_slice %arg7[%dma_start3A_289, %dma_start3A_296, %dma_start3A_297] : memref<2x2x80xi32, #tpu.memory_space<vmem>> -> memref<1x2x80xi32, #tpu.memory_space<vmem>>
    %dma_start3A_299 = tpu.memref_squeeze %dma_start3A_298 : memref<1x2x80xi32, #tpu.memory_space<vmem>> -> memref<2x80xi32, #tpu.memory_space<vmem>>
    %dma_start3A_300 = arith.constant 0 : i32
    %dma_start3A_301 = tpu.memref_slice %arg5[%dma_start3A_300, %add3A_288] : memref<2x160000xi32, #tpu.memory_space<hbm>> -> memref<2x80xi32, #tpu.memory_space<hbm>>
    tpu.enqueue_dma source(%dma_start3A_301 : memref<2x80xi32, #tpu.memory_space<hbm>>) target(%dma_start3A_299 : memref<2x80xi32, #tpu.memory_space<vmem>>) target_semaphore(%arg21 : memref<!tpu.dma_semaphore, #tpu.memory_space<semaphore_mem>>)
    %scan3A_302 = arith.constant 0 : i32
    %scan3A_303 = arith.constant 0 : i32
    %scan3A_304 = arith.constant 125 : i32
    %scan3A_305 = arith.addi %scan3A_303, %scan3A_304 : i32
    %scan3A_306 = arith.constant 1 : i32
    scf.for %scan3A_333 = %scan3A_303 to %scan3A_305 step %scan3A_306  : i32 {
      %and3A = arith.constant 1 : i32
      %and3A_334 = arith.andi %scan3A_333, %and3A : i32
      %add3A_335 = arith.constant 1 : i32
      %add3A_336 = arith.addi %scan3A_333, %add3A_335 : i32
      %min3A = arith.constant 124 : i32
      %min3A_337 = arith.minsi %add3A_336, %min3A : i32
      %add3A_338 = arith.constant 2 : i32
      %add3A_339 = arith.addi %scan3A_333, %add3A_338 : i32
      %min3A_340 = arith.constant 124 : i32
      %min3A_341 = arith.minsi %add3A_339, %min3A_340 : i32
      %sub3A = arith.constant 1 : i32
      %sub3A_342 = arith.subi %sub3A, %and3A_334 : i32
      %mul3A_343 = arith.constant 80 : i32
      %mul3A_344 = arith.muli %min3A_337, %mul3A_343 : i32
      %add3A_345 = arith.addi %multiple_of3A, %mul3A_344 : i32
      %dma_wait3A_346 = arith.constant 0 : i32
      %dma_wait3A_347 = arith.constant 0 : i32
      %dma_wait3A_348 = tpu.memref_slice %arg7[%sub3A_342, %dma_wait3A_346, %dma_wait3A_347] : memref<2x2x80xi32, #tpu.memory_space<vmem>> -> memref<1x2x80xi32, #tpu.memory_space<vmem>>
      %dma_wait3A_349 = tpu.memref_squeeze %dma_wait3A_348 : memref<1x2x80xi32, #tpu.memory_space<vmem>> -> memref<2x80xi32, #tpu.memory_space<vmem>>
      %dma_wait3A_350 = arith.constant 0 : i32
      %dma_wait3A_351 = tpu.memref_slice %arg5[%dma_wait3A_350, %add3A_345] : memref<2x160000xi32, #tpu.memory_space<hbm>> -> memref<2x80xi32, #tpu.memory_space<hbm>>
      %dma_wait3A_352 = arith.constant 0 : i32
      %dma_wait3A_353 = arith.constant 0 : i32
      %dma_wait3A_354 = tpu.memref_slice %arg7[%sub3A_342, %dma_wait3A_352, %dma_wait3A_353] : memref<2x2x80xi32, #tpu.memory_space<vmem>> -> memref<1x2x80xi32, #tpu.memory_space<vmem>>
      %dma_wait3A_355 = tpu.memref_squeeze %dma_wait3A_354 : memref<1x2x80xi32, #tpu.memory_space<vmem>> -> memref<2x80xi32, #tpu.memory_space<vmem>>
      %dma_wait3A_356 = arith.constant 0 : i32
      %dma_wait3A_357 = tpu.memref_slice %arg5[%dma_wait3A_356, %add3A_345] : memref<2x160000xi32, #tpu.memory_space<hbm>> -> memref<2x80xi32, #tpu.memory_space<hbm>>
      tpu.wait_dma2 semaphore(%arg21 : memref<!tpu.dma_semaphore, #tpu.memory_space<semaphore_mem>>) src(%dma_wait3A_357 : memref<2x80xi32, #tpu.memory_space<hbm>>) dst(%dma_wait3A_355 : memref<2x80xi32, #tpu.memory_space<vmem>>)
      %sub3A_358 = arith.constant 1 : i32
      %sub3A_359 = arith.subi %sub3A_358, %and3A_334 : i32
      %get3A_360 = arith.constant 0 : i32
      %get3A_361 = arith.index_cast %sub3A_359 : i32 to index
      %get3A_362 = arith.index_cast %get3A_360 : i32 to index
      %get3A_363 = arith.constant 0 : index
      %get3A_364 = tpu.vector_load %arg7[%get3A_361, %get3A_362, %get3A_363] {strides = array<i32>} : memref<2x2x80xi32, #tpu.memory_space<vmem>>, vector<16xi32>,
      %add3A_365 = vector.broadcast %mul3A_5 : i32 to vector<16xi32>
      %add3A_366 = arith.addi %get3A_364, %add3A_365 : vector<16xi32>
      %swap3A_367 = arith.index_cast %sub3A_359 : i32 to index
      %swap3A_368 = arith.constant 0 : index
      %swap3A_369 = tpu.vector_load %arg8[%swap3A_367, %swap3A_368] {strides = array<i32>} : memref<2x80xi32, #tpu.memory_space<vmem>>, vector<16xi32>,
      tpu.vector_store %arg8[%swap3A_367, %swap3A_368], %add3A_366 {strides = array<i32>} : memref<2x80xi32, #tpu.memory_space<vmem>>, vector<16xi32>,
      %get3A_370 = arith.constant 0 : i32
      %get3A_371 = arith.index_cast %sub3A_359 : i32 to index
      %get3A_372 = arith.index_cast %get3A_370 : i32 to index
      %get3A_373 = arith.constant 16 : index
      %get3A_374 = tpu.vector_load %arg7[%get3A_371, %get3A_372, %get3A_373] {strides = array<i32>} : memref<2x2x80xi32, #tpu.memory_space<vmem>>, vector<16xi32>,
      %add3A_375 = vector.broadcast %mul3A_5 : i32 to vector<16xi32>
      %add3A_376 = arith.addi %get3A_374, %add3A_375 : vector<16xi32>
      %swap3A_377 = arith.index_cast %sub3A_359 : i32 to index
      %swap3A_378 = arith.constant 16 : index
      %swap3A_379 = tpu.vector_load %arg8[%swap3A_377, %swap3A_378] {strides = array<i32>} : memref<2x80xi32, #tpu.memory_space<vmem>>, vector<16xi32>,
      tpu.vector_store %arg8[%swap3A_377, %swap3A_378], %add3A_376 {strides = array<i32>} : memref<2x80xi32, #tpu.memory_space<vmem>>, vector<16xi32>,
      %get3A_380 = arith.constant 0 : i32
      %get3A_381 = arith.index_cast %sub3A_359 : i32 to index
      %get3A_382 = arith.index_cast %get3A_380 : i32 to index
      %get3A_383 = arith.constant 32 : index
      %get3A_384 = tpu.vector_load %arg7[%get3A_381, %get3A_382, %get3A_383] {strides = array<i32>} : memref<2x2x80xi32, #tpu.memory_space<vmem>>, vector<16xi32>,
      %add3A_385 = vector.broadcast %mul3A_5 : i32 to vector<16xi32>
      %add3A_386 = arith.addi %get3A_384, %add3A_385 : vector<16xi32>
      %swap3A_387 = arith.index_cast %sub3A_359 : i32 to index
      %swap3A_388 = arith.constant 32 : index
      %swap3A_389 = tpu.vector_load %arg8[%swap3A_387, %swap3A_388] {strides = array<i32>} : memref<2x80xi32, #tpu.memory_space<vmem>>, vector<16xi32>,
      tpu.vector_store %arg8[%swap3A_387, %swap3A_388], %add3A_386 {strides = array<i32>} : memref<2x80xi32, #tpu.memory_space<vmem>>, vector<16xi32>,
      %get3A_390 = arith.constant 0 : i32
      %get3A_391 = arith.index_cast %sub3A_359 : i32 to index
      %get3A_392 = arith.index_cast %get3A_390 : i32 to index
      %get3A_393 = arith.constant 48 : index
      %get3A_394 = tpu.vector_load %arg7[%get3A_391, %get3A_392, %get3A_393] {strides = array<i32>} : memref<2x2x80xi32, #tpu.memory_space<vmem>>, vector<16xi32>,
      %add3A_395 = vector.broadcast %mul3A_5 : i32 to vector<16xi32>
      %add3A_396 = arith.addi %get3A_394, %add3A_395 : vector<16xi32>
      %swap3A_397 = arith.index_cast %sub3A_359 : i32 to index
      %swap3A_398 = arith.constant 48 : index
      %swap3A_399 = tpu.vector_load %arg8[%swap3A_397, %swap3A_398] {strides = array<i32>} : memref<2x80xi32, #tpu.memory_space<vmem>>, vector<16xi32>,
      tpu.vector_store %arg8[%swap3A_397, %swap3A_398], %add3A_396 {strides = array<i32>} : memref<2x80xi32, #tpu.memory_space<vmem>>, vector<16xi32>,
      %get3A_400 = arith.constant 0 : i32
      %get3A_401 = arith.index_cast %sub3A_359 : i32 to index
      %get3A_402 = arith.index_cast %get3A_400 : i32 to index
      %get3A_403 = arith.constant 64 : index
      %get3A_404 = tpu.vector_load %arg7[%get3A_401, %get3A_402, %get3A_403] {strides = array<i32>} : memref<2x2x80xi32, #tpu.memory_space<vmem>>, vector<16xi32>,
      %add3A_405 = vector.broadcast %mul3A_5 : i32 to vector<16xi32>
      %add3A_406 = arith.addi %get3A_404, %add3A_405 : vector<16xi32>
      %swap3A_407 = arith.index_cast %sub3A_359 : i32 to index
      %swap3A_408 = arith.constant 64 : index
      %swap3A_409 = tpu.vector_load %arg8[%swap3A_407, %swap3A_408] {strides = array<i32>} : memref<2x80xi32, #tpu.memory_space<vmem>>, vector<16xi32>,
      tpu.vector_store %arg8[%swap3A_407, %swap3A_408], %add3A_406 {strides = array<i32>} : memref<2x80xi32, #tpu.memory_space<vmem>>, vector<16xi32>,
      %sub3A_410 = arith.constant 1 : i32
      %sub3A_411 = arith.subi %sub3A_410, %and3A_334 : i32
      %dma_start3A_412 = arith.constant 0 : i32
      %dma_start3A_413 = arith.constant 0 : i32
      %dma_start3A_414 = arith.constant 0 : i32
      %dma_start3A_415 = tpu.memref_slice %arg10[%sub3A_411, %dma_start3A_413, %dma_start3A_414] : memref<2x80x16xf32, #tpu.memory_space<vmem>> -> memref<1x80x16xf32, #tpu.memory_space<vmem>>
      %dma_start3A_416 = tpu.memref_squeeze %dma_start3A_415 : memref<1x80x16xf32, #tpu.memory_space<vmem>> -> memref<80x16xf32, #tpu.memory_space<vmem>>
      %dma_start3A_417 = arith.constant 0 : i32
      %dma_start3A_418 = tpu.memref_slice %arg7[%sub3A_411, %dma_start3A_412, %dma_start3A_417] : memref<2x2x80xi32, #tpu.memory_space<vmem>> -> memref<1x1x80xi32, #tpu.memory_space<vmem>>
      %dma_start3A_419 = tpu.memref_squeeze %dma_start3A_418 : memref<1x1x80xi32, #tpu.memory_space<vmem>> -> memref<80xi32, #tpu.memory_space<vmem>>
      %dma_start3A_420 = arith.constant 0 : i32
      %dma_start3A_421 = arith.constant 0 : i32
      %dma_start3A_422 = tpu.memref_slice %arg3[%dma_start3A_420, %dma_start3A_421] : memref<10000x16xf32, #tpu.memory_space<hbm>> -> memref<10000x16xf32, #tpu.memory_space<hbm>>
      tpu.enqueue_indirect_dma source(%dma_start3A_422 : memref<10000x16xf32, #tpu.memory_space<hbm>>) target(%dma_start3A_416 : memref<80x16xf32, #tpu.memory_space<vmem>>) offsets(%dma_start3A_419 : memref<80xi32, #tpu.memory_space<vmem>>) semaphore(%arg17 : memref<!tpu.dma_semaphore, #tpu.memory_space<semaphore_mem>>)
      %dma_start3A_423 = arith.constant 1 : i32
      %dma_start3A_424 = arith.constant 0 : i32
      %dma_start3A_425 = arith.constant 0 : i32
      %dma_start3A_426 = tpu.memref_slice %arg11[%sub3A_411, %dma_start3A_424, %dma_start3A_425] : memref<2x80x16xf32, #tpu.memory_space<vmem>> -> memref<1x80x16xf32, #tpu.memory_space<vmem>>
      %dma_start3A_427 = tpu.memref_squeeze %dma_start3A_426 : memref<1x80x16xf32, #tpu.memory_space<vmem>> -> memref<80x16xf32, #tpu.memory_space<vmem>>
      %dma_start3A_428 = arith.constant 0 : i32
      %dma_start3A_429 = tpu.memref_slice %arg7[%sub3A_411, %dma_start3A_423, %dma_start3A_428] : memref<2x2x80xi32, #tpu.memory_space<vmem>> -> memref<1x1x80xi32, #tpu.memory_space<vmem>>
      %dma_start3A_430 = tpu.memref_squeeze %dma_start3A_429 : memref<1x1x80xi32, #tpu.memory_space<vmem>> -> memref<80xi32, #tpu.memory_space<vmem>>
      %dma_start3A_431 = arith.constant 0 : i32
      %dma_start3A_432 = arith.constant 0 : i32
      %dma_start3A_433 = tpu.memref_slice %arg4[%dma_start3A_431, %dma_start3A_432] : memref<10000x16xf32, #tpu.memory_space<hbm>> -> memref<10000x16xf32, #tpu.memory_space<hbm>>
      tpu.enqueue_indirect_dma source(%dma_start3A_433 : memref<10000x16xf32, #tpu.memory_space<hbm>>) target(%dma_start3A_427 : memref<80x16xf32, #tpu.memory_space<vmem>>) offsets(%dma_start3A_430 : memref<80xi32, #tpu.memory_space<vmem>>) semaphore(%arg18 : memref<!tpu.dma_semaphore, #tpu.memory_space<semaphore_mem>>)
      %dma_start3A_434 = arith.constant 0 : i32
      %dma_start3A_435 = arith.constant 0 : i32
      %dma_start3A_436 = tpu.memref_slice %arg14[%sub3A_411, %dma_start3A_434, %dma_start3A_435] : memref<2x80x128xf32, #tpu.memory_space<vmem>> -> memref<1x80x128xf32, #tpu.memory_space<vmem>>
      %dma_start3A_437 = tpu.memref_squeeze %dma_start3A_436 : memref<1x80x128xf32, #tpu.memory_space<vmem>> -> memref<80x128xf32, #tpu.memory_space<vmem>>
      %dma_start3A_438 = arith.constant 0 : i32
      %dma_start3A_439 = tpu.memref_slice %arg8[%sub3A_411, %dma_start3A_438] : memref<2x80xi32, #tpu.memory_space<vmem>> -> memref<1x80xi32, #tpu.memory_space<vmem>>
      %dma_start3A_440 = tpu.memref_squeeze %dma_start3A_439 : memref<1x80xi32, #tpu.memory_space<vmem>> -> memref<80xi32, #tpu.memory_space<vmem>>
      %dma_start3A_441 = arith.constant 0 : i32
      %dma_start3A_442 = arith.constant 0 : i32
      %dma_start3A_443 = tpu.memref_slice %arg2[%dma_start3A_441, %dma_start3A_442] : memref<20000x128xf32, #tpu.memory_space<hbm>> -> memref<20000x128xf32, #tpu.memory_space<hbm>>
      tpu.enqueue_indirect_dma source(%dma_start3A_443 : memref<20000x128xf32, #tpu.memory_space<hbm>>) target(%dma_start3A_437 : memref<80x128xf32, #tpu.memory_space<vmem>>) offsets(%dma_start3A_440 : memref<80xi32, #tpu.memory_space<vmem>>) semaphore(%arg19 : memref<!tpu.dma_semaphore, #tpu.memory_space<semaphore_mem>>)
      %dma_start3A_444 = arith.constant 1 : i32
      %dma_start3A_445 = arith.constant 0 : i32
      %dma_start3A_446 = arith.constant 0 : i32
      %dma_start3A_447 = tpu.memref_slice %arg12[%sub3A_411, %dma_start3A_445, %dma_start3A_446] : memref<2x80x16xf32, #tpu.memory_space<vmem>> -> memref<1x80x16xf32, #tpu.memory_space<vmem>>
      %dma_start3A_448 = tpu.memref_squeeze %dma_start3A_447 : memref<1x80x16xf32, #tpu.memory_space<vmem>> -> memref<80x16xf32, #tpu.memory_space<vmem>>
      %dma_start3A_449 = arith.constant 0 : i32
      %dma_start3A_450 = tpu.memref_slice %arg7[%sub3A_411, %dma_start3A_444, %dma_start3A_449] : memref<2x2x80xi32, #tpu.memory_space<vmem>> -> memref<1x1x80xi32, #tpu.memory_space<vmem>>
      %dma_start3A_451 = tpu.memref_squeeze %dma_start3A_450 : memref<1x1x80xi32, #tpu.memory_space<vmem>> -> memref<80xi32, #tpu.memory_space<vmem>>
      %dma_start3A_452 = arith.constant 0 : i32
      %dma_start3A_453 = arith.constant 0 : i32
      %dma_start3A_454 = tpu.memref_slice %arg23[%dma_start3A_452, %dma_start3A_453] : memref<10000x16xf32, #tpu.memory_space<vmem_shared>> -> memref<10000x16xf32, #tpu.memory_space<vmem_shared>>
      tpu.enqueue_indirect_dma source(%dma_start3A_454 : memref<10000x16xf32, #tpu.memory_space<vmem_shared>>) target(%dma_start3A_448 : memref<80x16xf32, #tpu.memory_space<vmem>>) offsets(%dma_start3A_451 : memref<80xi32, #tpu.memory_space<vmem>>) semaphore(%arg20 : memref<!tpu.dma_semaphore, #tpu.memory_space<semaphore_mem>>)
      %parallel_loop3A = arith.constant 0 : i32
      %parallel_loop3A_455 = arith.constant 80 : i32
      %parallel_loop3A_456 = arith.constant 1 : i32
      scf.for %parallel_loop3A_522 = %parallel_loop3A to %parallel_loop3A_455 step %parallel_loop3A_456  : i32 {
        %parallel_loop3A_523 = arith.index_cast %and3A_334 : i32 to index
        %parallel_loop3A_524 = arith.index_cast %parallel_loop3A_522 : i32 to index
        %parallel_loop3A_525 = arith.constant 0 : index
        %parallel_loop3A_526 = tpu.vector_load %arg10[%parallel_loop3A_523, %parallel_loop3A_524, %parallel_loop3A_525] {strides = array<i32>} : memref<2x80x16xf32, #tpu.memory_space<vmem>>, vector<16xf32>,
        %parallel_loop3A_527 = arith.index_cast %and3A_334 : i32 to index
        %parallel_loop3A_528 = arith.index_cast %parallel_loop3A_522 : i32 to index
        %parallel_loop3A_529 = arith.constant 0 : index
        %parallel_loop3A_530 = tpu.vector_load %arg11[%parallel_loop3A_527, %parallel_loop3A_528, %parallel_loop3A_529] {strides = array<i32>} : memref<2x80x16xf32, #tpu.memory_space<vmem>>, vector<16xf32>,
        %parallel_loop3A_531 = arith.addf %parallel_loop3A_526, %parallel_loop3A_530 : vector<16xf32>
        %parallel_loop3A_532 = arith.constant 2.000000e-01 : f32
        %parallel_loop3A_533 = vector.broadcast %parallel_loop3A_532 : f32 to vector<16xf32>
        %parallel_loop3A_534 = arith.mulf %parallel_loop3A_533, %parallel_loop3A_531 : vector<16xf32>
        %parallel_loop3A_535 = arith.maximumf %parallel_loop3A_531, %parallel_loop3A_534 : vector<16xf32>
        %parallel_loop3A_536 = math.exp %parallel_loop3A_535 : vector<16xf32>
        %parallel_loop3A_537 = arith.index_cast %and3A_334 : i32 to index
        %parallel_loop3A_538 = arith.index_cast %parallel_loop3A_522 : i32 to index
        %parallel_loop3A_539 = arith.constant 0 : index
        %parallel_loop3A_540 = tpu.vector_load %arg12[%parallel_loop3A_537, %parallel_loop3A_538, %parallel_loop3A_539] {strides = array<i32>} : memref<2x80x16xf32, #tpu.memory_space<vmem>>, vector<16xf32>,
        %parallel_loop3A_541 = arith.mulf %parallel_loop3A_536, %parallel_loop3A_540 : vector<16xf32>
        %parallel_loop3A_542 = arith.constant 16 : i32
        %parallel_loop3A_543 = arith.muli %parallel_loop3A_522, %parallel_loop3A_542 : i32
        %parallel_loop3A_544 = arith.index_cast %parallel_loop3A_543 : i32 to index
        %parallel_loop3A_545 = tpu.vector_load %arg16[%parallel_loop3A_544] {strides = array<i32>} : memref<1280xf32, #tpu.memory_space<vmem>>, vector<16xf32>,
        tpu.vector_store %arg16[%parallel_loop3A_544], %parallel_loop3A_541 {strides = array<i32>} : memref<1280xf32, #tpu.memory_space<vmem>>, vector<16xf32>,
      } {sc.loop_unroll_factor = 4 : i64, sc.parallel_access}
      %parallel_loop3A_457 = arith.constant 0 : i32
      %parallel_loop3A_458 = arith.constant 5 : i32
      %parallel_loop3A_459 = arith.constant 1 : i32
      scf.for %parallel_loop3A_522 = %parallel_loop3A_457 to %parallel_loop3A_458 step %parallel_loop3A_459  : i32 {
        %parallel_loop3A_523 = arith.constant 16 : i32
        %parallel_loop3A_524 = arith.muli %parallel_loop3A_522, %parallel_loop3A_523 : i32
        %parallel_loop3A_525 = vector.broadcast %parallel_loop3A_524 : i32 to vector<16xi32>
        %parallel_loop3A_526 = arith.addi %parallel_loop3A_525, %iota3A : vector<16xi32>
        %parallel_loop3A_527 = arith.constant 16 : i32
        %parallel_loop3A_528 = vector.broadcast %parallel_loop3A_527 : i32 to vector<16xi32>
        %parallel_loop3A_529 = arith.muli %parallel_loop3A_526, %parallel_loop3A_528 : vector<16xi32>
        %parallel_loop3A_530 = tpu.vector_load_idx %arg16[%parallel_loop3A_529] : memref<1280xf32, #tpu.memory_space<vmem>>[vector<16xi32>], vector<16xf32>,
        %parallel_loop3A_531 = arith.constant 1 : i32
        %parallel_loop3A_532 = vector.broadcast %parallel_loop3A_531 : i32 to vector<16xi32>
        %parallel_loop3A_533 = arith.addi %parallel_loop3A_529, %parallel_loop3A_532 : vector<16xi32>
        %parallel_loop3A_534 = tpu.vector_load_idx %arg16[%parallel_loop3A_533] : memref<1280xf32, #tpu.memory_space<vmem>>[vector<16xi32>], vector<16xf32>,
        %parallel_loop3A_535 = arith.addf %parallel_loop3A_530, %parallel_loop3A_534 : vector<16xf32>
        %parallel_loop3A_536 = arith.constant 2 : i32
        %parallel_loop3A_537 = vector.broadcast %parallel_loop3A_536 : i32 to vector<16xi32>
        %parallel_loop3A_538 = arith.addi %parallel_loop3A_529, %parallel_loop3A_537 : vector<16xi32>
        %parallel_loop3A_539 = tpu.vector_load_idx %arg16[%parallel_loop3A_538] : memref<1280xf32, #tpu.memory_space<vmem>>[vector<16xi32>], vector<16xf32>,
        %parallel_loop3A_540 = arith.addf %parallel_loop3A_535, %parallel_loop3A_539 : vector<16xf32>
        %parallel_loop3A_541 = arith.constant 3 : i32
        %parallel_loop3A_542 = vector.broadcast %parallel_loop3A_541 : i32 to vector<16xi32>
        %parallel_loop3A_543 = arith.addi %parallel_loop3A_529, %parallel_loop3A_542 : vector<16xi32>
        %parallel_loop3A_544 = tpu.vector_load_idx %arg16[%parallel_loop3A_543] : memref<1280xf32, #tpu.memory_space<vmem>>[vector<16xi32>], vector<16xf32>,
        %parallel_loop3A_545 = arith.addf %parallel_loop3A_540, %parallel_loop3A_544 : vector<16xf32>
        %parallel_loop3A_546 = arith.constant 16 : i32
        %parallel_loop3A_547 = arith.muli %parallel_loop3A_522, %parallel_loop3A_546 : i32
        %parallel_loop3A_548 = arith.index_cast %parallel_loop3A_547 : i32 to index
        %parallel_loop3A_549 = tpu.vector_load %arg15[%parallel_loop3A_548] {strides = array<i32>} : memref<80xf32, #tpu.memory_space<vmem>>, vector<16xf32>,
        tpu.vector_store %arg15[%parallel_loop3A_548], %parallel_loop3A_545 {strides = array<i32>} : memref<80xf32, #tpu.memory_space<vmem>>, vector<16xf32>,
      } {sc.loop_unroll_factor = 5 : i64, sc.parallel_access}
      %parallel_loop3A_460 = arith.constant 0 : i32
      %parallel_loop3A_461 = arith.constant 80 : i32
      %parallel_loop3A_462 = arith.constant 1 : i32
      scf.for %parallel_loop3A_522 = %parallel_loop3A_460 to %parallel_loop3A_461 step %parallel_loop3A_462  : i32 {
        %parallel_loop3A_523 = arith.constant 0 : i32
        %parallel_loop3A_524 = vector.broadcast %parallel_loop3A_523 : i32 to vector<16xi32>
        %parallel_loop3A_525 = vector.broadcast %parallel_loop3A_522 : i32 to vector<16xi32>
        %parallel_loop3A_526 = arith.addi %parallel_loop3A_524, %parallel_loop3A_525 : vector<16xi32>
        %parallel_loop3A_527 = tpu.vector_load_idx %arg15[%parallel_loop3A_526] : memref<80xf32, #tpu.memory_space<vmem>>[vector<16xi32>], vector<16xf32>,
        %parallel_loop3A_528 = arith.index_cast %and3A_334 : i32 to index
        %parallel_loop3A_529 = arith.index_cast %parallel_loop3A_522 : i32 to index
        %parallel_loop3A_530 = arith.constant 0 : index
        %parallel_loop3A_531 = tpu.vector_load %arg14[%parallel_loop3A_528, %parallel_loop3A_529, %parallel_loop3A_530] {strides = array<i32>} : memref<2x80x128xf32, #tpu.memory_space<vmem>>, vector<16xf32>,
        %parallel_loop3A_532 = arith.mulf %parallel_loop3A_531, %parallel_loop3A_527 : vector<16xf32>
        %parallel_loop3A_533 = arith.index_cast %and3A_334 : i32 to index
        %parallel_loop3A_534 = arith.index_cast %parallel_loop3A_522 : i32 to index
        %parallel_loop3A_535 = arith.constant 0 : index
        %parallel_loop3A_536 = tpu.vector_load %arg14[%parallel_loop3A_533, %parallel_loop3A_534, %parallel_loop3A_535] {strides = array<i32>} : memref<2x80x128xf32, #tpu.memory_space<vmem>>, vector<16xf32>,
        tpu.vector_store %arg14[%parallel_loop3A_533, %parallel_loop3A_534, %parallel_loop3A_535], %parallel_loop3A_532 {strides = array<i32>} : memref<2x80x128xf32, #tpu.memory_space<vmem>>, vector<16xf32>,
        %parallel_loop3A_537 = arith.index_cast %and3A_334 : i32 to index
        %parallel_loop3A_538 = arith.index_cast %parallel_loop3A_522 : i32 to index
        %parallel_loop3A_539 = arith.constant 16 : index
        %parallel_loop3A_540 = tpu.vector_load %arg14[%parallel_loop3A_537, %parallel_loop3A_538, %parallel_loop3A_539] {strides = array<i32>} : memref<2x80x128xf32, #tpu.memory_space<vmem>>, vector<16xf32>,
        %parallel_loop3A_541 = arith.mulf %parallel_loop3A_540, %parallel_loop3A_527 : vector<16xf32>
        %parallel_loop3A_542 = arith.index_cast %and3A_334 : i32 to index
        %parallel_loop3A_543 = arith.index_cast %parallel_loop3A_522 : i32 to index
        %parallel_loop3A_544 = arith.constant 16 : index
        %parallel_loop3A_545 = tpu.vector_load %arg14[%parallel_loop3A_542, %parallel_loop3A_543, %parallel_loop3A_544] {strides = array<i32>} : memref<2x80x128xf32, #tpu.memory_space<vmem>>, vector<16xf32>,
        tpu.vector_store %arg14[%parallel_loop3A_542, %parallel_loop3A_543, %parallel_loop3A_544], %parallel_loop3A_541 {strides = array<i32>} : memref<2x80x128xf32, #tpu.memory_space<vmem>>, vector<16xf32>,
        %parallel_loop3A_546 = arith.index_cast %and3A_334 : i32 to index
        %parallel_loop3A_547 = arith.index_cast %parallel_loop3A_522 : i32 to index
        %parallel_loop3A_548 = arith.constant 32 : index
        %parallel_loop3A_549 = tpu.vector_load %arg14[%parallel_loop3A_546, %parallel_loop3A_547, %parallel_loop3A_548] {strides = array<i32>} : memref<2x80x128xf32, #tpu.memory_space<vmem>>, vector<16xf32>,
        %parallel_loop3A_550 = arith.mulf %parallel_loop3A_549, %parallel_loop3A_527 : vector<16xf32>
        %parallel_loop3A_551 = arith.index_cast %and3A_334 : i32 to index
        %parallel_loop3A_552 = arith.index_cast %parallel_loop3A_522 : i32 to index
        %parallel_loop3A_553 = arith.constant 32 : index
        %parallel_loop3A_554 = tpu.vector_load %arg14[%parallel_loop3A_551, %parallel_loop3A_552, %parallel_loop3A_553] {strides = array<i32>} : memref<2x80x128xf32, #tpu.memory_space<vmem>>, vector<16xf32>,
        tpu.vector_store %arg14[%parallel_loop3A_551, %parallel_loop3A_552, %parallel_loop3A_553], %parallel_loop3A_550 {strides = array<i32>} : memref<2x80x128xf32, #tpu.memory_space<vmem>>, vector<16xf32>,
        %parallel_loop3A_555 = arith.index_cast %and3A_334 : i32 to index
        %parallel_loop3A_556 = arith.index_cast %parallel_loop3A_522 : i32 to index
        %parallel_loop3A_557 = arith.constant 48 : index
        %parallel_loop3A_558 = tpu.vector_load %arg14[%parallel_loop3A_555, %parallel_loop3A_556, %parallel_loop3A_557] {strides = array<i32>} : memref<2x80x128xf32, #tpu.memory_space<vmem>>, vector<16xf32>,
        %parallel_loop3A_559 = arith.mulf %parallel_loop3A_558, %parallel_loop3A_527 : vector<16xf32>
        %parallel_loop3A_560 = arith.index_cast %and3A_334 : i32 to index
        %parallel_loop3A_561 = arith.index_cast %parallel_loop3A_522 : i32 to index
        %parallel_loop3A_562 = arith.constant 48 : index
        %parallel_loop3A_563 = tpu.vector_load %arg14[%parallel_loop3A_560, %parallel_loop3A_561, %parallel_loop3A_562] {strides = array<i32>} : memref<2x80x128xf32, #tpu.memory_space<vmem>>, vector<16xf32>,
        tpu.vector_store %arg14[%parallel_loop3A_560, %parallel_loop3A_561, %parallel_loop3A_562], %parallel_loop3A_559 {strides = array<i32>} : memref<2x80x128xf32, #tpu.memory_space<vmem>>, vector<16xf32>,
        %parallel_loop3A_564 = arith.index_cast %and3A_334 : i32 to index
        %parallel_loop3A_565 = arith.index_cast %parallel_loop3A_522 : i32 to index
        %parallel_loop3A_566 = arith.constant 64 : index
        %parallel_loop3A_567 = tpu.vector_load %arg14[%parallel_loop3A_564, %parallel_loop3A_565, %parallel_loop3A_566] {strides = array<i32>} : memref<2x80x128xf32, #tpu.memory_space<vmem>>, vector<16xf32>,
        %parallel_loop3A_568 = arith.mulf %parallel_loop3A_567, %parallel_loop3A_527 : vector<16xf32>
        %parallel_loop3A_569 = arith.index_cast %and3A_334 : i32 to index
        %parallel_loop3A_570 = arith.index_cast %parallel_loop3A_522 : i32 to index
        %parallel_loop3A_571 = arith.constant 64 : index
        %parallel_loop3A_572 = tpu.vector_load %arg14[%parallel_loop3A_569, %parallel_loop3A_570, %parallel_loop3A_571] {strides = array<i32>} : memref<2x80x128xf32, #tpu.memory_space<vmem>>, vector<16xf32>,
        tpu.vector_store %arg14[%parallel_loop3A_569, %parallel_loop3A_570, %parallel_loop3A_571], %parallel_loop3A_568 {strides = array<i32>} : memref<2x80x128xf32, #tpu.memory_space<vmem>>, vector<16xf32>,
        %parallel_loop3A_573 = arith.index_cast %and3A_334 : i32 to index
        %parallel_loop3A_574 = arith.index_cast %parallel_loop3A_522 : i32 to index
        %parallel_loop3A_575 = arith.constant 80 : index
        %parallel_loop3A_576 = tpu.vector_load %arg14[%parallel_loop3A_573, %parallel_loop3A_574, %parallel_loop3A_575] {strides = array<i32>} : memref<2x80x128xf32, #tpu.memory_space<vmem>>, vector<16xf32>,
        %parallel_loop3A_577 = arith.mulf %parallel_loop3A_576, %parallel_loop3A_527 : vector<16xf32>
        %parallel_loop3A_578 = arith.index_cast %and3A_334 : i32 to index
        %parallel_loop3A_579 = arith.index_cast %parallel_loop3A_522 : i32 to index
        %parallel_loop3A_580 = arith.constant 80 : index
        %parallel_loop3A_581 = tpu.vector_load %arg14[%parallel_loop3A_578, %parallel_loop3A_579, %parallel_loop3A_580] {strides = array<i32>} : memref<2x80x128xf32, #tpu.memory_space<vmem>>, vector<16xf32>,
        tpu.vector_store %arg14[%parallel_loop3A_578, %parallel_loop3A_579, %parallel_loop3A_580], %parallel_loop3A_577 {strides = array<i32>} : memref<2x80x128xf32, #tpu.memory_space<vmem>>, vector<16xf32>,
        %parallel_loop3A_582 = arith.index_cast %and3A_334 : i32 to index
        %parallel_loop3A_583 = arith.index_cast %parallel_loop3A_522 : i32 to index
        %parallel_loop3A_584 = arith.constant 96 : index
        %parallel_loop3A_585 = tpu.vector_load %arg14[%parallel_loop3A_582, %parallel_loop3A_583, %parallel_loop3A_584] {strides = array<i32>} : memref<2x80x128xf32, #tpu.memory_space<vmem>>, vector<16xf32>,
        %parallel_loop3A_586 = arith.mulf %parallel_loop3A_585, %parallel_loop3A_527 : vector<16xf32>
        %parallel_loop3A_587 = arith.index_cast %and3A_334 : i32 to index
        %parallel_loop3A_588 = arith.index_cast %parallel_loop3A_522 : i32 to index
        %parallel_loop3A_589 = arith.constant 96 : index
        %parallel_loop3A_590 = tpu.vector_load %arg14[%parallel_loop3A_587, %parallel_loop3A_588, %parallel_loop3A_589] {strides = array<i32>} : memref<2x80x128xf32, #tpu.memory_space<vmem>>, vector<16xf32>,
        tpu.vector_store %arg14[%parallel_loop3A_587, %parallel_loop3A_588, %parallel_loop3A_589], %parallel_loop3A_586 {strides = array<i32>} : memref<2x80x128xf32, #tpu.memory_space<vmem>>, vector<16xf32>,
        %parallel_loop3A_591 = arith.index_cast %and3A_334 : i32 to index
        %parallel_loop3A_592 = arith.index_cast %parallel_loop3A_522 : i32 to index
        %parallel_loop3A_593 = arith.constant 112 : index
        %parallel_loop3A_594 = tpu.vector_load %arg14[%parallel_loop3A_591, %parallel_loop3A_592, %parallel_loop3A_593] {strides = array<i32>} : memref<2x80x128xf32, #tpu.memory_space<vmem>>, vector<16xf32>,
        %parallel_loop3A_595 = arith.mulf %parallel_loop3A_594, %parallel_loop3A_527 : vector<16xf32>
        %parallel_loop3A_596 = arith.index_cast %and3A_334 : i32 to index
        %parallel_loop3A_597 = arith.index_cast %parallel_loop3A_522 : i32 to index
        %parallel_loop3A_598 = arith.constant 112 : index
        %parallel_loop3A_599 = tpu.vector_load %arg14[%parallel_loop3A_596, %parallel_loop3A_597, %parallel_loop3A_598] {strides = array<i32>} : memref<2x80x128xf32, #tpu.memory_space<vmem>>, vector<16xf32>,
        tpu.vector_store %arg14[%parallel_loop3A_596, %parallel_loop3A_597, %parallel_loop3A_598], %parallel_loop3A_595 {strides = array<i32>} : memref<2x80x128xf32, #tpu.memory_space<vmem>>, vector<16xf32>,
      } {sc.loop_unroll_factor = 8 : i64, sc.parallel_access}
      %run_scoped3A_463 = arith.constant 1 : i32
      "tpu.region"() ({
        %run_scoped3A_522 = tpu.sem_alloc : memref<!tpu.dma_semaphore, #tpu.memory_space<semaphore_mem>>
        %dma_start3A_523 = arith.constant 0 : i32
        %dma_start3A_524 = arith.constant 0 : i32
        %dma_start3A_525 = tpu.memref_slice %arg14[%and3A_334, %dma_start3A_523, %dma_start3A_524] : memref<2x80x128xf32, #tpu.memory_space<vmem>> -> memref<1x80x128xf32, #tpu.memory_space<vmem>>
        %dma_start3A_526 = tpu.memref_squeeze %dma_start3A_525 : memref<1x80x128xf32, #tpu.memory_space<vmem>> -> memref<80x128xf32, #tpu.memory_space<vmem>>
        %dma_start3A_527 = arith.constant 0 : i32
        %dma_start3A_528 = tpu.memref_slice %arg7[%and3A_334, %run_scoped3A_463, %dma_start3A_527] : memref<2x2x80xi32, #tpu.memory_space<vmem>> -> memref<1x1x80xi32, #tpu.memory_space<vmem>>
        %dma_start3A_529 = tpu.memref_squeeze %dma_start3A_528 : memref<1x1x80xi32, #tpu.memory_space<vmem>> -> memref<80xi32, #tpu.memory_space<vmem>>
        %dma_start3A_530 = arith.constant 0 : i32
        %dma_start3A_531 = arith.constant 0 : i32
        %dma_start3A_532 = tpu.memref_slice %arg24[%dma_start3A_530, %dma_start3A_531] : memref<10000x128xf32, #tpu.memory_space<vmem_shared>> -> memref<10000x128xf32, #tpu.memory_space<vmem_shared>>
        tpu.enqueue_indirect_dma source(%dma_start3A_526 : memref<80x128xf32, #tpu.memory_space<vmem>>) target(%dma_start3A_532 : memref<10000x128xf32, #tpu.memory_space<vmem_shared>>) offsets(%dma_start3A_529 : memref<80xi32, #tpu.memory_space<vmem>>) semaphore(%run_scoped3A_522 : memref<!tpu.dma_semaphore, #tpu.memory_space<semaphore_mem>>) {add = true}
        %dma_wait3A_533 = arith.constant 0 : i32
        %dma_wait3A_534 = arith.constant 0 : i32
        %dma_wait3A_535 = tpu.memref_slice %arg14[%and3A_334, %dma_wait3A_533, %dma_wait3A_534] : memref<2x80x128xf32, #tpu.memory_space<vmem>> -> memref<1x80x128xf32, #tpu.memory_space<vmem>>
        %dma_wait3A_536 = tpu.memref_squeeze %dma_wait3A_535 : memref<1x80x128xf32, #tpu.memory_space<vmem>> -> memref<80x128xf32, #tpu.memory_space<vmem>>
        %dma_wait3A_537 = arith.constant 0 : i32
        %dma_wait3A_538 = tpu.memref_slice %arg7[%and3A_334, %run_scoped3A_463, %dma_wait3A_537] : memref<2x2x80xi32, #tpu.memory_space<vmem>> -> memref<1x1x80xi32, #tpu.memory_space<vmem>>
        %dma_wait3A_539 = tpu.memref_squeeze %dma_wait3A_538 : memref<1x1x80xi32, #tpu.memory_space<vmem>> -> memref<80xi32, #tpu.memory_space<vmem>>
        %dma_wait3A_540 = arith.constant 0 : i32
        %dma_wait3A_541 = arith.constant 0 : i32
        %dma_wait3A_542 = tpu.memref_slice %arg24[%dma_wait3A_540, %dma_wait3A_541] : memref<10000x128xf32, #tpu.memory_space<vmem_shared>> -> memref<10000x128xf32, #tpu.memory_space<vmem_shared>>
        tpu.wait_indirect_dma semaphore(%run_scoped3A_522 : memref<!tpu.dma_semaphore, #tpu.memory_space<semaphore_mem>>) src(%dma_wait3A_536 : memref<80x128xf32, #tpu.memory_space<vmem>>) dst(%dma_wait3A_542 : memref<10000x128xf32, #tpu.memory_space<vmem_shared>>)
        tpu.yield
      }) : () -> ()
      %mul3A_464 = arith.constant 80 : i32
      %mul3A_465 = arith.muli %min3A_341, %mul3A_464 : i32
      %add3A_466 = arith.addi %multiple_of3A, %mul3A_465 : i32
      %dma_start3A_467 = arith.constant 0 : i32
      %dma_start3A_468 = arith.constant 0 : i32
      %dma_start3A_469 = tpu.memref_slice %arg7[%and3A_334, %dma_start3A_467, %dma_start3A_468] : memref<2x2x80xi32, #tpu.memory_space<vmem>> -> memref<1x2x80xi32, #tpu.memory_space<vmem>>
      %dma_start3A_470 = tpu.memref_squeeze %dma_start3A_469 : memref<1x2x80xi32, #tpu.memory_space<vmem>> -> memref<2x80xi32, #tpu.memory_space<vmem>>
      %dma_start3A_471 = arith.constant 0 : i32
      %dma_start3A_472 = tpu.memref_slice %arg5[%dma_start3A_471, %add3A_466] : memref<2x160000xi32, #tpu.memory_space<hbm>> -> memref<2x80xi32, #tpu.memory_space<hbm>>
      %dma_start3A_473 = arith.constant 0 : i32
      %dma_start3A_474 = arith.constant 0 : i32
      %dma_start3A_475 = tpu.memref_slice %arg7[%and3A_334, %dma_start3A_473, %dma_start3A_474] : memref<2x2x80xi32, #tpu.memory_space<vmem>> -> memref<1x2x80xi32, #tpu.memory_space<vmem>>
      %dma_start3A_476 = tpu.memref_squeeze %dma_start3A_475 : memref<1x2x80xi32, #tpu.memory_space<vmem>> -> memref<2x80xi32, #tpu.memory_space<vmem>>
      %dma_start3A_477 = arith.constant 0 : i32
      %dma_start3A_478 = tpu.memref_slice %arg5[%dma_start3A_477, %add3A_466] : memref<2x160000xi32, #tpu.memory_space<hbm>> -> memref<2x80xi32, #tpu.memory_space<hbm>>
      tpu.enqueue_dma source(%dma_start3A_478 : memref<2x80xi32, #tpu.memory_space<hbm>>) target(%dma_start3A_476 : memref<2x80xi32, #tpu.memory_space<vmem>>) target_semaphore(%arg21 : memref<!tpu.dma_semaphore, #tpu.memory_space<semaphore_mem>>)
      %dma_wait3A_479 = arith.constant 0 : i32
      %dma_wait3A_480 = arith.constant 0 : i32
      %dma_wait3A_481 = arith.constant 0 : i32
      %dma_wait3A_482 = tpu.memref_slice %arg10[%sub3A_411, %dma_wait3A_480, %dma_wait3A_481] : memref<2x80x16xf32, #tpu.memory_space<vmem>> -> memref<1x80x16xf32, #tpu.memory_space<vmem>>
      %dma_wait3A_483 = tpu.memref_squeeze %dma_wait3A_482 : memref<1x80x16xf32, #tpu.memory_space<vmem>> -> memref<80x16xf32, #tpu.memory_space<vmem>>
      %dma_wait3A_484 = arith.constant 0 : i32
      %dma_wait3A_485 = tpu.memref_slice %arg7[%sub3A_411, %dma_wait3A_479, %dma_wait3A_484] : memref<2x2x80xi32, #tpu.memory_space<vmem>> -> memref<1x1x80xi32, #tpu.memory_space<vmem>>
      %dma_wait3A_486 = tpu.memref_squeeze %dma_wait3A_485 : memref<1x1x80xi32, #tpu.memory_space<vmem>> -> memref<80xi32, #tpu.memory_space<vmem>>
      %dma_wait3A_487 = arith.constant 0 : i32
      %dma_wait3A_488 = arith.constant 0 : i32
      %dma_wait3A_489 = tpu.memref_slice %arg3[%dma_wait3A_487, %dma_wait3A_488] : memref<10000x16xf32, #tpu.memory_space<hbm>> -> memref<10000x16xf32, #tpu.memory_space<hbm>>
      tpu.wait_indirect_dma semaphore(%arg17 : memref<!tpu.dma_semaphore, #tpu.memory_space<semaphore_mem>>) src(%dma_wait3A_489 : memref<10000x16xf32, #tpu.memory_space<hbm>>) dst(%dma_wait3A_483 : memref<80x16xf32, #tpu.memory_space<vmem>>)
      %dma_wait3A_490 = arith.constant 1 : i32
      %dma_wait3A_491 = arith.constant 0 : i32
      %dma_wait3A_492 = arith.constant 0 : i32
      %dma_wait3A_493 = tpu.memref_slice %arg11[%sub3A_411, %dma_wait3A_491, %dma_wait3A_492] : memref<2x80x16xf32, #tpu.memory_space<vmem>> -> memref<1x80x16xf32, #tpu.memory_space<vmem>>
      %dma_wait3A_494 = tpu.memref_squeeze %dma_wait3A_493 : memref<1x80x16xf32, #tpu.memory_space<vmem>> -> memref<80x16xf32, #tpu.memory_space<vmem>>
      %dma_wait3A_495 = arith.constant 0 : i32
      %dma_wait3A_496 = tpu.memref_slice %arg7[%sub3A_411, %dma_wait3A_490, %dma_wait3A_495] : memref<2x2x80xi32, #tpu.memory_space<vmem>> -> memref<1x1x80xi32, #tpu.memory_space<vmem>>
      %dma_wait3A_497 = tpu.memref_squeeze %dma_wait3A_496 : memref<1x1x80xi32, #tpu.memory_space<vmem>> -> memref<80xi32, #tpu.memory_space<vmem>>
      %dma_wait3A_498 = arith.constant 0 : i32
      %dma_wait3A_499 = arith.constant 0 : i32
      %dma_wait3A_500 = tpu.memref_slice %arg4[%dma_wait3A_498, %dma_wait3A_499] : memref<10000x16xf32, #tpu.memory_space<hbm>> -> memref<10000x16xf32, #tpu.memory_space<hbm>>
      tpu.wait_indirect_dma semaphore(%arg18 : memref<!tpu.dma_semaphore, #tpu.memory_space<semaphore_mem>>) src(%dma_wait3A_500 : memref<10000x16xf32, #tpu.memory_space<hbm>>) dst(%dma_wait3A_494 : memref<80x16xf32, #tpu.memory_space<vmem>>)
      %dma_wait3A_501 = arith.constant 0 : i32
      %dma_wait3A_502 = arith.constant 0 : i32
      %dma_wait3A_503 = tpu.memref_slice %arg14[%sub3A_411, %dma_wait3A_501, %dma_wait3A_502] : memref<2x80x128xf32, #tpu.memory_space<vmem>> -> memref<1x80x128xf32, #tpu.memory_space<vmem>>
      %dma_wait3A_504 = tpu.memref_squeeze %dma_wait3A_503 : memref<1x80x128xf32, #tpu.memory_space<vmem>> -> memref<80x128xf32, #tpu.memory_space<vmem>>
      %dma_wait3A_505 = arith.constant 0 : i32
      %dma_wait3A_506 = tpu.memref_slice %arg8[%sub3A_411, %dma_wait3A_505] : memref<2x80xi32, #tpu.memory_space<vmem>> -> memref<1x80xi32, #tpu.memory_space<vmem>>
      %dma_wait3A_507 = tpu.memref_squeeze %dma_wait3A_506 : memref<1x80xi32, #tpu.memory_space<vmem>> -> memref<80xi32, #tpu.memory_space<vmem>>
      %dma_wait3A_508 = arith.constant 0 : i32
      %dma_wait3A_509 = arith.constant 0 : i32
      %dma_wait3A_510 = tpu.memref_slice %arg2[%dma_wait3A_508, %dma_wait3A_509] : memref<20000x128xf32, #tpu.memory_space<hbm>> -> memref<20000x128xf32, #tpu.memory_space<hbm>>
      tpu.wait_indirect_dma semaphore(%arg19 : memref<!tpu.dma_semaphore, #tpu.memory_space<semaphore_mem>>) src(%dma_wait3A_510 : memref<20000x128xf32, #tpu.memory_space<hbm>>) dst(%dma_wait3A_504 : memref<80x128xf32, #tpu.memory_space<vmem>>)
      %dma_wait3A_511 = arith.constant 1 : i32
      %dma_wait3A_512 = arith.constant 0 : i32
      %dma_wait3A_513 = arith.constant 0 : i32
      %dma_wait3A_514 = tpu.memref_slice %arg12[%sub3A_411, %dma_wait3A_512, %dma_wait3A_513] : memref<2x80x16xf32, #tpu.memory_space<vmem>> -> memref<1x80x16xf32, #tpu.memory_space<vmem>>
      %dma_wait3A_515 = tpu.memref_squeeze %dma_wait3A_514 : memref<1x80x16xf32, #tpu.memory_space<vmem>> -> memref<80x16xf32, #tpu.memory_space<vmem>>
      %dma_wait3A_516 = arith.constant 0 : i32
      %dma_wait3A_517 = tpu.memref_slice %arg7[%sub3A_411, %dma_wait3A_511, %dma_wait3A_516] : memref<2x2x80xi32, #tpu.memory_space<vmem>> -> memref<1x1x80xi32, #tpu.memory_space<vmem>>
      %dma_wait3A_518 = tpu.memref_squeeze %dma_wait3A_517 : memref<1x1x80xi32, #tpu.memory_space<vmem>> -> memref<80xi32, #tpu.memory_space<vmem>>
      %dma_wait3A_519 = arith.constant 0 : i32
      %dma_wait3A_520 = arith.constant 0 : i32
      %dma_wait3A_521 = tpu.memref_slice %arg23[%dma_wait3A_519, %dma_wait3A_520] : memref<10000x16xf32, #tpu.memory_space<vmem_shared>> -> memref<10000x16xf32, #tpu.memory_space<vmem_shared>>
      tpu.wait_indirect_dma semaphore(%arg20 : memref<!tpu.dma_semaphore, #tpu.memory_space<semaphore_mem>>) src(%dma_wait3A_521 : memref<10000x16xf32, #tpu.memory_space<vmem_shared>>) dst(%dma_wait3A_515 : memref<80x16xf32, #tpu.memory_space<vmem>>)
    }
    %scan3A_307 = arith.constant 125 : i32
    %add3A_308 = arith.constant 9920 : i32
    %add3A_309 = arith.addi %multiple_of3A, %add3A_308 : i32
    %dma_wait3A_310 = arith.constant 0 : i32
    %dma_wait3A_311 = arith.constant 0 : i32
    %dma_wait3A_312 = arith.constant 0 : i32
    %dma_wait3A_313 = tpu.memref_slice %arg7[%dma_wait3A_310, %dma_wait3A_311, %dma_wait3A_312] : memref<2x2x80xi32, #tpu.memory_space<vmem>> -> memref<1x2x80xi32, #tpu.memory_space<vmem>>
    %dma_wait3A_314 = tpu.memref_squeeze %dma_wait3A_313 : memref<1x2x80xi32, #tpu.memory_space<vmem>> -> memref<2x80xi32, #tpu.memory_space<vmem>>
    %dma_wait3A_315 = arith.constant 0 : i32
    %dma_wait3A_316 = tpu.memref_slice %arg5[%dma_wait3A_315, %add3A_309] : memref<2x160000xi32, #tpu.memory_space<hbm>> -> memref<2x80xi32, #tpu.memory_space<hbm>>
    %dma_wait3A_317 = arith.constant 0 : i32
    %dma_wait3A_318 = arith.constant 0 : i32
    %dma_wait3A_319 = tpu.memref_slice %arg7[%dma_wait3A_310, %dma_wait3A_317, %dma_wait3A_318] : memref<2x2x80xi32, #tpu.memory_space<vmem>> -> memref<1x2x80xi32, #tpu.memory_space<vmem>>
    %dma_wait3A_320 = tpu.memref_squeeze %dma_wait3A_319 : memref<1x2x80xi32, #tpu.memory_space<vmem>> -> memref<2x80xi32, #tpu.memory_space<vmem>>
    %dma_wait3A_321 = arith.constant 0 : i32
    %dma_wait3A_322 = tpu.memref_slice %arg5[%dma_wait3A_321, %add3A_309] : memref<2x160000xi32, #tpu.memory_space<hbm>> -> memref<2x80xi32, #tpu.memory_space<hbm>>
    tpu.wait_dma2 semaphore(%arg21 : memref<!tpu.dma_semaphore, #tpu.memory_space<semaphore_mem>>) src(%dma_wait3A_322 : memref<2x80xi32, #tpu.memory_space<hbm>>) dst(%dma_wait3A_320 : memref<2x80xi32, #tpu.memory_space<vmem>>)
    %barrier3A_323 = arith.constant 0 : index
    tpu.barrier barrier_id(%barrier3A_323)
    %mul3A_324 = arith.constant 128 : i32
    %mul3A_325 = arith.muli %arg0, %mul3A_324 : i32
    %multiple_of3A_326 = tpu.assume_multiple %mul3A_325, 128 : i32
    %scan3A_327 = arith.constant 0 : i32
    %scan3A_328 = arith.constant 0 : i32
    %scan3A_329 = arith.constant 8 : i32
    %scan3A_330 = arith.addi %scan3A_328, %scan3A_329 : i32
    %scan3A_331 = arith.constant 1 : i32
    scf.for %scan3A_333 = %scan3A_328 to %scan3A_330 step %scan3A_331  : i32 {
      %mul3A_334 = arith.constant 16 : i32
      %mul3A_335 = arith.muli %scan3A_333, %mul3A_334 : i32
      %add3A_336 = arith.addi %arg1, %mul3A_335 : i32
      %lt3A_337 = arith.constant 125 : i32
      %lt3A_338 = arith.cmpi slt, %add3A_336, %lt3A_337 : i32
      %convert_element_type3A = arith.extui %lt3A_338 : i1 to i32
      %cond3A = arith.constant 0 : i32
      %cond3A_339 = arith.cmpi ne, %convert_element_type3A, %cond3A : i32
      scf.if %cond3A_339 {
        %mul3A_340 = arith.constant 80 : i32
        %mul3A_341 = arith.muli %add3A_336, %mul3A_340 : i32
        %multiple_of3A_342 = tpu.assume_multiple %mul3A_341, 8 : i32
        %run_scoped3A_343 = arith.constant 0 : i32
        "tpu.region"() ({
          %run_scoped3A_347 = tpu.sem_alloc : memref<!tpu.dma_semaphore, #tpu.memory_space<semaphore_mem>>
          %dma_start3A_348 = arith.constant 0 : i32
          %dma_start3A_349 = arith.constant 0 : i32
          %dma_start3A_350 = tpu.memref_slice %arg14[%run_scoped3A_343, %dma_start3A_348, %dma_start3A_349] : memref<2x80x128xf32, #tpu.memory_space<vmem>> -> memref<1x80x128xf32, #tpu.memory_space<vmem>>
          %dma_start3A_351 = tpu.memref_squeeze %dma_start3A_350 : memref<1x80x128xf32, #tpu.memory_space<vmem>> -> memref<80x128xf32, #tpu.memory_space<vmem>>
          %dma_start3A_352 = arith.constant 0 : i32
          %dma_start3A_353 = tpu.memref_slice %arg24[%multiple_of3A_342, %dma_start3A_352] : memref<10000x128xf32, #tpu.memory_space<vmem_shared>> -> memref<80x128xf32, #tpu.memory_space<vmem_shared>>
          %dma_start3A_354 = arith.constant 0 : i32
          %dma_start3A_355 = arith.constant 0 : i32
          %dma_start3A_356 = tpu.memref_slice %arg14[%run_scoped3A_343, %dma_start3A_354, %dma_start3A_355] : memref<2x80x128xf32, #tpu.memory_space<vmem>> -> memref<1x80x128xf32, #tpu.memory_space<vmem>>
          %dma_start3A_357 = tpu.memref_squeeze %dma_start3A_356 : memref<1x80x128xf32, #tpu.memory_space<vmem>> -> memref<80x128xf32, #tpu.memory_space<vmem>>
          %dma_start3A_358 = arith.constant 0 : i32
          %dma_start3A_359 = tpu.memref_slice %arg24[%multiple_of3A_342, %dma_start3A_358] : memref<10000x128xf32, #tpu.memory_space<vmem_shared>> -> memref<80x128xf32, #tpu.memory_space<vmem_shared>>
          tpu.enqueue_dma source(%dma_start3A_359 : memref<80x128xf32, #tpu.memory_space<vmem_shared>>) target(%dma_start3A_357 : memref<80x128xf32, #tpu.memory_space<vmem>>) target_semaphore(%run_scoped3A_347 : memref<!tpu.dma_semaphore, #tpu.memory_space<semaphore_mem>>)
          %dma_wait3A_360 = arith.constant 0 : i32
          %dma_wait3A_361 = arith.constant 0 : i32
          %dma_wait3A_362 = tpu.memref_slice %arg14[%run_scoped3A_343, %dma_wait3A_360, %dma_wait3A_361] : memref<2x80x128xf32, #tpu.memory_space<vmem>> -> memref<1x80x128xf32, #tpu.memory_space<vmem>>
          %dma_wait3A_363 = tpu.memref_squeeze %dma_wait3A_362 : memref<1x80x128xf32, #tpu.memory_space<vmem>> -> memref<80x128xf32, #tpu.memory_space<vmem>>
          %dma_wait3A_364 = arith.constant 0 : i32
          %dma_wait3A_365 = tpu.memref_slice %arg24[%multiple_of3A_342, %dma_wait3A_364] : memref<10000x128xf32, #tpu.memory_space<vmem_shared>> -> memref<80x128xf32, #tpu.memory_space<vmem_shared>>
          %dma_wait3A_366 = arith.constant 0 : i32
          %dma_wait3A_367 = arith.constant 0 : i32
          %dma_wait3A_368 = tpu.memref_slice %arg14[%run_scoped3A_343, %dma_wait3A_366, %dma_wait3A_367] : memref<2x80x128xf32, #tpu.memory_space<vmem>> -> memref<1x80x128xf32, #tpu.memory_space<vmem>>
          %dma_wait3A_369 = tpu.memref_squeeze %dma_wait3A_368 : memref<1x80x128xf32, #tpu.memory_space<vmem>> -> memref<80x128xf32, #tpu.memory_space<vmem>>
          %dma_wait3A_370 = arith.constant 0 : i32
          %dma_wait3A_371 = tpu.memref_slice %arg24[%multiple_of3A_342, %dma_wait3A_370] : memref<10000x128xf32, #tpu.memory_space<vmem_shared>> -> memref<80x128xf32, #tpu.memory_space<vmem_shared>>
          tpu.wait_dma2 semaphore(%run_scoped3A_347 : memref<!tpu.dma_semaphore, #tpu.memory_space<semaphore_mem>>) src(%dma_wait3A_371 : memref<80x128xf32, #tpu.memory_space<vmem_shared>>) dst(%dma_wait3A_369 : memref<80x128xf32, #tpu.memory_space<vmem>>)
          tpu.yield
        }) : () -> ()
        %parallel_loop3A = arith.constant 0 : i32
        %parallel_loop3A_344 = arith.constant 80 : i32
        %parallel_loop3A_345 = arith.constant 1 : i32
        scf.for %parallel_loop3A_347 = %parallel_loop3A to %parallel_loop3A_344 step %parallel_loop3A_345  : i32 {
          %parallel_loop3A_348 = arith.constant 0 : i32
          %parallel_loop3A_349 = arith.index_cast %parallel_loop3A_348 : i32 to index
          %parallel_loop3A_350 = arith.index_cast %parallel_loop3A_347 : i32 to index
          %parallel_loop3A_351 = arith.constant 0 : index
          %parallel_loop3A_352 = tpu.vector_load %arg14[%parallel_loop3A_349, %parallel_loop3A_350, %parallel_loop3A_351] {strides = array<i32>} : memref<2x80x128xf32, #tpu.memory_space<vmem>>, vector<16xf32>,
          %parallel_loop3A_353 = arith.constant 2.500000e-01 : f32
          %parallel_loop3A_354 = vector.broadcast %parallel_loop3A_353 : f32 to vector<16xf32>
          %parallel_loop3A_355 = arith.mulf %parallel_loop3A_352, %parallel_loop3A_354 : vector<16xf32>
          %parallel_loop3A_356 = arith.constant 0.000000e+00 : f32
          %parallel_loop3A_357 = vector.broadcast %parallel_loop3A_356 : f32 to vector<16xf32>
          %parallel_loop3A_358 = arith.cmpf ogt, %parallel_loop3A_355, %parallel_loop3A_357 : vector<16xf32>
          %parallel_loop3A_359 = math.exp %parallel_loop3A_355 : vector<16xf32>
          %parallel_loop3A_360 = arith.constant 1.000000e+00 : f32
          %parallel_loop3A_361 = vector.broadcast %parallel_loop3A_360 : f32 to vector<16xf32>
          %parallel_loop3A_362 = arith.subf %parallel_loop3A_359, %parallel_loop3A_361 : vector<16xf32>
          %parallel_loop3A_363 = arith.select %parallel_loop3A_358, %parallel_loop3A_355, %parallel_loop3A_362 : vector<16xi1>, vector<16xf32>
          %parallel_loop3A_364 = arith.constant 0 : i32
          %parallel_loop3A_365 = arith.index_cast %parallel_loop3A_364 : i32 to index
          %parallel_loop3A_366 = arith.index_cast %parallel_loop3A_347 : i32 to index
          %parallel_loop3A_367 = arith.constant 0 : index
          %parallel_loop3A_368 = tpu.vector_load %arg14[%parallel_loop3A_365, %parallel_loop3A_366, %parallel_loop3A_367] {strides = array<i32>} : memref<2x80x128xf32, #tpu.memory_space<vmem>>, vector<16xf32>,
          tpu.vector_store %arg14[%parallel_loop3A_365, %parallel_loop3A_366, %parallel_loop3A_367], %parallel_loop3A_363 {strides = array<i32>} : memref<2x80x128xf32, #tpu.memory_space<vmem>>, vector<16xf32>,
          %parallel_loop3A_369 = arith.constant 0 : i32
          %parallel_loop3A_370 = arith.index_cast %parallel_loop3A_369 : i32 to index
          %parallel_loop3A_371 = arith.index_cast %parallel_loop3A_347 : i32 to index
          %parallel_loop3A_372 = arith.constant 16 : index
          %parallel_loop3A_373 = tpu.vector_load %arg14[%parallel_loop3A_370, %parallel_loop3A_371, %parallel_loop3A_372] {strides = array<i32>} : memref<2x80x128xf32, #tpu.memory_space<vmem>>, vector<16xf32>,
          %parallel_loop3A_374 = arith.constant 2.500000e-01 : f32
          %parallel_loop3A_375 = vector.broadcast %parallel_loop3A_374 : f32 to vector<16xf32>
          %parallel_loop3A_376 = arith.mulf %parallel_loop3A_373, %parallel_loop3A_375 : vector<16xf32>
          %parallel_loop3A_377 = arith.constant 0.000000e+00 : f32
          %parallel_loop3A_378 = vector.broadcast %parallel_loop3A_377 : f32 to vector<16xf32>
          %parallel_loop3A_379 = arith.cmpf ogt, %parallel_loop3A_376, %parallel_loop3A_378 : vector<16xf32>
          %parallel_loop3A_380 = math.exp %parallel_loop3A_376 : vector<16xf32>
          %parallel_loop3A_381 = arith.constant 1.000000e+00 : f32
          %parallel_loop3A_382 = vector.broadcast %parallel_loop3A_381 : f32 to vector<16xf32>
          %parallel_loop3A_383 = arith.subf %parallel_loop3A_380, %parallel_loop3A_382 : vector<16xf32>
          %parallel_loop3A_384 = arith.select %parallel_loop3A_379, %parallel_loop3A_376, %parallel_loop3A_383 : vector<16xi1>, vector<16xf32>
          %parallel_loop3A_385 = arith.constant 0 : i32
          %parallel_loop3A_386 = arith.index_cast %parallel_loop3A_385 : i32 to index
          %parallel_loop3A_387 = arith.index_cast %parallel_loop3A_347 : i32 to index
          %parallel_loop3A_388 = arith.constant 16 : index
          %parallel_loop3A_389 = tpu.vector_load %arg14[%parallel_loop3A_386, %parallel_loop3A_387, %parallel_loop3A_388] {strides = array<i32>} : memref<2x80x128xf32, #tpu.memory_space<vmem>>, vector<16xf32>,
          tpu.vector_store %arg14[%parallel_loop3A_386, %parallel_loop3A_387, %parallel_loop3A_388], %parallel_loop3A_384 {strides = array<i32>} : memref<2x80x128xf32, #tpu.memory_space<vmem>>, vector<16xf32>,
          %parallel_loop3A_390 = arith.constant 0 : i32
          %parallel_loop3A_391 = arith.index_cast %parallel_loop3A_390 : i32 to index
          %parallel_loop3A_392 = arith.index_cast %parallel_loop3A_347 : i32 to index
          %parallel_loop3A_393 = arith.constant 32 : index
          %parallel_loop3A_394 = tpu.vector_load %arg14[%parallel_loop3A_391, %parallel_loop3A_392, %parallel_loop3A_393] {strides = array<i32>} : memref<2x80x128xf32, #tpu.memory_space<vmem>>, vector<16xf32>,
          %parallel_loop3A_395 = arith.constant 2.500000e-01 : f32
          %parallel_loop3A_396 = vector.broadcast %parallel_loop3A_395 : f32 to vector<16xf32>
          %parallel_loop3A_397 = arith.mulf %parallel_loop3A_394, %parallel_loop3A_396 : vector<16xf32>
          %parallel_loop3A_398 = arith.constant 0.000000e+00 : f32
          %parallel_loop3A_399 = vector.broadcast %parallel_loop3A_398 : f32 to vector<16xf32>
          %parallel_loop3A_400 = arith.cmpf ogt, %parallel_loop3A_397, %parallel_loop3A_399 : vector<16xf32>
          %parallel_loop3A_401 = math.exp %parallel_loop3A_397 : vector<16xf32>
          %parallel_loop3A_402 = arith.constant 1.000000e+00 : f32
          %parallel_loop3A_403 = vector.broadcast %parallel_loop3A_402 : f32 to vector<16xf32>
          %parallel_loop3A_404 = arith.subf %parallel_loop3A_401, %parallel_loop3A_403 : vector<16xf32>
          %parallel_loop3A_405 = arith.select %parallel_loop3A_400, %parallel_loop3A_397, %parallel_loop3A_404 : vector<16xi1>, vector<16xf32>
          %parallel_loop3A_406 = arith.constant 0 : i32
          %parallel_loop3A_407 = arith.index_cast %parallel_loop3A_406 : i32 to index
          %parallel_loop3A_408 = arith.index_cast %parallel_loop3A_347 : i32 to index
          %parallel_loop3A_409 = arith.constant 32 : index
          %parallel_loop3A_410 = tpu.vector_load %arg14[%parallel_loop3A_407, %parallel_loop3A_408, %parallel_loop3A_409] {strides = array<i32>} : memref<2x80x128xf32, #tpu.memory_space<vmem>>, vector<16xf32>,
          tpu.vector_store %arg14[%parallel_loop3A_407, %parallel_loop3A_408, %parallel_loop3A_409], %parallel_loop3A_405 {strides = array<i32>} : memref<2x80x128xf32, #tpu.memory_space<vmem>>, vector<16xf32>,
          %parallel_loop3A_411 = arith.constant 0 : i32
          %parallel_loop3A_412 = arith.index_cast %parallel_loop3A_411 : i32 to index
          %parallel_loop3A_413 = arith.index_cast %parallel_loop3A_347 : i32 to index
          %parallel_loop3A_414 = arith.constant 48 : index
          %parallel_loop3A_415 = tpu.vector_load %arg14[%parallel_loop3A_412, %parallel_loop3A_413, %parallel_loop3A_414] {strides = array<i32>} : memref<2x80x128xf32, #tpu.memory_space<vmem>>, vector<16xf32>,
          %parallel_loop3A_416 = arith.constant 2.500000e-01 : f32
          %parallel_loop3A_417 = vector.broadcast %parallel_loop3A_416 : f32 to vector<16xf32>
          %parallel_loop3A_418 = arith.mulf %parallel_loop3A_415, %parallel_loop3A_417 : vector<16xf32>
          %parallel_loop3A_419 = arith.constant 0.000000e+00 : f32
          %parallel_loop3A_420 = vector.broadcast %parallel_loop3A_419 : f32 to vector<16xf32>
          %parallel_loop3A_421 = arith.cmpf ogt, %parallel_loop3A_418, %parallel_loop3A_420 : vector<16xf32>
          %parallel_loop3A_422 = math.exp %parallel_loop3A_418 : vector<16xf32>
          %parallel_loop3A_423 = arith.constant 1.000000e+00 : f32
          %parallel_loop3A_424 = vector.broadcast %parallel_loop3A_423 : f32 to vector<16xf32>
          %parallel_loop3A_425 = arith.subf %parallel_loop3A_422, %parallel_loop3A_424 : vector<16xf32>
          %parallel_loop3A_426 = arith.select %parallel_loop3A_421, %parallel_loop3A_418, %parallel_loop3A_425 : vector<16xi1>, vector<16xf32>
          %parallel_loop3A_427 = arith.constant 0 : i32
          %parallel_loop3A_428 = arith.index_cast %parallel_loop3A_427 : i32 to index
          %parallel_loop3A_429 = arith.index_cast %parallel_loop3A_347 : i32 to index
          %parallel_loop3A_430 = arith.constant 48 : index
          %parallel_loop3A_431 = tpu.vector_load %arg14[%parallel_loop3A_428, %parallel_loop3A_429, %parallel_loop3A_430] {strides = array<i32>} : memref<2x80x128xf32, #tpu.memory_space<vmem>>, vector<16xf32>,
          tpu.vector_store %arg14[%parallel_loop3A_428, %parallel_loop3A_429, %parallel_loop3A_430], %parallel_loop3A_426 {strides = array<i32>} : memref<2x80x128xf32, #tpu.memory_space<vmem>>, vector<16xf32>,
          %parallel_loop3A_432 = arith.constant 0 : i32
          %parallel_loop3A_433 = arith.index_cast %parallel_loop3A_432 : i32 to index
          %parallel_loop3A_434 = arith.index_cast %parallel_loop3A_347 : i32 to index
          %parallel_loop3A_435 = arith.constant 64 : index
          %parallel_loop3A_436 = tpu.vector_load %arg14[%parallel_loop3A_433, %parallel_loop3A_434, %parallel_loop3A_435] {strides = array<i32>} : memref<2x80x128xf32, #tpu.memory_space<vmem>>, vector<16xf32>,
          %parallel_loop3A_437 = arith.constant 2.500000e-01 : f32
          %parallel_loop3A_438 = vector.broadcast %parallel_loop3A_437 : f32 to vector<16xf32>
          %parallel_loop3A_439 = arith.mulf %parallel_loop3A_436, %parallel_loop3A_438 : vector<16xf32>
          %parallel_loop3A_440 = arith.constant 0.000000e+00 : f32
          %parallel_loop3A_441 = vector.broadcast %parallel_loop3A_440 : f32 to vector<16xf32>
          %parallel_loop3A_442 = arith.cmpf ogt, %parallel_loop3A_439, %parallel_loop3A_441 : vector<16xf32>
          %parallel_loop3A_443 = math.exp %parallel_loop3A_439 : vector<16xf32>
          %parallel_loop3A_444 = arith.constant 1.000000e+00 : f32
          %parallel_loop3A_445 = vector.broadcast %parallel_loop3A_444 : f32 to vector<16xf32>
          %parallel_loop3A_446 = arith.subf %parallel_loop3A_443, %parallel_loop3A_445 : vector<16xf32>
          %parallel_loop3A_447 = arith.select %parallel_loop3A_442, %parallel_loop3A_439, %parallel_loop3A_446 : vector<16xi1>, vector<16xf32>
          %parallel_loop3A_448 = arith.constant 0 : i32
          %parallel_loop3A_449 = arith.index_cast %parallel_loop3A_448 : i32 to index
          %parallel_loop3A_450 = arith.index_cast %parallel_loop3A_347 : i32 to index
          %parallel_loop3A_451 = arith.constant 64 : index
          %parallel_loop3A_452 = tpu.vector_load %arg14[%parallel_loop3A_449, %parallel_loop3A_450, %parallel_loop3A_451] {strides = array<i32>} : memref<2x80x128xf32, #tpu.memory_space<vmem>>, vector<16xf32>,
          tpu.vector_store %arg14[%parallel_loop3A_449, %parallel_loop3A_450, %parallel_loop3A_451], %parallel_loop3A_447 {strides = array<i32>} : memref<2x80x128xf32, #tpu.memory_space<vmem>>, vector<16xf32>,
          %parallel_loop3A_453 = arith.constant 0 : i32
          %parallel_loop3A_454 = arith.index_cast %parallel_loop3A_453 : i32 to index
          %parallel_loop3A_455 = arith.index_cast %parallel_loop3A_347 : i32 to index
          %parallel_loop3A_456 = arith.constant 80 : index
          %parallel_loop3A_457 = tpu.vector_load %arg14[%parallel_loop3A_454, %parallel_loop3A_455, %parallel_loop3A_456] {strides = array<i32>} : memref<2x80x128xf32, #tpu.memory_space<vmem>>, vector<16xf32>,
          %parallel_loop3A_458 = arith.constant 2.500000e-01 : f32
          %parallel_loop3A_459 = vector.broadcast %parallel_loop3A_458 : f32 to vector<16xf32>
          %parallel_loop3A_460 = arith.mulf %parallel_loop3A_457, %parallel_loop3A_459 : vector<16xf32>
          %parallel_loop3A_461 = arith.constant 0.000000e+00 : f32
          %parallel_loop3A_462 = vector.broadcast %parallel_loop3A_461 : f32 to vector<16xf32>
          %parallel_loop3A_463 = arith.cmpf ogt, %parallel_loop3A_460, %parallel_loop3A_462 : vector<16xf32>
          %parallel_loop3A_464 = math.exp %parallel_loop3A_460 : vector<16xf32>
          %parallel_loop3A_465 = arith.constant 1.000000e+00 : f32
          %parallel_loop3A_466 = vector.broadcast %parallel_loop3A_465 : f32 to vector<16xf32>
          %parallel_loop3A_467 = arith.subf %parallel_loop3A_464, %parallel_loop3A_466 : vector<16xf32>
          %parallel_loop3A_468 = arith.select %parallel_loop3A_463, %parallel_loop3A_460, %parallel_loop3A_467 : vector<16xi1>, vector<16xf32>
          %parallel_loop3A_469 = arith.constant 0 : i32
          %parallel_loop3A_470 = arith.index_cast %parallel_loop3A_469 : i32 to index
          %parallel_loop3A_471 = arith.index_cast %parallel_loop3A_347 : i32 to index
          %parallel_loop3A_472 = arith.constant 80 : index
          %parallel_loop3A_473 = tpu.vector_load %arg14[%parallel_loop3A_470, %parallel_loop3A_471, %parallel_loop3A_472] {strides = array<i32>} : memref<2x80x128xf32, #tpu.memory_space<vmem>>, vector<16xf32>,
          tpu.vector_store %arg14[%parallel_loop3A_470, %parallel_loop3A_471, %parallel_loop3A_472], %parallel_loop3A_468 {strides = array<i32>} : memref<2x80x128xf32, #tpu.memory_space<vmem>>, vector<16xf32>,
          %parallel_loop3A_474 = arith.constant 0 : i32
          %parallel_loop3A_475 = arith.index_cast %parallel_loop3A_474 : i32 to index
          %parallel_loop3A_476 = arith.index_cast %parallel_loop3A_347 : i32 to index
          %parallel_loop3A_477 = arith.constant 96 : index
          %parallel_loop3A_478 = tpu.vector_load %arg14[%parallel_loop3A_475, %parallel_loop3A_476, %parallel_loop3A_477] {strides = array<i32>} : memref<2x80x128xf32, #tpu.memory_space<vmem>>, vector<16xf32>,
          %parallel_loop3A_479 = arith.constant 2.500000e-01 : f32
          %parallel_loop3A_480 = vector.broadcast %parallel_loop3A_479 : f32 to vector<16xf32>
          %parallel_loop3A_481 = arith.mulf %parallel_loop3A_478, %parallel_loop3A_480 : vector<16xf32>
          %parallel_loop3A_482 = arith.constant 0.000000e+00 : f32
          %parallel_loop3A_483 = vector.broadcast %parallel_loop3A_482 : f32 to vector<16xf32>
          %parallel_loop3A_484 = arith.cmpf ogt, %parallel_loop3A_481, %parallel_loop3A_483 : vector<16xf32>
          %parallel_loop3A_485 = math.exp %parallel_loop3A_481 : vector<16xf32>
          %parallel_loop3A_486 = arith.constant 1.000000e+00 : f32
          %parallel_loop3A_487 = vector.broadcast %parallel_loop3A_486 : f32 to vector<16xf32>
          %parallel_loop3A_488 = arith.subf %parallel_loop3A_485, %parallel_loop3A_487 : vector<16xf32>
          %parallel_loop3A_489 = arith.select %parallel_loop3A_484, %parallel_loop3A_481, %parallel_loop3A_488 : vector<16xi1>, vector<16xf32>
          %parallel_loop3A_490 = arith.constant 0 : i32
          %parallel_loop3A_491 = arith.index_cast %parallel_loop3A_490 : i32 to index
          %parallel_loop3A_492 = arith.index_cast %parallel_loop3A_347 : i32 to index
          %parallel_loop3A_493 = arith.constant 96 : index
          %parallel_loop3A_494 = tpu.vector_load %arg14[%parallel_loop3A_491, %parallel_loop3A_492, %parallel_loop3A_493] {strides = array<i32>} : memref<2x80x128xf32, #tpu.memory_space<vmem>>, vector<16xf32>,
          tpu.vector_store %arg14[%parallel_loop3A_491, %parallel_loop3A_492, %parallel_loop3A_493], %parallel_loop3A_489 {strides = array<i32>} : memref<2x80x128xf32, #tpu.memory_space<vmem>>, vector<16xf32>,
          %parallel_loop3A_495 = arith.constant 0 : i32
          %parallel_loop3A_496 = arith.index_cast %parallel_loop3A_495 : i32 to index
          %parallel_loop3A_497 = arith.index_cast %parallel_loop3A_347 : i32 to index
          %parallel_loop3A_498 = arith.constant 112 : index
          %parallel_loop3A_499 = tpu.vector_load %arg14[%parallel_loop3A_496, %parallel_loop3A_497, %parallel_loop3A_498] {strides = array<i32>} : memref<2x80x128xf32, #tpu.memory_space<vmem>>, vector<16xf32>,
          %parallel_loop3A_500 = arith.constant 2.500000e-01 : f32
          %parallel_loop3A_501 = vector.broadcast %parallel_loop3A_500 : f32 to vector<16xf32>
          %parallel_loop3A_502 = arith.mulf %parallel_loop3A_499, %parallel_loop3A_501 : vector<16xf32>
          %parallel_loop3A_503 = arith.constant 0.000000e+00 : f32
          %parallel_loop3A_504 = vector.broadcast %parallel_loop3A_503 : f32 to vector<16xf32>
          %parallel_loop3A_505 = arith.cmpf ogt, %parallel_loop3A_502, %parallel_loop3A_504 : vector<16xf32>
          %parallel_loop3A_506 = math.exp %parallel_loop3A_502 : vector<16xf32>
          %parallel_loop3A_507 = arith.constant 1.000000e+00 : f32
          %parallel_loop3A_508 = vector.broadcast %parallel_loop3A_507 : f32 to vector<16xf32>
          %parallel_loop3A_509 = arith.subf %parallel_loop3A_506, %parallel_loop3A_508 : vector<16xf32>
          %parallel_loop3A_510 = arith.select %parallel_loop3A_505, %parallel_loop3A_502, %parallel_loop3A_509 : vector<16xi1>, vector<16xf32>
          %parallel_loop3A_511 = arith.constant 0 : i32
          %parallel_loop3A_512 = arith.index_cast %parallel_loop3A_511 : i32 to index
          %parallel_loop3A_513 = arith.index_cast %parallel_loop3A_347 : i32 to index
          %parallel_loop3A_514 = arith.constant 112 : index
          %parallel_loop3A_515 = tpu.vector_load %arg14[%parallel_loop3A_512, %parallel_loop3A_513, %parallel_loop3A_514] {strides = array<i32>} : memref<2x80x128xf32, #tpu.memory_space<vmem>>, vector<16xf32>,
          tpu.vector_store %arg14[%parallel_loop3A_512, %parallel_loop3A_513, %parallel_loop3A_514], %parallel_loop3A_510 {strides = array<i32>} : memref<2x80x128xf32, #tpu.memory_space<vmem>>, vector<16xf32>,
        } {sc.loop_unroll_factor = 2 : i64, sc.parallel_access}
        %run_scoped3A_346 = arith.constant 0 : i32
        "tpu.region"() ({
          %run_scoped3A_347 = tpu.sem_alloc : memref<!tpu.dma_semaphore, #tpu.memory_space<semaphore_mem>>
          %dma_start3A_348 = arith.constant 0 : i32
          %dma_start3A_349 = arith.constant 0 : i32
          %dma_start3A_350 = tpu.memref_slice %arg14[%run_scoped3A_346, %dma_start3A_348, %dma_start3A_349] : memref<2x80x128xf32, #tpu.memory_space<vmem>> -> memref<1x80x128xf32, #tpu.memory_space<vmem>>
          %dma_start3A_351 = tpu.memref_squeeze %dma_start3A_350 : memref<1x80x128xf32, #tpu.memory_space<vmem>> -> memref<80x128xf32, #tpu.memory_space<vmem>>
          %dma_start3A_352 = tpu.memref_slice %arg6[%multiple_of3A_342, %multiple_of3A_326] : memref<10000x256xf32, #tpu.memory_space<hbm>> -> memref<80x128xf32, #tpu.memory_space<hbm>>
          %dma_start3A_353 = tpu.memref_slice %arg6[%multiple_of3A_342, %multiple_of3A_326] : memref<10000x256xf32, #tpu.memory_space<hbm>> -> memref<80x128xf32, #tpu.memory_space<hbm>>
          %dma_start3A_354 = arith.constant 0 : i32
          %dma_start3A_355 = arith.constant 0 : i32
          %dma_start3A_356 = tpu.memref_slice %arg14[%run_scoped3A_346, %dma_start3A_354, %dma_start3A_355] : memref<2x80x128xf32, #tpu.memory_space<vmem>> -> memref<1x80x128xf32, #tpu.memory_space<vmem>>
          %dma_start3A_357 = tpu.memref_squeeze %dma_start3A_356 : memref<1x80x128xf32, #tpu.memory_space<vmem>> -> memref<80x128xf32, #tpu.memory_space<vmem>>
          tpu.enqueue_dma source(%dma_start3A_357 : memref<80x128xf32, #tpu.memory_space<vmem>>) target(%dma_start3A_353 : memref<80x128xf32, #tpu.memory_space<hbm>>) target_semaphore(%run_scoped3A_347 : memref<!tpu.dma_semaphore, #tpu.memory_space<semaphore_mem>>)
          %dma_wait3A_358 = arith.constant 0 : i32
          %dma_wait3A_359 = arith.constant 0 : i32
          %dma_wait3A_360 = tpu.memref_slice %arg14[%run_scoped3A_346, %dma_wait3A_358, %dma_wait3A_359] : memref<2x80x128xf32, #tpu.memory_space<vmem>> -> memref<1x80x128xf32, #tpu.memory_space<vmem>>
          %dma_wait3A_361 = tpu.memref_squeeze %dma_wait3A_360 : memref<1x80x128xf32, #tpu.memory_space<vmem>> -> memref<80x128xf32, #tpu.memory_space<vmem>>
          %dma_wait3A_362 = tpu.memref_slice %arg6[%multiple_of3A_342, %multiple_of3A_326] : memref<10000x256xf32, #tpu.memory_space<hbm>> -> memref<80x128xf32, #tpu.memory_space<hbm>>
          %dma_wait3A_363 = tpu.memref_slice %arg6[%multiple_of3A_342, %multiple_of3A_326] : memref<10000x256xf32, #tpu.memory_space<hbm>> -> memref<80x128xf32, #tpu.memory_space<hbm>>
          %dma_wait3A_364 = arith.constant 0 : i32
          %dma_wait3A_365 = arith.constant 0 : i32
          %dma_wait3A_366 = tpu.memref_slice %arg14[%run_scoped3A_346, %dma_wait3A_364, %dma_wait3A_365] : memref<2x80x128xf32, #tpu.memory_space<vmem>> -> memref<1x80x128xf32, #tpu.memory_space<vmem>>
          %dma_wait3A_367 = tpu.memref_squeeze %dma_wait3A_366 : memref<1x80x128xf32, #tpu.memory_space<vmem>> -> memref<80x128xf32, #tpu.memory_space<vmem>>
          tpu.wait_dma2 semaphore(%run_scoped3A_347 : memref<!tpu.dma_semaphore, #tpu.memory_space<semaphore_mem>>) src(%dma_wait3A_367 : memref<80x128xf32, #tpu.memory_space<vmem>>) dst(%dma_wait3A_363 : memref<80x128xf32, #tpu.memory_space<hbm>>)
          tpu.yield
        }) : () -> ()
      } else {
      }
    }
    %scan3A_332 = arith.constant 8 : i32
    return
  }
}

module attributes {stable_mosaic.version = 14 : i64} {
  func.func @_tc_body(%arg0: i32, %arg1: memref<1000x256xf32, #tpu.memory_space<vmem>>, %arg2: memref<256x256xf32, #tpu.memory_space<vmem>>, %arg3: memref<256x32xf32, #tpu.memory_space<vmem>>, %arg4: memref<2x1000x128xf32, #tpu.memory_space<vmem>>, %arg5: memref<2x1000x16xf32, #tpu.memory_space<vmem>>) attributes {dimension_semantics = [#tpu.dimension_semantics<arbitrary>], iteration_bounds = array<i64: 10>, scalar_prefetch = 0 : i64, scratch_operands = 0 : i64, tpu.core_type = #tpu.core_type<tc>, window_params = [{transform_indices = @transform_0, window_bounds = array<i64: 1000, 256>}, {pipeline_mode = #tpu.pipeline_mode<synchronous>, transform_indices = @transform_1, window_bounds = array<i64: 256, 256>}, {pipeline_mode = #tpu.pipeline_mode<synchronous>, transform_indices = @transform_2, window_bounds = array<i64: 256, 32>}, {transform_indices = @transform_3, window_bounds = array<i64: 2, 1000, 128>}, {transform_indices = @transform_4, window_bounds = array<i64: 2, 1000, 16>}]} {
    %get3A = arith.constant 0 : index
    %get3A_0 = arith.constant 0 : index
    %get3A_1 = vector.load %arg1[%get3A, %get3A_0] : memref<1000x256xf32, #tpu.memory_space<vmem>>, vector<1000x256xf32>
    %get3A_2 = arith.constant 0 : index
    %get3A_3 = arith.constant 0 : index
    %get3A_4 = vector.load %arg2[%get3A_2, %get3A_3] : memref<256x256xf32, #tpu.memory_space<vmem>>, vector<256x256xf32>
    %dot_general3A = arith.constant dense<0.000000e+00> : vector<1000x256xf32>
    %dot_general3A_5 = tpu.matmul %get3A_1, %get3A_4, %dot_general3A {dimension_numbers = #tpu.dot_dimension_numbers<[1], [1], [0], [0], [0, 0, 1, 0], [], []>, transpose_lhs_hint = false} : vector<1000x256xf32>, vector<256x256xf32>, vector<1000x256xf32> -> vector<1000x256xf32>
    %slice3A = vector.extract_strided_slice %dot_general3A_5 {offsets = [0, 0], sizes = [1000, 128], strides = [1, 1]} : vector<1000x256xf32> to vector<1000x128xf32>
    %swap3A = arith.constant 0 : index
    %swap3A_6 = arith.constant 0 : index
    %swap3A_7 = arith.constant 0 : index
    %swap3A_8 = vector.load %arg4[%swap3A, %swap3A_6, %swap3A_7] : memref<2x1000x128xf32, #tpu.memory_space<vmem>>, vector<1x1000x128xf32>
    %swap3A_9 = vector.shape_cast %swap3A_8 : vector<1x1000x128xf32> to vector<1000x128xf32>
    %swap3A_10 = vector.shape_cast %slice3A : vector<1000x128xf32> to vector<1x1000x128xf32>
    tpu.vector_store %arg4[%swap3A, %swap3A_6, %swap3A_7], %swap3A_10 {strides = array<i32>} : memref<2x1000x128xf32, #tpu.memory_space<vmem>>, vector<1x1000x128xf32>,
    %slice3A_11 = vector.extract_strided_slice %dot_general3A_5 {offsets = [0, 128], sizes = [1000, 128], strides = [1, 1]} : vector<1000x256xf32> to vector<1000x128xf32>
    %swap3A_12 = arith.constant 1 : index
    %swap3A_13 = arith.constant 0 : index
    %swap3A_14 = arith.constant 0 : index
    %swap3A_15 = vector.load %arg4[%swap3A_12, %swap3A_13, %swap3A_14] : memref<2x1000x128xf32, #tpu.memory_space<vmem>>, vector<1x1000x128xf32>
    %swap3A_16 = vector.shape_cast %swap3A_15 : vector<1x1000x128xf32> to vector<1000x128xf32>
    %swap3A_17 = vector.shape_cast %slice3A_11 : vector<1000x128xf32> to vector<1x1000x128xf32>
    tpu.vector_store %arg4[%swap3A_12, %swap3A_13, %swap3A_14], %swap3A_17 {strides = array<i32>} : memref<2x1000x128xf32, #tpu.memory_space<vmem>>, vector<1x1000x128xf32>,
    %get3A_18 = arith.constant 0 : index
    %get3A_19 = arith.constant 0 : index
    %get3A_20 = vector.load %arg3[%get3A_18, %get3A_19] : memref<256x32xf32, #tpu.memory_space<vmem>>, vector<256x32xf32>
    %dot_general3A_21 = arith.constant dense<0.000000e+00> : vector<1000x32xf32>
    %dot_general3A_22 = tpu.matmul %dot_general3A_5, %get3A_20, %dot_general3A_21 {dimension_numbers = #tpu.dot_dimension_numbers<[1], [0], [0], [1], [0, 0, 1, 1], [], []>, transpose_lhs_hint = false} : vector<1000x256xf32>, vector<256x32xf32>, vector<1000x32xf32> -> vector<1000x32xf32>
    %slice3A_23 = vector.extract_strided_slice %dot_general3A_22 {offsets = [0, 0], sizes = [1000, 16], strides = [1, 1]} : vector<1000x32xf32> to vector<1000x16xf32>
    %swap3A_24 = arith.constant 0 : index
    %swap3A_25 = arith.constant 0 : index
    %swap3A_26 = arith.constant 0 : index
    %swap3A_27 = vector.load %arg5[%swap3A_24, %swap3A_25, %swap3A_26] : memref<2x1000x16xf32, #tpu.memory_space<vmem>>, vector<1x1000x16xf32>
    %swap3A_28 = vector.shape_cast %swap3A_27 : vector<1x1000x16xf32> to vector<1000x16xf32>
    %swap3A_29 = vector.shape_cast %slice3A_23 : vector<1000x16xf32> to vector<1x1000x16xf32>
    tpu.vector_store %arg5[%swap3A_24, %swap3A_25, %swap3A_26], %swap3A_29 {strides = array<i32>} : memref<2x1000x16xf32, #tpu.memory_space<vmem>>, vector<1x1000x16xf32>,
    %slice3A_30 = vector.extract_strided_slice %dot_general3A_22 {offsets = [0, 16], sizes = [1000, 16], strides = [1, 1]} : vector<1000x32xf32> to vector<1000x16xf32>
    %swap3A_31 = arith.constant 1 : index
    %swap3A_32 = arith.constant 0 : index
    %swap3A_33 = arith.constant 0 : index
    %swap3A_34 = vector.load %arg5[%swap3A_31, %swap3A_32, %swap3A_33] : memref<2x1000x16xf32, #tpu.memory_space<vmem>>, vector<1x1000x16xf32>
    %swap3A_35 = vector.shape_cast %swap3A_34 : vector<1x1000x16xf32> to vector<1000x16xf32>
    %swap3A_36 = vector.shape_cast %slice3A_30 : vector<1000x16xf32> to vector<1x1000x16xf32>
    tpu.vector_store %arg5[%swap3A_31, %swap3A_32, %swap3A_33], %swap3A_36 {strides = array<i32>} : memref<2x1000x16xf32, #tpu.memory_space<vmem>>, vector<1x1000x16xf32>,
    return
  }
  func.func @transform_0(%arg0: i32) -> (i32, i32) {
    %c0_i32 = arith.constant 0 : i32
    %c0_i32_0 = arith.constant 0 : i32
    return %arg0, %c0_i32 : i32, i32
  }
  func.func @transform_1(%arg0: i32) -> (i32, i32) {
    %c0_i32 = arith.constant 0 : i32
    %c0_i32_0 = arith.constant 0 : i32
    %c0_i32_1 = arith.constant 0 : i32
    return %c0_i32, %c0_i32_0 : i32, i32
  }
  func.func @transform_2(%arg0: i32) -> (i32, i32) {
    %c0_i32 = arith.constant 0 : i32
    %c0_i32_0 = arith.constant 0 : i32
    %c0_i32_1 = arith.constant 0 : i32
    return %c0_i32, %c0_i32_0 : i32, i32
  }
  func.func @transform_3(%arg0: i32) -> (i32, i32, i32) {
    %c0_i32 = arith.constant 0 : i32
    %c0_i32_0 = arith.constant 0 : i32
    %c0_i32_1 = arith.constant 0 : i32
    return %c0_i32, %arg0, %c0_i32_0 : i32, i32, i32
  }
  func.func @transform_4(%arg0: i32) -> (i32, i32, i32) {
    %c0_i32 = arith.constant 0 : i32
    %c0_i32_0 = arith.constant 0 : i32
    %c0_i32_1 = arith.constant 0 : i32
    return %c0_i32, %arg0, %c0_i32_0 : i32, i32, i32
  }
}

</mosaic_0001>

<sc_bundles>
// kernel: kernel.4.cloned.1.call-start
scs
__scs_entry_jumppad:
0x0: {  	(pc) =	sbr.rel $0x88, $3  }
0x1: {  	(tag) =	ssettag $0x0;
	lr =	simm.s32 $0x1  }
0x2: {  	[smem:$0x3F9D] =	sst lr;
	_ =	strace $0xD0000000  }
0x3: {  	_ = 	snop  }
0x4: {  	_ = 	snop  }
0x5: {  	_ = 	snop  }
0x6: {  	_ = 	snop  }
0x7: {  	_ = 	snop  }
__scs_overlays_trampoline_lowered:
0x8: {  	[smem:$0x3FAC] =	sst s0  }
0x9: {  	[smem:$0x3FAD] =	sst s1  }
0xa: {  	[smem:$0x3FAE] =	sst s2  }
0xb: {  	[smem:$0x3FAF] =	sst s3  }
0xc: {  	[smem:$0x3FB0] =	sst s4  }
0xd: {  	[smem:$0x3FB1] =	sst s5  }
0xe: {  	[smem:$0x3FB2] =	sst s6  }
0xf: {  	[smem:$0x3FB3] =	sst s7  }
0x10: {  	[smem:$0x3FB4] =	sst s8  }
0x11: {  	[smem:$0x3FB5] =	sst s9;
	s0 =	simm.s32 @!p0 $0x0  }
0x12: {  	s1 =	sld [smem:$0x3F9B];
	s0 =	simm.s32 @p0 $0x1  }
0x13: {  	[smem:$0x3FB6] =	sst s0;
	s0 =	simm.s32 @!p1 $0x0  }
0x14: {  	s2 =	sld [smem:$0x3F9A];
	s0 =	simm.s32 @p1 $0x1  }
0x15: {  	[smem:$0x3FB7] =	sst s0;
	s0 =	simm.s32 @!p2 $0x0  }
0x16: {  	s3 =	sld [smem:$0x3FDB];
	s0 =	simm.s32 @p2 $0x1  }
0x17: {  	s4 =	simm.s32 $0x1BF5;
	[smem:$0x3FB9] =	sst s0  }
0x18: {  	s0 =	sld [smem:$0x3F9C];
	_ =	swait.ge [sflag:s4], $0x0  }
0x19: {  	s7 =	sld [smem:$0x3F9D]  }
0x1a: {  	s8 =	sadd.s32 $0xFFFFE003, lr  }
0x1b: {  	s9 =	sadd.s32 $0xFFFFFEF7, lr;
	s5 =	simm.s32 $0xFFFFFFFF;
	p2 =	slt.u32 s8, $0xFFFFF086  }
0x1c: {  	p1 =	slt.u32 s9, $0xF7A;
	s5 =	simm.s32 @!p2 $0x0  }
0x1d: {  	s5 =	simm.s32 @p1 $0x1;
	p0 =	seq.s32 s7, s2  }
0x1e: {  	s7 =	smul.u32 @!p0 $0xF7A, s2;
	p2 =	seq.s32 @!p0 s5, $0x0  }
0x1f: {  	s9 =	smul.u32 $0xF7A, s1;
	s8 =	simm.s32 @!p0 $0x1BF5;
	p2 =	por !p2, p0  }
0x20: {  	[sflag:s8] =	ssyncset.s32 @!p0 $0xFFFFF086;
	s6 =	sadd.s32 @!p0 s3, s7;
	s7 =	simm.s32 @!p0 $0x108  }
0x21: {  	s3 =	sadd.s32 s3, s9;
	s6 =	sadd.s32 @!p0 $0x88, s6;
	s7 =	simm.s32 @p2 $0x1082  }
0x22: {  	[simem:s7], [sflag:s8] =	dma.local @!p0 [hbm:s6], $0xF7A  }
0x23: {  	s9 =	sor.u32 $0xD0000000, s2;
	s6 =	simm.s32 $0x108;
	_ =	swait.ge @!p0 [sflag:s8], $0x0  }
0x24: {  	s3 =	sadd.s32 $0x88, s3;
	s6 =	simm.s32 @!p1 $0x1082;
	[sflag:s4] =	ssyncset.s32 $0xFFFFF086  }
0x25: {  	[simem:s6], [sflag:s4] =	dma.local [hbm:s3], $0xF7A  }
0x26: {  	[smem:$0x3F9D] =	sst s1;
	(tag) =	ssettag s2;
	_ =	strace s9  }
0x27: {  	s1 =	sld [smem:$0x3FAD]  }
0x28: {  	s2 =	sld [smem:$0x3FAE]  }
0x29: {  	s4 =	sld [smem:$0x3FB0]  }
0x2a: {  	p0 =	seq.s32 s5, $0x0;
	s5 =	sld [smem:$0x3FB1]  }
0x2b: {  	s6 =	sld [smem:$0x3FB2]  }
0x2c: {  	s7 =	sld [smem:$0x3FB3]  }
0x2d: {  	s3 =	simm.s32 $0x108;
	s8 =	sld [smem:$0x3FB4]  }
0x2e: {  	s3 =	simm.s32 @!p0 $0x1082;
	s9 =	sld [smem:$0x3FB5]  }
0x2f: {  	lr =	sadd.s32 s0, s3;
	s0 =	sld [smem:$0x3FAC]  }
0x30: {  	s3 =	sld [smem:$0x3FAF]  }
0x31: {  	[smem:$0x3FB8] =	sst s10  }
0x32: {  	s10 =	sld [smem:$0x3FB6];
	_ =	sdelay $0x3  }
0x33: {  	p0 =	seq.s32 s10, $0x1;
	s10 =	sld [smem:$0x3FB8];
	_ =	sdelay $0x3  }
0x34: {  	[smem:$0x3FB8] =	sst s10  }
0x35: {  	s10 =	sld [smem:$0x3FB7];
	_ =	sdelay $0x3  }
0x36: {  	p1 =	seq.s32 s10, $0x1;
	s10 =	sld [smem:$0x3FB8];
	_ =	sdelay $0x3  }
0x37: {  	[smem:$0x3FB8] =	sst s10  }
0x38: {  	s10 =	sld [smem:$0x3FB9]  }
0x39: {  	_ = 	snop;
	(pc) =	sbr.ind lr, $3  }
0x3a: {  	_ = 	snop  }
0x3b: {  	_ = 	snop  }
0x3c: {  	p2 =	seq.s32 s10, $0x1;
	s10 =	sld [smem:$0x3FB8]  }
0x3d: {  	_ =	shalt  }
0x3e: {  	_ =	shalt  }
0x3f: {  	_ =	shalt  }
0x40: {  	_ =	shalt  }
0x41: {  	_ =	shalt  }
0x42: {  	_ =	shalt  }
0x43: {  	_ =	shalt  }
0x44: {  	_ =	shalt  }
0x45: {  	_ =	shalt  }
0x46: {  	_ =	shalt  }
0x47: {  	_ =	shalt  }
0x48: {  	_ =	shalt  }
0x49: {  	_ =	shalt  }
0x4a: {  	_ =	shalt  }
0x4b: {  	_ =	shalt  }
0x4c: {  	_ =	shalt  }
0x4d: {  	_ =	shalt  }
0x4e: {  	_ =	shalt  }
0x4f: {  	_ =	shalt  }
0x50: {  	_ =	shalt  }
0x51: {  	_ =	shalt  }
0x52: {  	_ =	shalt  }
0x53: {  	_ =	shalt  }
0x54: {  	_ =	shalt  }
0x55: {  	_ =	shalt  }
0x56: {  	_ =	shalt  }
0x57: {  	_ =	shalt  }
0x58: {  	_ =	shalt  }
0x59: {  	_ =	shalt  }
0x5a: {  	_ =	shalt  }
0x5b: {  	_ =	shalt  }
0x5c: {  	_ =	shalt  }
0x5d: {  	_ =	shalt  }
0x5e: {  	_ =	shalt  }
0x5f: {  	_ =	shalt  }
0x60: {  	_ =	shalt  }
0x61: {  	_ =	shalt  }
0x62: {  	_ =	shalt  }
0x63: {  	_ =	shalt  }
0x64: {  	_ =	shalt  }
0x65: {  	_ =	shalt  }
0x66: {  	_ =	shalt  }
0x67: {  	_ =	shalt  }
0x68: {  	_ =	shalt  }
0x69: {  	_ =	shalt  }
0x6a: {  	_ =	shalt  }
0x6b: {  	_ =	shalt  }
0x6c: {  	_ =	shalt  }
0x6d: {  	_ =	shalt  }
0x6e: {  	_ =	shalt  }
0x6f: {  	_ =	shalt  }
0x70: {  	_ =	shalt  }
0x71: {  	_ =	shalt  }
0x72: {  	_ =	shalt  }
0x73: {  	_ =	shalt  }
0x74: {  	_ =	shalt  }
0x75: {  	_ =	shalt  }
0x76: {  	_ =	shalt  }
0x77: {  	_ =	shalt  }
0x78: {  	_ =	shalt  }
0x79: {  	_ =	shalt  }
0x7a: {  	_ =	shalt  }
0x7b: {  	_ =	shalt  }
0x7c: {  	_ =	shalt  }
0x7d: {  	_ =	shalt  }
0x7e: {  	_ =	shalt  }
0x7f: {  	_ =	shalt  }
0x80: {  	_ =	shalt  }
0x81: {  	_ =	shalt  }
0x82: {  	_ =	shalt  }
0x83: {  	_ =	shalt  }
0x84: {  	_ =	shalt  }
0x85: {  	_ =	shalt  }
0x86: {  	_ =	shalt  }
0x87: {  	_ =	shalt  }
.Lfunc_end0:
.L_simem_size_0:
called_computation_lowered:
.L_overlay_start_0:
0x88: {  	s2 =	sld [smem:$0x3FD9]  }
0x89: {  	s3 =	sld [smem:$0x3FFE];
	_ =	sdelay $0x1  }
0x8a: {  	s1 =	srdreg.scid  }
0x8b: {  	s0 =	sand.u32 $0x1, s1  }
0x8c: {  	s17 =	sshll.u32 s0, $0xA;
	s2 =	sadd.s32 s3, s2  }
0x8d: {  	s2 =	sadd.s32 s2, s17  }
0x8e: {  	[smem:$0x3FC4] =	sst s2  }
0x8f: {  	_ = 	snop  }
0x90: {  	s2 =	sld [smem:$0x3FD0];
	(tm) =	ssettm $0x1  }
0x91: {  	s18 =	sld [smem:$0x3FFB];
	_ =	sdelay $0x3  }
0x92: {  	_ =	strace s18  }
0x93: {  	s3 =	sld [smem:$0x3FFC];
	_ =	sdelay $0x3  }
0x94: {  	_ =	strace s3  }
0x95: {  	s3 =	sld [smem:$0x3FFD];
	_ =	sdelay $0x3  }
0x96: {  	_ =	strace s3  }
0x97: {  	_ =	strace $0x8FFFFFFF  }
0x98: {  	s19 =	sld [smem:$0x3FDB];
	_ =	sdelay $0x1  }
0x99: {  	s4 =	simm.s32 $_scs_section_size  }
0x9a: {  	s5 =	simm.s32 $_size__tile_overlayer_lowered;
	s6 =	simm.s32 $_tile_overlayer_lowered  }
0x9b: {  	s22 =	simm.s32 $0x1BFF;
	s21 =	sshll.u32 s6, $0x1;
	s3 =	sadd.s32 s4, s19  }
0x9c: {  	s7 =	simm.s32 $0x0;
	s20 =	sshll.u32 s5, $0x1;
	s5 =	sadd.s32 s21, s3  }
0x9d: {  	[timem:s7], [sflag:s22] =	dma.local [hbm:s5], s20  }
0x9e: {  	_ =	swait.ge [sflag:s22], s20  }
0x9f: {  	s4 =	ssub.s32 $0x0, s20;
	[sflag:s22] =	ssyncset.done $0x0  }
0xa0: {  	[sflag:s22] =	ssyncadd.s32 s4;
	_ =	sdelay $0x1  }
0xa1: {  	s23 =	simm.s32 $0x1B8B  }
0xa2: {  	_ =	swait.ge [sflag:s23], $0x1  }
0xa3: {  	[sflag:s23] =	ssyncset.done $0x0  }
0xa4: {  	s25 =	simm.s32 $0x1B8E;
	s24 =	sld [smem:$0x3FFE];
	[sflag:s23] =	ssyncadd.s32 $0xFFFFFFFF  }
0xa5: {  	s26 =	simm.s32 $execute0_lowered;
	[smem:$0x3FD2] =	sst s25  }
0xa6: {  	s5 =	sshll.u32 s26, $0x1;
	_ =	strace $0x80000046;
	[dreg:$0x1] =	wrdreg $0xFFFFFFFF  }
0xa7: {  	s28 =	simm.s32 $_size_execute0_lowered;
	s3 =	sadd.s32 s3, s5;
	[dreg:$0x0] =	wrdreg $0x0  }
0xa8: {  	s5 =	sshll.u32 s28, $0x1;
	[dreg:$0x2] =	wrdreg s3  }
0xa9: {  	[dreg:$0x3] =	wrdreg s5  }
0xaa: {  	[dreg:$0x4] =	wrdreg $0xC0  }
0xab: {  	_ =	task [dreg:s7], $0x5FFFF  }
0xac: {  	[dreg:$0x1] =	wrdreg $0xFFFFFFFF  }
0xad: {  	[dreg:$0x0] =	wrdreg $0x60  }
0xae: {  	[dreg:$0x2] =	wrdreg s2  }
0xaf: {  	[dreg:$0x3] =	wrdreg s24  }
0xb0: {  	[dreg:$0x4] =	wrdreg $0xA6E00  }
0xb1: {  	[dreg:$0x5] =	wrdreg $0x7FD00  }
0xb2: {  	[dreg:$0x6] =	wrdreg $0x9  }
0xb3: {  	_ =	task.clear_ibuf [dreg:s7], $0x7FFFF;
	_ =	strace $0x90000046  }
0xb4: {  	s29 =	simm.s32 $0x9;
	_ =	strace $0x80000048  }
0xb5: {  	_ =	swait.ge [sflag:s29], $0x1  }
0xb6: {  	[sflag:s29] =	ssyncadd.s32 $0xFFFFFFFF  }
0xb7: {  	_ =	strace $0x90000048  }
0xb8: {  	_ =	sfence  }
0xb9: {  	s30 =	sld [smem:$0x0];
	_ =	sdelay $0x2  }
0xba: {  	s31 =	sshll.u32 s1, $0xD;
	s1 =	sshrl.u32 s1, $0x2  }
0xbb: {  	s3 =	sand.u32 $0x4000, s31;
	s1 =	sadd.s32 s1, s30  }
0xbc: {  	s0 =	sor.u32 s3, s0;
	s1 =	sshll.u32 s1, $0x11  }
0xbd: {  	s0 =	sor.u32 s1, s0  }
0xbe: {  	s0 =	sadd.s32 $0x8F2B, s0  }
0xbf: {  	[sflag:s0] =	ssyncadd.remote.s32 $0x1  }
0xc0: {  	_ =	sfence.sel $0xFFFF  }
0xc1: {  	[dreg:$0x0] =	wrdreg $0xFFFFFFFF;
	(pc) =	sbr.abs _section_cstart, $3  }
0xc2: {  	[dreg:$0x1] =	wrdreg $0xFFFFFFFF  }
0xc3: {  	_ =	task.clear_ibuf [dreg:s7], $0x2FFFF;
	_ =	strace $0x9FFFFFFF  }
0xc4: {  	(tm) =	ssettm $0x7FFFFFFF  }
0xc5: {  	_ =	shalt  }
tec
execute0_lowered:
.L_overlay_start_1:
0x0: {  	(tag) =	ssettag $0x1  }
0x1: {  	s1 =	rddreg [dreg:$0x0]  }
0x2: {  	s0 =	rddreg [dreg:$0x1];
	s5 =	stileid.u32  }
0x3: {  	s2 =	rddreg [dreg:$0x2];
	s10 =	smul.u32 $0x2710, s5  }
0x4: {  	s4 =	srdreg.scid;
	s14 =	smul.u32 $0xA000, s5  }
0x5: {  	s3 =	rddreg [dreg:$0x3];
	s4 =	sand.u32 $0x1, s4;
	s30 =	smul.u32 $0x1400, s5  }
0x6: {  	s22 =	simm.s32 $0x0;
	s31 =	sor.u32 $0x10, s5;
	s13 =	smul.u32 $0x2710, s4  }
0x7: {  	[smem:$0x7FF] =	sst s22;
	s6 =	sadd.s32 $0x600, s0;
	s16 =	smul.u32 $0xA000, s31  }
0x8: {  	s7 =	sadd.s32 $0x5600, s0;
	s19 =	sor.u32 $0x20, s5;
	s18 =	smul.u32 $0x1400, s31  }
0x9: {  	s8 =	sadd.s32 $0xA600, s0;
	s28 =	sadd.s32 $0x14400, s0;
	s20 =	smul.u32 $0xA000, s19  }
0xa: {  	s23 =	sor.u32 $0x30, s5;
	_ =	strace $0x80000047;
	s21 =	smul.u32 $0x1400, s19  }
0xb: {  	s9 =	ssub.s32 $0x2, s4;
	s12 =	sshll.u32 s4, $0x7;
	s24 =	smul.u32 $0xA000, s23  }
0xc: {  	[dreg:$0x6] =	wrdreg s28;
	s25 =	sshrl.u32 s9, $0x1;
	s26 =	sshrl.u32 s10, $0x3  }
0xd: {  	s11 =	sadd.s32 $0xA0, s10;
	s29 =	sshrl.u32 s14, $0x2;
	s17 =	sshrl.u32 s30, $0x2  }
0xe: {  	s0 =	ssub.s32 s9, s25;
	s15 =	sadd.s32 s8, s26;
	s14 =	sadd.s32 s29, s2  }
0xf: {  	s4 =	sadd.s32 s17, s3;
	s9 =	sshrl.u32 s18, $0x2;
	s25 =	sshrl.u32 s24, $0x2  }
0x10: {  	s26 =	smul.u32 $0x1400, s23;
	s29 =	sor.u32 $0x40, s5;
	s17 =	sor.u32 $0x60, s5  }
0x11: {  	v1 =	vmov s13;
	s13 =	simm.s32 $0x8;
	s0 =	smax.u32 s0, $0x1;
	[dreg:$0x9] =	wrdreg s14  }
0x12: {  	[dreg:$0xa] =	wrdreg s4;
	s4 =	sshrl.u32 s20, $0x2;
	s31 =	smul.u32 $0xA000, s29  }
0x13: {  	s9 =	sadd.s32 s9, s3;
	s30 =	sadd.s32 s25, s2;
	s10 =	smul.u32 $0x1400, s29  }
0x14: {  	s14 =	sor.u32 $0x50, s5;
	s19 =	smul.u32 $0xA000, s17;
	[dreg:$0x7] =	wrdreg s15  }
0x15: {  	s20 =	smul.u32 $0x1400, s17;
	s17 =	simm.s32 $0x27100;
	[dreg:$0x8] =	wrdreg s0  }
0x16: {  	s0 =	sshrl.u32 s16, $0x2;
	[dreg:$0xc] =	wrdreg s9;
	s4 =	sadd.s32 s4, s2  }
0x17: {  	[dreg:$0xf] =	wrdreg s30;
	s9 =	sshrl.u32 s26, $0x2;
	s16 =	smul.u32 $0xA000, s14  }
0x18: {  	s0 =	sadd.s32 s0, s2;
	[dreg:$0xd] =	wrdreg s4;
	s4 =	sadd.s32 s9, s3  }
0x19: {  	s9 =	sshrl.u32 s10, $0x2;
	s10 =	smul.u32 $0x1400, s14;
	s25 =	sshrl.u32 s20, $0x2  }
0x1a: {  	s20 =	simm.s32 $0x1;
	[dreg:$0xb] =	wrdreg s0;
	s0 =	sshrl.u32 s21, $0x2  }
0x1b: {  	[dreg:$0x10] =	wrdreg s4;
	s18 =	sadd.s32 s9, s3;
	s4 =	sshrl.u32 s16, $0x2  }
0x1c: {  	s21 =	sor.u32 $0x70, s5;
	s16 =	simm.s32 $0x50;
	s0 =	sadd.s32 s0, s3  }
0x1d: {  	[dreg:$0x12] =	wrdreg s18;
	s4 =	sadd.s32 s4, s2;
	s24 =	smul.u32 $0xA000, s21  }
0x1e: {  	s23 =	sshrl.u32 s10, $0x2;
	p0 =	sgt.u32 s21, $0x7C;
	s14 =	smul.u32 $0x1400, s21  }
0x1f: {  	v0 =	vlaneseq.u32;
	s21 =	simm.s32 $0x2;
	s18 =	simm.s32 $0x3;
	[dreg:$0xe] =	wrdreg s0  }
0x20: {  	v0 =	vmul.u32 $0x10, v0;
	s0 =	sshrl.u32 s31, $0x2;
	[dreg:$0x13] =	wrdreg s4;
	s4 =	sadd.s32 s23, s3  }
0x21: {  	v2 =	vimm.f32 $0.0e+00;
	v22 =	vimm.s32 $0x0;
	vm1 =	vcmask $0x300;
	s31 =	sadd.s32 $0xA, s15;
	s15 =	simm.s32 $0x7;
	[dreg:$0x14] =	wrdreg s4  }
0x22: {  	vm0 =	vmmov $0xf;
	v22 =	vsel vm1, $0x3, v22;
	v3 =	vor.u32 $0x1, v0;
	s23 =	simm.s32 $0x5;
	s0 =	sadd.s32 s0, s2;
	[dreg:$0x19] =	wrdreg s31  }
0x23: {  	v4 =	vor.u32 $0x2, v0;
	v5 =	vor.u32 $0x3, v0;
	v6 =	vor.u32 $0x100, v0;
	s26 =	sshrl.u32 s24, $0x2;
	s29 =	sshrl.u32 s14, $0x2;
	[dreg:$0x11] =	wrdreg s0  }
.Ltmp0:
0x24: {  	v7 =	vor.u32 $0x101, v0;
	v8 =	vor.u32 $0x102, v0;
	v9 =	vor.u32 $0x103, v0;
	s0 =	sshrl.u32 s19, $0x2;
	s30 =	sadd.s32 s29, s3;
	(pc) =	sbr.rel .LBB2_1-.Ltmp0, $4  }
0x25: {  	v10 =	vor.u32 $0x200, v0;
	v11 =	vor.u32 $0x201, v0;
	v12 =	vor.u32 $0x202, v0;
	s14 =	simm.s32 $0x2080;
	s0 =	sadd.s32 s0, s2;
	[dreg:$0x18] =	wrdreg s30  }
0x26: {  	v13 =	vor.u32 $0x203, v0;
	v14 =	vor.u32 $0x300, v0;
	v15 =	vor.u32 $0x301, v0;
	s19 =	simm.s32 $0x4;
	[dreg:$0x15] =	wrdreg s0;
	s0 =	sadd.s32 s25, s3  }
0x27: {  	v16 =	vor.u32 $0x302, v0;
	v17 =	vor.u32 $0x303, v0;
	v18 =	vor.u32 $0x400, v0;
	s25 =	simm.s32 $0x7AD0;
	[dreg:$0x16] =	wrdreg s0;
	s0 =	sadd.s32 s26, s2  }
0x28: {  	v19 =	vor.u32 $0x401, v0;
	v20 =	vor.u32 $0x402, v0;
	v21 =	vor.u32 $0x403, v0;
	s26 =	simm.s32 $0x7A80;
	[dreg:$0x17] =	wrdreg s0;
	s0 =	simm.s32 $0x2A80  }
.LBB2_25:
0x29: {  	s22 =	sadd.s32 $0x1, s22;
	s4 =	rddreg [dreg:$0x8]  }
0x2a: {  	p1 =	sne.s32 s22, s4  }
.Ltmp1:
0x2b: {  	_ = 	snop;
	(pc) =	sbr.rel @!p1 .LBB2_26-.Ltmp1, $1  }
0x2c: {  	_ =	sdelay $0x3  }
.LBB2_1:
0x2d: {  	s4 =	simm.s32 $0x2AC0  }
0x2e: {  	[tilespmem:s4+$0xFFFFFFD0] =	vst v2  }
0x2f: {  	[tilespmem:s4+$0xFFFFFFE0] =	vst v2  }
0x30: {  	[tilespmem:s4+$0xFFFFFFF0] =	vst v2  }
0x31: {  	[tilespmem:s4+$0x0] =	vst v2  }
0x32: {  	[tilespmem:s4+$0x10] =	vst v2  }
0x33: {  	[tilespmem:s4+$0x20] =	vst v2  }
0x34: {  	[tilespmem:s4+$0x30] =	vst v2  }
0x35: {  	[dreg:$0x5] =	wrdreg s22;
	s10 =	simm.s32 $0x0;
	s9 =	simm.s32 $0x40;
	[tilespmem:s4+$0xFFFFFFC0] =	vst v2  }
.LBB2_2:
0x36: {  	p1 =	sne.s32 s9, $0x13C0;
	[tilespmem:s10+$0x2080] =	vst v2;
	s4 =	sadd.s32 $0x80, s4  }
0x37: {  	[tilespmem:s4+$0xFFFFFFD0] =	vst v2  }
0x38: {  	[tilespmem:s4+$0xFFFFFFE0] =	vst v2  }
0x39: {  	[tilespmem:s4+$0xFFFFFFF0] =	vst v2  }
.Ltmp2:
0x3a: {  	[tilespmem:s4+$0x0] =	vst v2;
	(pc) =	sbr.rel @p1 .LBB2_2-.Ltmp2, $4  }
0x3b: {  	[tilespmem:s4+$0x10] =	vst v2  }
0x3c: {  	[tilespmem:s4+$0x20] =	vst v2  }
0x3d: {  	[tilespmem:s4+$0x30] =	vst v2  }
0x3e: {  	s10 =	sshra.s32 s9, $0x2;
	s9 =	sadd.s32 $0x40, s9;
	[tilespmem:s4+$0xFFFFFFC0] =	vst v2  }
0x3f: {  	[tilespmem:s10+$0x2080] =	vst v2;
	s4 =	rddreg [dreg:$0x9]  }
0x40: {  	[spmem:s4] =	stream.linear.scatter [tilespmem:s0], [sflag:$0x8], $0x2800, $0x38;
	[tilespmem:$0x1DF60] =	vst v63  }
0x41: {  	_ =	swait.ge [sflag:s13], $0x2800  }
0x42: {  	[sflag:s13] =	ssyncset.done $0x0  }
0x43: {  	s30 =	rddreg [dreg:$0xa];
	[sflag:s13] =	ssyncadd.s32 $0xFFFFD800  }
0x44: {  	[spmem:s30] =	stream.linear.scatter [tilespmem:s14], [sflag:$0x7], $0x500, $0x38;
	[tilespmem:$0x1DF60] =	vst v63  }
0x45: {  	_ =	swait.ge [sflag:s15], $0x500  }
0x46: {  	[sflag:s15] =	ssyncset.done $0x0  }
0x47: {  	s31 =	rddreg [dreg:$0xb];
	[sflag:s15] =	ssyncadd.s32 $0xFFFFFB00  }
0x48: {  	[spmem:s31] =	stream.linear.scatter [tilespmem:s0], [sflag:$0x8], $0x2800, $0x38;
	[tilespmem:$0x1DF60] =	vst v63  }
0x49: {  	_ =	swait.ge [sflag:s13], $0x2800  }
0x4a: {  	[sflag:s13] =	ssyncset.done $0x0  }
0x4b: {  	s9 =	rddreg [dreg:$0xc];
	[sflag:s13] =	ssyncadd.s32 $0xFFFFD800  }
0x4c: {  	[spmem:s9] =	stream.linear.scatter [tilespmem:s14], [sflag:$0x7], $0x500, $0x38;
	[tilespmem:$0x1DF60] =	vst v63  }
0x4d: {  	_ =	swait.ge [sflag:s15], $0x500  }
0x4e: {  	[sflag:s15] =	ssyncset.done $0x0  }
0x4f: {  	s10 =	rddreg [dreg:$0xd];
	[sflag:s15] =	ssyncadd.s32 $0xFFFFFB00  }
0x50: {  	[spmem:s10] =	stream.linear.scatter [tilespmem:s0], [sflag:$0x8], $0x2800, $0x38;
	[tilespmem:$0x1DF60] =	vst v63  }
0x51: {  	_ =	swait.ge [sflag:s13], $0x2800  }
0x52: {  	[sflag:s13] =	ssyncset.done $0x0  }
0x53: {  	s22 =	rddreg [dreg:$0xe];
	[sflag:s13] =	ssyncadd.s32 $0xFFFFD800  }
0x54: {  	[spmem:s22] =	stream.linear.scatter [tilespmem:s14], [sflag:$0x7], $0x500, $0x38;
	[tilespmem:$0x1DF60] =	vst v63  }
0x55: {  	_ =	swait.ge [sflag:s15], $0x500  }
0x56: {  	[sflag:s15] =	ssyncset.done $0x0  }
0x57: {  	s24 =	rddreg [dreg:$0xf];
	[sflag:s15] =	ssyncadd.s32 $0xFFFFFB00  }
0x58: {  	[spmem:s24] =	stream.linear.scatter [tilespmem:s0], [sflag:$0x8], $0x2800, $0x38;
	[tilespmem:$0x1DF60] =	vst v63  }
0x59: {  	_ =	swait.ge [sflag:s13], $0x2800  }
0x5a: {  	[sflag:s13] =	ssyncset.done $0x0  }
0x5b: {  	s28 =	rddreg [dreg:$0x10];
	[sflag:s13] =	ssyncadd.s32 $0xFFFFD800  }
0x5c: {  	[spmem:s28] =	stream.linear.scatter [tilespmem:s14], [sflag:$0x7], $0x500, $0x38;
	[tilespmem:$0x1DF60] =	vst v63  }
0x5d: {  	_ =	swait.ge [sflag:s15], $0x500  }
0x5e: {  	[sflag:s15] =	ssyncset.done $0x0  }
0x5f: {  	s29 =	rddreg [dreg:$0x11];
	[sflag:s15] =	ssyncadd.s32 $0xFFFFFB00  }
0x60: {  	[spmem:s29] =	stream.linear.scatter [tilespmem:s0], [sflag:$0x8], $0x2800, $0x38;
	[tilespmem:$0x1DF60] =	vst v63  }
0x61: {  	_ =	swait.ge [sflag:s13], $0x2800  }
0x62: {  	[sflag:s13] =	ssyncset.done $0x0  }
0x63: {  	s30 =	rddreg [dreg:$0x12];
	[sflag:s13] =	ssyncadd.s32 $0xFFFFD800  }
0x64: {  	[spmem:s30] =	stream.linear.scatter [tilespmem:s14], [sflag:$0x7], $0x500, $0x38;
	[tilespmem:$0x1DF60] =	vst v63  }
0x65: {  	_ =	swait.ge [sflag:s15], $0x500  }
0x66: {  	[sflag:s15] =	ssyncset.done $0x0  }
0x67: {  	s31 =	rddreg [dreg:$0x13];
	[sflag:s15] =	ssyncadd.s32 $0xFFFFFB00  }
0x68: {  	[spmem:s31] =	stream.linear.scatter [tilespmem:s0], [sflag:$0x8], $0x2800, $0x38;
	[tilespmem:$0x1DF60] =	vst v63  }
0x69: {  	_ =	swait.ge [sflag:s13], $0x2800  }
0x6a: {  	[sflag:s13] =	ssyncset.done $0x0  }
0x6b: {  	s9 =	rddreg [dreg:$0x14];
	[sflag:s13] =	ssyncadd.s32 $0xFFFFD800  }
0x6c: {  	[spmem:s9] =	stream.linear.scatter [tilespmem:s14], [sflag:$0x7], $0x500, $0x38;
	[tilespmem:$0x1DF60] =	vst v63  }
0x6d: {  	_ =	swait.ge [sflag:s15], $0x500  }
0x6e: {  	[sflag:s15] =	ssyncset.done $0x0  }
0x6f: {  	s10 =	rddreg [dreg:$0x15];
	[sflag:s15] =	ssyncadd.s32 $0xFFFFFB00  }
0x70: {  	[spmem:s10] =	stream.linear.scatter [tilespmem:s0], [sflag:$0x8], $0x2800, $0x38;
	[tilespmem:$0x1DF60] =	vst v63  }
0x71: {  	_ =	swait.ge [sflag:s13], $0x2800  }
0x72: {  	[sflag:s13] =	ssyncset.done $0x0  }
0x73: {  	s22 =	rddreg [dreg:$0x16];
	[sflag:s13] =	ssyncadd.s32 $0xFFFFD800  }
0x74: {  	[spmem:s22] =	stream.linear.scatter [tilespmem:s14], [sflag:$0x7], $0x500, $0x38;
	[tilespmem:$0x1DF60] =	vst v63  }
0x75: {  	_ =	swait.ge [sflag:s15], $0x500  }
0x76: {  	[sflag:s15] =	ssyncset.done $0x0  }
0x77: {  	s4 =	simm.s32 @!p0 $0x2A80;
	s9 =	rddreg [dreg:$0x17];
	[sflag:s15] =	ssyncadd.s32 $0xFFFFFB00  }
0x78: {  	[spmem:s9] =	stream.linear.scatter @!p0 [tilespmem:s4], [sflag:$0x8], $0x2800, $0x38;
	[tilespmem:$0x1DF60] =	vst v63  }
0x79: {  	s4 =	simm.s32 @!p0 $0x8  }
0x7a: {  	_ =	swait.ge @!p0 [sflag:s4], $0x2800  }
0x7b: {  	[sflag:s4] =	ssyncset.done @!p0 $0x0  }
0x7c: {  	s9 =	rddreg [dreg:$0x18];
	[sflag:s4] =	ssyncadd.s32 @!p0 $0xFFFFD800;
	s4 =	simm.s32 @!p0 $0x2080  }
0x7d: {  	[spmem:s9] =	stream.linear.scatter @!p0 [tilespmem:s4], [sflag:$0x7], $0x500, $0x38;
	[tilespmem:$0x1DF60] =	vst v63  }
0x7e: {  	s4 =	simm.s32 @!p0 $0x7  }
0x7f: {  	_ =	swait.ge @!p0 [sflag:s4], $0x500  }
0x80: {  	[sflag:s4] =	ssyncset.done @!p0 $0x0  }
0x81: {  	[sflag:s4] =	ssyncadd.s32 @!p0 $0xFFFFFB00  }
0x82: {  	[bflag:$0x0] =	sbarrier.arrive $0xFFFF  }
0x83: {  	s10 =	simm.s32 $0x0;
	s24 =	rddreg [dreg:$0x7]  }
0x84: {  	[tilespmem:s10], [sflag:$0x7] =	stream.strided.gather [hbm4b:s24+s16], $0xA0, s17, s16, $0x38;
	[tilespmem:$0x1DF60] =	vst v63  }
0x85: {  	_ =	swait.ge [sflag:s15], $0xA0  }
0x86: {  	[sflag:s15] =	ssyncset.done $0x0  }
0x87: {  	s28 =	simm.s32 $0x280;
	[sflag:s15] =	ssyncadd.s32 $0xFFFFFF60  }
0x88: {  	[tilespmem:s28], [sflag:$0x1] =	stream.indirect.gather [hbm4b:s6+s16], $0x10, s10, s16, $0xb8;
	[tilespmem:$0x1DF60] =	vst v63  }
0x89: {  	s29 =	simm.s32 $0xC80  }
0x8a: {  	[tilespmem:s29], [sflag:$0x2] =	stream.indirect.gather [hbm4b:s7+s16], $0x10, s16, s16, $0xb8;
	[tilespmem:$0x1DF60] =	vst v63  }
0x8b: {  	_ =	swait.ge [sflag:s20], $0x500  }
0x8c: {  	[sflag:s20] =	ssyncset.done $0x0  }
0x8d: {  	[sflag:s20] =	ssyncadd.s32 $0xFFFFFB00  }
0x8e: {  	_ =	swait.ge [sflag:s21], $0x500  }
0x8f: {  	p1 =	por $0x0, $0x0;
	[sflag:s21] =	ssyncset.done $0x0  }
0x90: {  	s31 =	simm.s32 $0xA0;
	s30 =	rddreg [dreg:$0x19];
	[sflag:s21] =	ssyncadd.s32 $0xFFFFFB00  }
0x91: {  	[tilespmem:s31], [sflag:$0x5] =	stream.strided.gather [hbm4b:s30+s16], $0xA0, s17, s16, $0x38;
	[tilespmem:$0x1DF60] =	vst v63  }
.LBB2_4:
0x92: {  	s24 =	sand.u32 $0x1, s10  }
0x93: {  	s4 =	sxor.u32 $0x1, s24  }
0x94: {  	s9 =	smul.u32 $0x500, s4  }
0x95: {  	_ =	swait.ge [sflag:s23], $0xA0;
	s4 =	smul.u32 $0x280, s4  }
0x96: {  	[sflag:s23] =	ssyncset.done $0x0  }
0x97: {  	[sflag:s23] =	ssyncadd.s32 $0xFFFFFF60;
	s22 =	sadd.s32 $0x280, s9;
	s4 =	sshrl.u32 s4, $0x2  }
0x98: {  	[tilespmem:s22], [sflag:$0x1] =	stream.indirect.gather [hbm4b:s6+s16], $0x10, s4, s16, $0xb8;
	[tilespmem:$0x1DF60] =	vst v63  }
0x99: {  	s9 =	sadd.s32 $0xC80, s9;
	s4 =	sadd.s32 $0x50, s4;
	s22 =	smul.u32 $0x280, s24  }
0x9a: {  	[tilespmem:s9], [sflag:$0x2] =	stream.indirect.gather [hbm4b:s7+s16], $0x10, s4, s16, $0xb8;
	[tilespmem:$0x1DF60] =	vst v63  }
0x9b: {  	s29 =	sshrl.u32 s22, $0x2  }
0x9c: {  	v23 =	vld [tilespmem:s29+$0x50];
	_ =	sdelay $0x1  }
0x9d: {  	s22 =	smul.u32 $0x140, s24;
	_ =	sdelay $0x1  }
0x9e: {  	s30 =	sshrl.u32 s22, $0x2  }
0x9f: {  	[tilespmem:s30+$0x1E0] =	vst v23  }
0xa0: {  	v23 =	vld [tilespmem:s29+$0x60];
	_ =	sdelay $0x4  }
0xa1: {  	[tilespmem:s30+$0x1F0] =	vst v23  }
0xa2: {  	v23 =	vld [tilespmem:s29+$0x70];
	_ =	sdelay $0x4  }
0xa3: {  	[tilespmem:s30+$0x200] =	vst v23  }
0xa4: {  	v23 =	vld [tilespmem:s29+$0x80];
	_ =	sdelay $0x4  }
0xa5: {  	[tilespmem:s30+$0x210] =	vst v23  }
0xa6: {  	s4 =	simm.s32 $0x1;
	v23 =	vld [tilespmem:s29+$0x90]  }
0xa7: {  	s4 =	simm.s32 @!p1 $0x0  }
0xa8: {  	s4 =	smul.u32 $0x1400, s4;
	_ =	sdelay $0x1  }
0xa9: {  	s4 =	sshrl.u32 s4, $0x2  }
0xaa: {  	s9 =	sadd.s32 $0x2A0, s4;
	[tilespmem:s30+$0x220] =	vst v23  }
0xab: {  	s22 =	sadd.s32 $0xCA0, s4;
	v23 =	vld [tilespmem:s9+$0x10]  }
0xac: {  	v24 =	vld [tilespmem:s22+$0x10]  }
0xad: {  	v26 =	vld [tilespmem:s9+$0xFFFFFFF0]  }
0xae: {  	v28 =	vld [tilespmem:s9+$0x0]  }
0xaf: {  	v29 =	vld [tilespmem:s22+$0x0]  }
0xb0: {  	v27 =	vld [tilespmem:s22+$0xFFFFFFF0]  }
0xb1: {  	v25 =	vld [tilespmem:s22+$0xFFFFFFE0];
	s22 =	sadd.s32 $0x40, s22  }
0xb2: {  	v32 =	vld [tilespmem:s22+$0x10];
	v23 =	vadd.f32 v24, v23  }
0xb3: {  	v24 =	vld [tilespmem:s9+$0xFFFFFFE0]  }
0xb4: {  	v33 =	vld [tilespmem:s22+$0xFFFFFFE0];
	s9 =	sadd.s32 $0x40, s9;
	v28 =	vadd.f32 v29, v28;
	v31 =	vmul.f32 $2.000000030e-01, v23  }
0xb5: {  	v26 =	vadd.f32 v27, v26;
	v30 =	vld [tilespmem:s9+$0x10]  }
0xb6: {  	v29 =	vld [tilespmem:s22+$0xFFFFFFF0];
	v34 =	vmul.f32 $2.000000030e-01, v28;
	v23 =	vmax.f32 v23, v31  }
0xb7: {  	v27 =	vld [tilespmem:s9+$0xFFFFFFF0];
	v31 =	vmul.f32 $2.000000030e-01, v26;
	v23 =	vmul.f32 $1.442695020e+00, v23  }
0xb8: {  	v51 =	vld [tilespmem:s9+$0xFFFFFFE0];
	v24 =	vadd.f32 v25, v24  }
0xb9: {  	v28 =	vmax.f32 v28, v34;
	v25 =	vld [tilespmem:s9+$0x0];
	v26 =	vmax.f32 v26, v31;
	(erf) = vpow2.f32 v23  }
0xba: {  	s9 =	sadd.s32 $0x40, s9;
	v30 =	vadd.f32 v32, v30;
	v23 =	vld [tilespmem:s22+$0x0];
	v31 =	vmul.f32 $2.000000030e-01, v24;
	v26 =	vmul.f32 $1.442695020e+00, v26  }
0xbb: {  	v28 =	vmul.f32 $1.442695020e+00, v28;
	v52 =	vld [tilespmem:s9+$0x10];
	s22 =	sadd.s32 $0x40, s22  }
0xbc: {  	v35 =	vmul.f32 $2.000000030e-01, v30;
	v24 =	vmax.f32 v24, v31;
	v31 =	vld [tilespmem:s22+$0x10];
	(erf) = vpow2.f32 v26  }
0xbd: {  	(erf) = vpow2.f32 v28;
	v28 =	vld [tilespmem:s9+$0xFFFFFFF0]  }
0xbe: {  	v27 =	vadd.f32 v29, v27;
	v24 =	vmul.f32 $1.442695020e+00, v24;
	v29 =	vmax.f32 v30, v35;
	v30 =	vld [tilespmem:s22+$0xFFFFFFF0]  }
0xbf: {  	v23 =	vadd.f32 v23, v25;
	v25 =	vmul.f32 $1.442695020e+00, v29  }
0xc0: {  	v53 =	vld [tilespmem:s9+$0x0];
	v29 =	vmul.f32 $2.000000030e-01, v27;
	(erf) = vpow2.f32 v24;
	v24 =	vadd.f32 v33, v51  }
0xc1: {  	v56 =	vld [tilespmem:s9+$0xFFFFFFE0];
	v54 =	vmul.f32 $2.000000030e-01, v23;
	(erf) = vpow2.f32 v25  }
0xc2: {  	v25 =	vmax.f32 v27, v29;
	v27 =	vld [tilespmem:s22+$0x0];
	v29 =	vadd.f32 v31, v52;
	v31 =	vmul.f32 $2.000000030e-01, v24  }
0xc3: {  	v26 =	vld [tilespmem:s22+$0xFFFFFFE0];
	s9 =	sadd.s32 $0x40, s9;
	v25 =	vmul.f32 $1.442695020e+00, v25;
	v28 =	vadd.f32 v30, v28;
	v23 =	vmax.f32 v23, v54  }
0xc4: {  	v58 =	vld [tilespmem:s9+$0x10];
	s22 =	sadd.s32 $0x40, s22;
	v36 =	vmul.f32 $2.000000030e-01, v29;
	v24 =	vmax.f32 v24, v31;
	v23 =	vmul.f32 $1.442695020e+00, v23  }
0xc5: {  	v55 =	vpop (erf);
	v31 =	vld [tilespmem:s22+$0x10];
	(erf) = vpow2.f32 v25;
	v30 =	vmul.f32 $1.442695020e+00, v24  }
0xc6: {  	v25 =	vld [tilespmem:s22+$0xFFFFFFE0];
	v37 =	vmul.f32 $2.000000030e-01, v28;
	v29 =	vmax.f32 v29, v36;
	(erf) = vpow2.f32 v23  }
0xc7: {  	v57 =	vnsel vm0, $0x0, v55;
	v24 =	vld [tilespmem:s9+$0xFFFFFFF0];
	v59 =	vpop (erf);
	v32 =	vadd.f32 v27, v53;
	v38 =	vmul.f32 $1.442695020e+00, v29  }
0xc8: {  	v27 =	vld [tilespmem:s22+$0xFFFFFFF0];
	v29 =	vadd.f32 v26, v56;
	v60 =	vmax.f32 v28, v37;
	(erf) = vpow2.f32 v30;
	v23 =	vpop (erf)  }
0xc9: {  	s4 =	sor.u32 $0x20A0, s4;
	v26 =	vld [tilespmem:s9+$0x0];
	v30 =	vnsel vm0, $0x0, v59;
	v61 =	vmul.f32 $2.000000030e-01, v32;
	(erf) = vpow2.f32 v38;
	v62 =	vpop (erf)  }
0xca: {  	s28 =	simm.s32 $0xC;
	[tilespmem:s4+$0x10] =	vst v57;
	v28 =	vld [tilespmem:s22+$0x0];
	v34 =	vmul.f32 $1.442695020e+00, v60;
	v31 =	vadd.f32 v31, v58;
	v35 =	vmul.f32 $2.000000030e-01, v29;
	v63 =	vpop (erf)  }
0xcb: {  	s31 =	sadd.s32 $0x40, s4;
	s30 =	sadd.s32 $0x1E0, s30;
	[tilespmem:s4+$0xFFFFFFF0] =	vst v30;
	v30 =	vld [tilespmem:s9+$0xFFFFFFE0];
	s9 =	sadd.s32 $0x40, s9;
	v36 =	vmax.f32 v32, v61;
	v32 =	vnsel vm0, $0x0, v62;
	v33 =	vnsel vm0, $0x0, v63  }
.LBB2_5:
0xcc: {  	v37 =	vld [tilespmem:s9+$0x10];
	v38 =	vmul.f32 $2.000000030e-01, v31;
	s22 =	sadd.s32 $0x40, s22;
	v29 =	vmax.f32 v29, v35;
	v35 =	vmul.f32 $1.442695020e+00, v36;
	[tilespmem:s31+$0x10] =	vst v33  }
0xcd: {  	s28 =	sadd.s32 $0x4, s28;
	v33 =	vld [tilespmem:s22+$0x10];
	v36 =	vadd.f32 v27, v24;
	v39 =	vmul.f32 $1.442695020e+00, v29;
	(erf) = vpow2.f32 v34;
	[tilespmem:s4+$0xFFFFFFE0] =	vst v32  }
0xce: {  	p2 =	slt.u32 s28, $0x4C;
	v29 =	vnsel vm0, $0x0, v23;
	v40 =	vld [tilespmem:s22+$0xFFFFFFE0];
	v27 =	vmax.f32 v31, v38;
	(erf) = vpow2.f32 v35;
	v31 =	vpop (erf)  }
.Ltmp3:
0xcf: {  	v24 =	vld [tilespmem:s9+$0xFFFFFFF0];
	v32 =	vmul.f32 $2.000000030e-01, v36;
	v38 =	vadd.f32 v28, v26;
	v28 =	vmul.f32 $1.442695020e+00, v27;
	v23 =	vpop (erf);
	[tilespmem:s4+$0x0] =	vst v29;
	(pc) =	sbr.rel @p2 .LBB2_5-.Ltmp3, $4  }
0xd0: {  	v31 =	vnsel vm0, $0x0, v31;
	s4 =	smov.u32 s31;
	v27 =	vld [tilespmem:s22+$0xFFFFFFF0];
	v29 =	vadd.f32 v25, v30;
	(erf) = vpow2.f32 v39  }
0xd1: {  	v26 =	vld [tilespmem:s9+$0x0];
	v30 =	vmax.f32 v36, v32;
	v32 =	vmul.f32 $2.000000030e-01, v38;
	(erf) = vpow2.f32 v28;
	[tilespmem:s31+$0xFFFFFFF0] =	vst v31;
	v25 =	vpop (erf)  }
0xd2: {  	v28 =	vld [tilespmem:s22+$0x0];
	v31 =	vadd.f32 v33, v37;
	v35 =	vmul.f32 $2.000000030e-01, v29;
	v34 =	vmul.f32 $1.442695020e+00, v30;
	v33 =	vpop (erf)  }
0xd3: {  	s31 =	sadd.s32 $0x40, s31;
	v30 =	vld [tilespmem:s9+$0xFFFFFFE0];
	s9 =	sadd.s32 $0x40, s9;
	v36 =	vmax.f32 v38, v32;
	v33 =	vnsel vm0, $0x0, v33;
	v32 =	vnsel vm0, $0x0, v25;
	v25 =	vmovc v40  }
0xd4: {  	_ =	sdelay $0x1  }
0xd5: {  	v37 =	vmul.f32 $2.000000030e-01, v31;
	v29 =	vmax.f32 v29, v35;
	v24 =	vadd.f32 v27, v24  }
0xd6: {  	v45 =	vmul.f32 $1.442695020e+00, v36;
	(erf) = vpow2.f32 v34;
	v26 =	vadd.f32 v28, v26  }
0xd7: {  	v46 =	vmul.f32 $1.442695020e+00, v29;
	v48 =	vmul.f32 $2.000000030e-01, v24;
	v25 =	vadd.f32 v25, v30  }
0xd8: {  	v47 =	vmax.f32 v31, v37;
	(erf) = vpow2.f32 v45;
	v49 =	vmul.f32 $2.000000030e-01, v26  }
0xd9: {  	v29 =	vmul.f32 $1.442695020e+00, v47;
	v24 =	vmax.f32 v24, v48;
	v50 =	vmul.f32 $2.000000030e-01, v25  }
0xda: {  	(erf) = vpow2.f32 v46;
	v24 =	vmul.f32 $1.442695020e+00, v24;
	v26 =	vmax.f32 v26, v49  }
0xdb: {  	v51 =	vpop (erf);
	(erf) = vpow2.f32 v29;
	v25 =	vmax.f32 v25, v50;
	v26 =	vmul.f32 $1.442695020e+00, v26  }
0xdc: {  	v52 =	vpop (erf);
	(erf) = vpow2.f32 v24;
	v25 =	vmul.f32 $1.442695020e+00, v25  }
0xdd: {  	[tilespmem:s31+$0x10] =	vst v33;
	v23 =	vnsel vm0, $0x0, v23;
	v53 =	vpop (erf);
	(erf) = vpow2.f32 v26  }
0xde: {  	[tilespmem:s4+$0x0] =	vst v23;
	v23 =	vnsel vm0, $0x0, v51;
	v54 =	vpop (erf);
	(erf) = vpow2.f32 v25  }
0xdf: {  	[tilespmem:s31+$0xFFFFFFF0] =	vst v23;
	v23 =	vnsel vm0, $0x0, v54  }
0xe0: {  	[tilespmem:s4+$0xFFFFFFE0] =	vst v32;
	v56 =	vnsel vm0, $0x0, v53  }
0xe1: {  	s28 =	sadd.s32 $0x40, s31;
	[tilespmem:s31+$0xFFFFFFE0] =	vst v56;
	v55 =	vpop (erf)  }
0xe2: {  	[tilespmem:s28+$0x10] =	vst v23;
	v24 =	vnsel vm0, $0x0, v52;
	v23 =	vpop (erf)  }
0xe3: {  	[tilespmem:s31+$0x0] =	vst v24;
	v58 =	vnsel vm0, $0x0, v55;
	v57 =	vpop (erf)  }
0xe4: {  	[tilespmem:s28+$0xFFFFFFF0] =	vst v58;
	v23 =	vnsel vm0, $0x0, v23;
	v59 =	vpop (erf)  }
0xe5: {  	v25 =	vnsel vm0, $0x0, v57;
	[tilespmem:s28+$0x0] =	vst v23;
	v61 =	vpop (erf)  }
0xe6: {  	s9 =	sadd.s32 $0x40, s28;
	[tilespmem:s28+$0xFFFFFFE0] =	vst v25;
	v60 =	vnsel vm0, $0x0, v59;
	v62 =	vpop (erf)  }
0xe7: {  	[tilespmem:s9+$0x10] =	vst v60;
	v23 =	vnsel vm0, $0x0, v61;
	v63 =	vpop (erf)  }
0xe8: {  	[tilespmem:s9+$0xFFFFFFF0] =	vst v23;
	v23 =	vnsel vm0, $0x0, v63  }
0xe9: {  	p2 =	seq.s32 s10, $0x0;
	s22 =	smin.u32 s10, $0x7A;
	s31 =	smul.u32 $0x1400, s24;
	[tilespmem:s9+$0xFFFFFFE0] =	vst v23;
	v23 =	vnsel vm0, $0x0, v62  }
0xea: {  	s4 =	simm.s32 @!p2 $0x6;
	s28 =	smul.u32 $0x50, s22;
	[tilespmem:s9+$0x0] =	vst v23  }
0xeb: {  	_ =	swait.ge @!p2 [sflag:s4], $0x500  }
0xec: {  	s9 =	sshrl.u32 s31, $0x2;
	s31 =	sadd.s32 s28, s11;
	[sflag:s4] =	ssyncset.done @!p2 $0x0  }
0xed: {  	s24 =	sor.u32 $0x2080, s9;
	[sflag:s4] =	ssyncadd.s32 @!p2 $0xFFFFFB00;
	s4 =	sshrl.u32 s31, $0x3  }
0xee: {  	[spmem:s3] =	stream.indirect.scatter.add.f32 [tilespmem:s24], [sflag:$0x6], $0x10, s30, s16, $0xb8;
	[tilespmem:$0x1DF60] =	vst v63  }
0xef: {  	s10 =	sadd.s32 $0x1, s10;
	s4 =	sadd.s32 s8, s4  }
0xf0: {  	[tilespmem:s29], [sflag:$0x5] =	stream.strided.gather [hbm4b:s4+s16], $0xA0, s17, s16, $0x38;
	[tilespmem:$0x1DF60] =	vst v63  }
0xf1: {  	p2 =	sne.s32 s10, $0x7D;
	_ =	swait.ge [sflag:s20], $0x500  }
.Ltmp4:
0xf2: {  	[sflag:s20] =	ssyncset.done $0x0;
	(pc) =	sbr.rel @p2 .LBB2_4-.Ltmp4, $4  }
0xf3: {  	[sflag:s20] =	ssyncadd.s32 $0xFFFFFB00  }
0xf4: {  	_ =	swait.ge [sflag:s21], $0x500  }
0xf5: {  	[sflag:s21] =	ssyncset.done $0x0  }
0xf6: {  	p1 =	por !p1, !p1;
	[sflag:s21] =	ssyncadd.s32 $0xFFFFFB00  }
0xf7: {  	_ =	swait.ge [sflag:s23], $0xA0  }
0xf8: {  	[sflag:s23] =	ssyncset.done $0x0  }
0xf9: {  	s4 =	simm.s32 $0x6;
	[sflag:s23] =	ssyncadd.s32 $0xFFFFFF60  }
.Ltmp5:
0xfa: {  	_ =	swait.ge [sflag:s4], $0x500;
	(pc) =	sbr.rel .LBB2_8-.Ltmp5, $4  }
0xfb: {  	[sflag:s4] =	ssyncset.done $0x0  }
0xfc: {  	[sflag:s4] =	ssyncadd.s32 $0xFFFFFB00  }
0xfd: {  	[bflag:$0x0] =	sbarrier.arrive $0xFFFF  }
0xfe: {  	s10 =	simm.s32 $0x0  }
.LBB2_12:
0xff: {  	s10 =	sadd.s32 $0x1, s10  }
0x100: {  	p1 =	sne.s32 s10, $0x8  }
.Ltmp6:
0x101: {  	_ = 	snop;
	(pc) =	sbr.rel @!p1 .LBB2_13-.Ltmp6, $1  }
0x102: {  	_ =	sdelay $0x3  }
.LBB2_8:
0x103: {  	s4 =	sshll.u32 s10, $0x4  }
0x104: {  	s4 =	sor.u32 s5, s4  }
0x105: {  	p1 =	sgt.u32 s4, $0x7C  }
.Ltmp7:
0x106: {  	_ = 	snop;
	(pc) =	sbr.rel @p1 .LBB2_12-.Ltmp7, $1  }
0x107: {  	_ =	sdelay $0x3  }
0x108: {  	s4 =	smul.u32 $0x1400, s4;
	_ =	sdelay $0x1  }
0x109: {  	s4 =	sshra.s32 s4, $0x2  }
0x10a: {  	s4 =	sadd.s32 s4, s3  }
0x10b: {  	[tilespmem:s14], [sflag:$0x8] =	stream.linear.gather [spmem:s4], $0x500, $0x38;
	[tilespmem:$0x1DF60] =	vst v63  }
0x10c: {  	_ =	swait.ge [sflag:s13], $0x500  }
0x10d: {  	[sflag:s13] =	ssyncset.done $0x0  }
0x10e: {  	s24 =	simm.s32 $0x20A0;
	[sflag:s13] =	ssyncadd.s32 $0xFFFFFB00  }
0x10f: {  	v23 =	vld [tilespmem:s24+$0x0]  }
0x110: {  	v24 =	vld [tilespmem:s24+$0xFFFFFFE0];
	_ =	sdelay $0x2  }
0x111: {  	v25 =	vld [tilespmem:s24+$0xFFFFFFF0]  }
0x112: {  	s22 =	simm.s32 $0x20E0;
	v26 =	vld [tilespmem:s24+$0x10];
	v23 =	vadd.f32 $1.999999940e-09, v23  }
0x113: {  	v27 =	vld [tilespmem:s22+$0x0];
	v24 =	vadd.f32 $1.999999940e-09, v24  }
0x114: {  	(erf) = vrcp.f32 v23;
	v23 =	vld [tilespmem:s22+$0xFFFFFFE0]  }
0x115: {  	(erf) = vrcp.f32 v24;
	v24 =	vld [tilespmem:s22+$0xFFFFFFF0];
	_ =	sdelay $0x1  }
0x116: {  	v28 =	vld [tilespmem:s22+$0x10];
	v25 =	vadd.f32 $1.999999940e-09, v25  }
0x117: {  	v26 =	vadd.f32 $1.999999940e-09, v26  }
0x118: {  	(erf) = vrcp.f32 v25;
	v25 =	vadd.f32 $1.999999940e-09, v27  }
0x119: {  	s29 =	simm.s32 $0x2120;
	(erf) = vrcp.f32 v26;
	v26 =	vadd.f32 $1.999999940e-09, v23;
	v29 =	vadd.f32 $1.999999940e-09, v24  }
0x11a: {  	v27 =	vld [tilespmem:s29+$0x0];
	(erf) = vrcp.f32 v25  }
0x11b: {  	v28 =	vadd.f32 $1.999999940e-09, v28;
	(erf) = vrcp.f32 v26  }
0x11c: {  	v23 =	vld [tilespmem:s29+$0xFFFFFFE0];
	(erf) = vrcp.f32 v29  }
0x11d: {  	v24 =	vld [tilespmem:s29+$0xFFFFFFF0];
	v29 =	vpop (erf);
	(erf) = vrcp.f32 v28  }
0x11e: {  	v25 =	vld [tilespmem:s29+$0x10]  }
0x11f: {  	s9 =	simm.s32 $0x8;
	s28 =	simm.s32 $0x2160;
	v26 =	vadd.f32 $1.999999940e-09, v27;
	[tilespmem:s24+$0x0] =	vst v29;
	v27 =	vpop (erf)  }
.LBB2_10:
0x120: {  	s9 =	sadd.s32 $0x4, s9  }
0x121: {  	v28 =	vld [tilespmem:s28+$0x0];
	v29 =	vadd.f32 $1.999999940e-09, v23;
	[tilespmem:s24+$0xFFFFFFE0] =	vst v27;
	v27 =	vpop (erf);
	p1 =	slt.u32 s9, $0x4C  }
.Ltmp8:
0x122: {  	v23 =	vld [tilespmem:s28+$0xFFFFFFE0];
	v30 =	vadd.f32 $1.999999940e-09, v24;
	(erf) = vrcp.f32 v26;
	[tilespmem:s24+$0xFFFFFFF0] =	vst v27;
	v26 =	vpop (erf);
	(pc) =	sbr.rel @p1 .LBB2_10-.Ltmp8, $4  }
0x123: {  	v24 =	vld [tilespmem:s28+$0xFFFFFFF0];
	v31 =	vadd.f32 $1.999999940e-09, v25;
	(erf) = vrcp.f32 v29;
	[tilespmem:s24+$0x10] =	vst v26;
	s24 =	smov.u32 s22;
	s22 =	smov.u32 s29;
	s29 =	smov.u32 s28  }
0x124: {  	v25 =	vld [tilespmem:s28+$0x10];
	(erf) = vrcp.f32 v30  }
0x125: {  	(erf) = vrcp.f32 v31;
	v27 =	vpop (erf)  }
0x126: {  	s28 =	sadd.s32 $0x40, s28;
	v26 =	vadd.f32 $1.999999940e-09, v28;
	[tilespmem:s24+$0x0] =	vst v27;
	v27 =	vpop (erf)  }
0x127: {  	v23 =	vadd.f32 $1.999999940e-09, v23  }
0x128: {  	v24 =	vadd.f32 $1.999999940e-09, v24;
	(erf) = vrcp.f32 v26  }
0x129: {  	v25 =	vadd.f32 $1.999999940e-09, v25;
	(erf) = vrcp.f32 v23  }
0x12a: {  	(erf) = vrcp.f32 v24  }
0x12b: {  	[tilespmem:s24+$0xFFFFFFE0] =	vst v27;
	v23 =	vpop (erf);
	(erf) = vrcp.f32 v25  }
0x12c: {  	v63 =	vpop (erf);
	[tilespmem:s24+$0xFFFFFFF0] =	vst v23  }
0x12d: {  	[tilespmem:s24+$0x10] =	vst v63;
	v23 =	vpop (erf)  }
0x12e: {  	[tilespmem:s22+$0x0] =	vst v23;
	v23 =	vpop (erf)  }
0x12f: {  	[tilespmem:s22+$0xFFFFFFE0] =	vst v23;
	v23 =	vpop (erf)  }
0x130: {  	[tilespmem:s22+$0xFFFFFFF0] =	vst v23;
	v23 =	vpop (erf)  }
0x131: {  	[tilespmem:s22+$0x10] =	vst v23;
	v23 =	vpop (erf)  }
0x132: {  	[tilespmem:s29+$0x0] =	vst v23;
	v23 =	vpop (erf)  }
0x133: {  	[tilespmem:s29+$0xFFFFFFE0] =	vst v23;
	v23 =	vpop (erf)  }
0x134: {  	[tilespmem:s29+$0xFFFFFFF0] =	vst v23;
	v23 =	vpop (erf)  }
.Ltmp9:
0x135: {  	[tilespmem:s29+$0x10] =	vst v23;
	(pc) =	sbr.rel .LBB2_12-.Ltmp9, $4  }
0x136: {  	[spmem:s4] =	stream.linear.scatter [tilespmem:s14], [sflag:$0x7], $0x500, $0x38;
	[tilespmem:$0x1DF60] =	vst v63  }
0x137: {  	_ =	swait.ge [sflag:s15], $0x500  }
0x138: {  	[sflag:s15] =	ssyncset.done $0x0  }
0x139: {  	[sflag:s15] =	ssyncadd.s32 $0xFFFFFB00  }
.LBB2_13:
0x13a: {  	[bflag:$0x0] =	sbarrier.arrive $0xFFFF  }
0x13b: {  	s29 =	simm.s32 $0x0;
	s4 =	rddreg [dreg:$0x7]  }
0x13c: {  	[tilespmem:s29], [sflag:$0x7] =	stream.strided.gather [hbm4b:s4+s16], $0xA0, s17, s16, $0x38;
	[tilespmem:$0x1DF60] =	vst v63  }
0x13d: {  	_ =	swait.ge [sflag:s15], $0xA0  }
0x13e: {  	[sflag:s15] =	ssyncset.done $0x0  }
0x13f: {  	[sflag:s15] =	ssyncadd.s32 $0xFFFFFF60  }
0x140: {  	v23 =	vld [tilespmem:$0x0]  }
0x141: {  	v24 =	vld [tilespmem:$0x10]  }
0x142: {  	v25 =	vld [tilespmem:$0x20]  }
0x143: {  	v26 =	vld [tilespmem:$0x30]  }
0x144: {  	v27 =	vld [tilespmem:$0x40]  }
0x145: {  	v23 =	vadd.s32 v1, v23  }
0x146: {  	[tilespmem:$0x140] =	vst v23;
	v23 =	vadd.s32 v1, v24  }
0x147: {  	[tilespmem:$0x150] =	vst v23;
	v23 =	vadd.s32 v1, v25  }
0x148: {  	[tilespmem:$0x160] =	vst v23;
	v23 =	vadd.s32 v1, v26  }
0x149: {  	[tilespmem:$0x170] =	vst v23;
	v23 =	vadd.s32 v1, v27  }
0x14a: {  	s22 =	simm.s32 $0x280;
	[tilespmem:$0x180] =	vst v23  }
0x14b: {  	[tilespmem:s22], [sflag:$0x1] =	stream.indirect.gather [hbm4b:s6+s16], $0x10, s29, s16, $0xb8;
	[tilespmem:$0x1DF60] =	vst v63  }
0x14c: {  	s24 =	simm.s32 $0xC80  }
0x14d: {  	[tilespmem:s24], [sflag:$0x2] =	stream.indirect.gather [hbm4b:s7+s16], $0x10, s16, s16, $0xb8;
	[tilespmem:$0x1DF60] =	vst v63  }
0x14e: {  	s28 =	simm.s32 $0x140  }
0x14f: {  	[tilespmem:s0], [sflag:$0x3] =	stream.indirect.gather [hbm4b:s1+s16], $0x80, s28, s16, $0xb8;
	[tilespmem:$0x1DF60] =	vst v63  }
0x150: {  	s30 =	simm.s32 $0x1680  }
0x151: {  	[tilespmem:s30], [sflag:$0x4] =	stream.indirect.gather [spmem:s3], $0x10, s16, s16, $0xb8;
	[tilespmem:$0x1DF60] =	vst v63  }
0x152: {  	_ =	swait.ge [sflag:s20], $0x500  }
0x153: {  	[sflag:s20] =	ssyncset.done $0x0  }
0x154: {  	[sflag:s20] =	ssyncadd.s32 $0xFFFFFB00  }
0x155: {  	_ =	swait.ge [sflag:s21], $0x500  }
0x156: {  	[sflag:s21] =	ssyncset.done $0x0  }
0x157: {  	[sflag:s21] =	ssyncadd.s32 $0xFFFFFB00  }
0x158: {  	_ =	swait.ge [sflag:s18], $0x2800  }
0x159: {  	[sflag:s18] =	ssyncset.done $0x0  }
0x15a: {  	[sflag:s18] =	ssyncadd.s32 $0xFFFFD800  }
0x15b: {  	_ =	swait.ge [sflag:s19], $0x500  }
0x15c: {  	s9 =	simm.s32 $0xA0;
	[sflag:s19] =	ssyncset.done $0x0  }
0x15d: {  	p1 =	por $0x0, $0x0;
	s31 =	rddreg [dreg:$0x19];
	[sflag:s19] =	ssyncadd.s32 $0xFFFFFB00  }
0x15e: {  	[tilespmem:s9], [sflag:$0x5] =	stream.strided.gather [hbm4b:s31+s16], $0xA0, s17, s16, $0x38;
	[tilespmem:$0x1DF60] =	vst v63  }
.LBB2_14:
0x15f: {  	s30 =	sand.u32 $0x1, s29  }
0x160: {  	s4 =	sxor.u32 $0x1, s30  }
0x161: {  	_ =	swait.ge [sflag:s23], $0xA0;
	s9 =	smul.u32 $0x280, s4  }
0x162: {  	[sflag:s23] =	ssyncset.done $0x0  }
0x163: {  	[sflag:s23] =	ssyncadd.s32 $0xFFFFFF60;
	s9 =	sshrl.u32 s9, $0x2  }
0x164: {  	v23 =	vld [tilespmem:s9+$0x0];
	_ =	sdelay $0x2  }
0x165: {  	s10 =	smul.u32 $0x140, s4;
	_ =	sdelay $0x1  }
0x166: {  	s10 =	sshrl.u32 s10, $0x2;
	v23 =	vadd.s32 v1, v23  }
0x167: {  	[tilespmem:s10+$0x140] =	vst v23  }
0x168: {  	v23 =	vld [tilespmem:s9+$0x10];
	_ =	sdelay $0x4  }
0x169: {  	v23 =	vadd.s32 v1, v23  }
0x16a: {  	[tilespmem:s10+$0x150] =	vst v23  }
0x16b: {  	v23 =	vld [tilespmem:s9+$0x20];
	_ =	sdelay $0x4  }
0x16c: {  	v23 =	vadd.s32 v1, v23  }
0x16d: {  	[tilespmem:s10+$0x160] =	vst v23  }
0x16e: {  	v23 =	vld [tilespmem:s9+$0x30];
	_ =	sdelay $0x4  }
0x16f: {  	v23 =	vadd.s32 v1, v23  }
0x170: {  	[tilespmem:s10+$0x170] =	vst v23  }
0x171: {  	v23 =	vld [tilespmem:s9+$0x40];
	_ =	sdelay $0x2  }
0x172: {  	s22 =	simm.s32 $0x1  }
0x173: {  	s22 =	simm.s32 @!p1 $0x0;
	s24 =	smul.u32 $0x500, s4  }
0x174: {  	s28 =	smul.u32 $0x1400, s22;
	v23 =	vadd.s32 v1, v23  }
0x175: {  	s4 =	smul.u32 $0xA000, s4;
	s31 =	sadd.s32 $0x280, s24;
	[tilespmem:s10+$0x180] =	vst v23  }
0x176: {  	[tilespmem:s31], [sflag:$0x1] =	stream.indirect.gather [hbm4b:s6+s16], $0x10, s9, s16, $0xb8;
	[tilespmem:$0x1DF60] =	vst v63  }
0x177: {  	s4 =	sshrl.u32 s4, $0x2;
	s31 =	sadd.s32 $0xC80, s24;
	s9 =	sadd.s32 $0x50, s9  }
0x178: {  	[tilespmem:s31], [sflag:$0x2] =	stream.indirect.gather [hbm4b:s7+s16], $0x10, s9, s16, $0xb8;
	[tilespmem:$0x1DF60] =	vst v63  }
0x179: {  	s28 =	sshrl.u32 s28, $0x2;
	s4 =	sadd.s32 $0x2A80, s4;
	s10 =	sadd.s32 $0x140, s10  }
0x17a: {  	[tilespmem:s4], [sflag:$0x3] =	stream.indirect.gather [hbm4b:s1+s16], $0x80, s10, s16, $0xb8;
	[tilespmem:$0x1DF60] =	vst v63  }
0x17b: {  	s24 =	sadd.s32 $0x1680, s24;
	s4 =	sadd.s32 $0x2A0, s28  }
0x17c: {  	[tilespmem:s24], [sflag:$0x4] =	stream.indirect.gather [spmem:s3], $0x10, s9, s16, $0xb8;
	[tilespmem:$0x1DF60] =	vst v63  }
0x17d: {  	s10 =	sadd.s32 $0xCA0, s28;
	v23 =	vld [tilespmem:s4+$0x10]  }
0x17e: {  	v24 =	vld [tilespmem:s10+$0x10]  }
0x17f: {  	v25 =	vld [tilespmem:s10+$0xFFFFFFE0]  }
0x180: {  	v26 =	vld [tilespmem:s4+$0xFFFFFFF0]  }
0x181: {  	v27 =	vld [tilespmem:s10+$0xFFFFFFF0]  }
0x182: {  	v28 =	vld [tilespmem:s4+$0x0]  }
0x183: {  	v29 =	vld [tilespmem:s10+$0x0]  }
0x184: {  	s9 =	sadd.s32 $0x40, s10;
	v30 =	vld [tilespmem:s4+$0xFFFFFFE0]  }
0x185: {  	s4 =	sadd.s32 $0x40, s4;
	v31 =	vld [tilespmem:s9+$0x10]  }
0x186: {  	v23 =	vadd.f32 v24, v23;
	v24 =	vadd.f32 v27, v26;
	v26 =	vld [tilespmem:s4+$0x10];
	_ =	sdelay $0x1  }
0x187: {  	v28 =	vadd.f32 v29, v28;
	v27 =	vmul.f32 $2.000000030e-01, v23  }
0x188: {  	s24 =	sadd.s32 $0x16A0, s28;
	v54 =	vld [tilespmem:s9+$0xFFFFFFF0];
	v32 =	vmul.f32 $2.000000030e-01, v24  }
0x189: {  	v55 =	vld [tilespmem:s24+$0xFFFFFFE0];
	v25 =	vadd.f32 v25, v30;
	v30 =	vmul.f32 $2.000000030e-01, v28;
	v23 =	vmax.f32 v23, v27  }
0x18a: {  	v27 =	vld [tilespmem:s4+$0xFFFFFFF0];
	v24 =	vmax.f32 v24, v32;
	v23 =	vmul.f32 $1.442695020e+00, v23;
	v26 =	vadd.f32 v31, v26  }
0x18b: {  	v34 =	vld [tilespmem:s4+$0x0];
	v33 =	vmul.f32 $2.000000030e-01, v25;
	v24 =	vmul.f32 $1.442695020e+00, v24  }
0x18c: {  	v29 =	vld [tilespmem:s9+$0xFFFFFFE0];
	(erf) = vpow2.f32 v23;
	v23 =	vmax.f32 v28, v30;
	v31 =	vmul.f32 $2.000000030e-01, v26  }
0x18d: {  	v25 =	vmax.f32 v25, v33;
	v23 =	vmul.f32 $1.442695020e+00, v23;
	(erf) = vpow2.f32 v24;
	v24 =	vld [tilespmem:s9+$0x0]  }
0x18e: {  	s10 =	sadd.s32 $0x40, s9;
	v25 =	vmul.f32 $1.442695020e+00, v25;
	v30 =	vld [tilespmem:s4+$0xFFFFFFE0]  }
0x18f: {  	s28 =	sadd.s32 $0x40, s4;
	v56 =	vld [tilespmem:s10+$0x10];
	(erf) = vpow2.f32 v23;
	v23 =	vmax.f32 v26, v31;
	v26 =	vadd.f32 v54, v27  }
0x190: {  	v27 =	vld [tilespmem:s28+$0x10];
	(erf) = vpow2.f32 v25  }
0x191: {  	v28 =	vld [tilespmem:s24+$0x10];
	v23 =	vmul.f32 $1.442695020e+00, v23;
	v57 =	vmul.f32 $2.000000030e-01, v26  }
0x192: {  	v25 =	vld [tilespmem:s24+$0xFFFFFFF0];
	v24 =	vadd.f32 v24, v34  }
0x193: {  	v37 =	vld [tilespmem:s10+$0xFFFFFFF0];
	v29 =	vadd.f32 v29, v30;
	(erf) = vpow2.f32 v23;
	v26 =	vmax.f32 v26, v57  }
0x194: {  	v36 =	vld [tilespmem:s28+$0xFFFFFFF0];
	s4 =	sadd.s32 $0x40, s24;
	v35 =	vmul.f32 $2.000000030e-01, v24;
	v38 =	vmul.f32 $1.442695020e+00, v26  }
0x195: {  	v60 =	vld [tilespmem:s4+$0x10];
	v58 =	vmul.f32 $2.000000030e-01, v29;
	v27 =	vadd.f32 v56, v27;
	v30 =	vpop (erf)  }
0x196: {  	v31 =	vld [tilespmem:s24+$0x0];
	v30 =	vmul.f32 v30, v28;
	v28 =	vpop (erf);
	v24 =	vmax.f32 v24, v35;
	(erf) = vpow2.f32 v38  }
0x197: {  	v23 =	vld [tilespmem:s10+$0xFFFFFFE0];
	v25 =	vmul.f32 v28, v25;
	v28 =	vmax.f32 v29, v58;
	v24 =	vmul.f32 $1.442695020e+00, v24  }
0x198: {  	v26 =	vld [tilespmem:s28+$0x0];
	v59 =	vpop (erf);
	v61 =	vmul.f32 $1.442695020e+00, v28  }
0x199: {  	s31 =	simm.s32 $0x7AF0;
	v62 =	vmul.f32 $2.000000030e-01, v27;
	v28 =	vld [tilespmem:s10+$0x0];
	v29 =	vpop (erf);
	(erf) = vpow2.f32 v24  }
0x19a: {  	s24 =	smul.u32 $0xA000, s22;
	[tilespmem:s31+$0x10] =	vst v30;
	v30 =	vmul.f32 v29, v55;
	v29 =	vld [tilespmem:s28+$0xFFFFFFE0];
	(erf) = vpow2.f32 v61  }
0x19b: {  	[tilespmem:s31+$0xFFFFFFF0] =	vst v25;
	v25 =	vmul.f32 v59, v31;
	v24 =	vld [tilespmem:s4+$0xFFFFFFE0]  }
0x19c: {  	s9 =	sshrl.u32 s24, $0x2;
	v31 =	vmax.f32 v27, v62;
	v27 =	vld [tilespmem:s4+$0xFFFFFFF0];
	v63 =	vpop (erf);
	[tilespmem:s31+$0xFFFFFFE0] =	vst v30;
	v30 =	vadd.f32 v37, v36  }
0x19d: {  	s22 =	simm.s32 $0x8;
	s24 =	sadd.s32 $0x2C80, s9;
	v32 =	vmul.f32 $1.442695020e+00, v31;
	s28 =	sadd.s32 $0x40, s28;
	[tilespmem:s31+$0x0] =	vst v25;
	v25 =	vld [tilespmem:s4+$0x0];
	v31 =	vmul.f32 v63, v60  }
.LBB2_15:
0x19e: {  	v33 =	vld [tilespmem:s28+$0x10];
	v34 =	vmul.f32 $2.000000030e-01, v30;
	v26 =	vadd.f32 v28, v26;
	s10 =	sadd.s32 $0x40, s10;
	s31 =	sadd.s32 $0x40, s31  }
0x19f: {  	s22 =	sadd.s32 $0x4, s22;
	v28 =	vld [tilespmem:s10+$0x10];
	v29 =	vadd.f32 v23, v29;
	(erf) = vpow2.f32 v32;
	[tilespmem:s31+$0x10] =	vst v31  }
0x1a0: {  	p2 =	slt.u32 s22, $0x4C;
	v23 =	vld [tilespmem:s10+$0xFFFFFFE0];
	v30 =	vmax.f32 v30, v34;
	v31 =	vmul.f32 $2.000000030e-01, v26;
	v32 =	vpop (erf)  }
0x1a1: {  	v34 =	vld [tilespmem:s28+$0xFFFFFFF0];
	v35 =	vmul.f32 $2.000000030e-01, v29;
	v37 =	vmul.f32 $1.442695020e+00, v30  }
0x1a2: {  	v27 =	vmul.f32 v32, v27;
	v36 =	vld [tilespmem:s10+$0xFFFFFFF0];
	v31 =	vmax.f32 v26, v31;
	v32 =	vpop (erf)  }
0x1a3: {  	s4 =	sadd.s32 $0x40, s4;
	v26 =	vld [tilespmem:s28+$0x0];
	v29 =	vmax.f32 v29, v35;
	v31 =	vmul.f32 $1.442695020e+00, v31;
	(erf) = vpow2.f32 v37;
	v30 =	vpop (erf)  }
0x1a4: {  	v33 =	vadd.f32 v28, v33;
	v35 =	vmul.f32 $1.442695020e+00, v29;
	v37 =	vld [tilespmem:s4+$0x10];
	v24 =	vmul.f32 v30, v24;
	[tilespmem:s31+$0xFFFFFFF0] =	vst v27  }
.Ltmp10:
0x1a5: {  	v25 =	vmul.f32 v32, v25;
	v28 =	vld [tilespmem:s10+$0x0];
	(erf) = vpow2.f32 v31;
	(pc) =	sbr.rel @p2 .LBB2_15-.Ltmp10, $4  }
0x1a6: {  	v29 =	vld [tilespmem:s28+$0xFFFFFFE0];
	v27 =	vmul.f32 $2.000000030e-01, v33;
	(erf) = vpow2.f32 v35;
	[tilespmem:s31+$0xFFFFFFE0] =	vst v24  }
0x1a7: {  	v30 =	vadd.f32 v36, v34;
	v24 =	vld [tilespmem:s4+$0xFFFFFFE0];
	[tilespmem:s31+$0x0] =	vst v25  }
0x1a8: {  	v25 =	vmax.f32 v33, v27;
	v27 =	vld [tilespmem:s4+$0xFFFFFFF0];
	v31 =	vpop (erf)  }
0x1a9: {  	s28 =	sadd.s32 $0x40, s28;
	v32 =	vmul.f32 $1.442695020e+00, v25;
	v25 =	vld [tilespmem:s4+$0x0];
	v31 =	vmul.f32 v31, v37  }
0x1aa: {  	v26 =	vadd.f32 v28, v26;
	v28 =	vmul.f32 $2.000000030e-01, v30  }
0x1ab: {  	v23 =	vadd.f32 v23, v29  }
0x1ac: {  	v29 =	vmul.f32 $2.000000030e-01, v26;
	v28 =	vmax.f32 v30, v28  }
0x1ad: {  	v30 =	vmul.f32 $2.000000030e-01, v23;
	v28 =	vmul.f32 $1.442695020e+00, v28  }
0x1ae: {  	(erf) = vpow2.f32 v32;
	v26 =	vmax.f32 v26, v29  }
0x1af: {  	v23 =	vmax.f32 v23, v30;
	v26 =	vmul.f32 $1.442695020e+00, v26;
	(erf) = vpow2.f32 v28  }
0x1b0: {  	v23 =	vmul.f32 $1.442695020e+00, v23  }
0x1b1: {  	(erf) = vpow2.f32 v26  }
0x1b2: {  	(erf) = vpow2.f32 v23  }
0x1b3: {  	s4 =	sadd.s32 $0x40, s4  }
0x1b4: {  	v29 =	vld [tilespmem:s4+$0xFFFFFFF0];
	v23 =	vpop (erf)  }
0x1b5: {  	s9 =	sadd.s32 $0x40, s31;
	v26 =	vld [tilespmem:s4+$0x10];
	v28 =	vpop (erf);
	v23 =	vmul.f32 v23, v27  }
0x1b6: {  	[tilespmem:s9+$0x10] =	vst v31;
	v31 =	vld [tilespmem:s4+$0x0];
	v30 =	vpop (erf)  }
0x1b7: {  	v27 =	vld [tilespmem:s4+$0xFFFFFFE0];
	v24 =	vmul.f32 v30, v24;
	v30 =	vpop (erf);
	[tilespmem:s9+$0xFFFFFFF0] =	vst v23;
	v23 =	vmul.f32 v28, v25  }
0x1b8: {  	v25 =	vpop (erf)  }
0x1b9: {  	[tilespmem:s9+$0x0] =	vst v23;
	v23 =	vmul.f32 v25, v29  }
0x1ba: {  	s10 =	sadd.s32 $0x40, s9;
	[tilespmem:s9+$0xFFFFFFE0] =	vst v24;
	v24 =	vmul.f32 v30, v26;
	v26 =	vpop (erf)  }
0x1bb: {  	v25 =	vpop (erf);
	[tilespmem:s10+$0xFFFFFFF0] =	vst v23;
	v23 =	vmul.f32 v26, v31  }
0x1bc: {  	[tilespmem:s10+$0x10] =	vst v24;
	v24 =	vmul.f32 v25, v27  }
0x1bd: {  	[tilespmem:s10+$0x0] =	vst v23  }
0x1be: {  	[tilespmem:s10+$0xFFFFFFE0] =	vst v24  }
0x1bf: {  	v23 =	vld.idx.msk [tilespmem:v0+s25+$0x0], $0xffff  }
0x1c0: {  	v24 =	vld.idx.msk [tilespmem:v3+s25+$0x0], $0xffff  }
0x1c1: {  	v25 =	vld.idx.msk [tilespmem:v4+s25+$0x0], $0xffff  }
0x1c2: {  	v26 =	vld.idx.msk [tilespmem:v5+s25+$0x0], $0xffff  }
0x1c3: {  	v27 =	vld.idx.msk [tilespmem:v6+s25+$0x0], $0xffff  }
0x1c4: {  	v28 =	vld.idx.msk [tilespmem:v7+s25+$0x0], $0xffff  }
0x1c5: {  	v31 =	vld.idx.msk [tilespmem:v10+s25+$0x0], $0xffff  }
0x1c6: {  	v54 =	vld.idx.msk [tilespmem:v11+s25+$0x0], $0xffff  }
0x1c7: {  	v33 =	vld.idx.msk [tilespmem:v12+s25+$0x0], $0xffff  }
0x1c8: {  	v35 =	vld.idx.msk [tilespmem:v14+s25+$0x0], $0xffff  }
0x1c9: {  	v36 =	vld.idx.msk [tilespmem:v15+s25+$0x0], $0xffff  }
0x1ca: {  	v29 =	vld.idx.msk [tilespmem:v8+s25+$0x0], $0xffff  }
0x1cb: {  	v37 =	vld.idx.msk [tilespmem:v16+s25+$0x0], $0xffff;
	v23 =	vadd.f32 v24, v23  }
0x1cc: {  	v30 =	vld.idx.msk [tilespmem:v9+s25+$0x0], $0xffff;
	v24 =	vadd.f32 v28, v27;
	v28 =	vadd.f32 v54, v31  }
0x1cd: {  	v27 =	vld.idx.msk [tilespmem:v18+s25+$0x0], $0xffff;
	v23 =	vadd.f32 v25, v23  }
0x1ce: {  	v31 =	vld.idx.msk [tilespmem:v19+s25+$0x0], $0xffff;
	v25 =	vadd.f32 v33, v28;
	v28 =	vadd.f32 v36, v35  }
0x1cf: {  	v34 =	vld.idx.msk [tilespmem:v13+s25+$0x0], $0xffff;
	v24 =	vadd.f32 v29, v24  }
0x1d0: {  	s22 =	simm.s32 $0x0;
	v23 =	vadd.f32 v26, v23;
	v26 =	vadd.f32 v37, v28;
	v28 =	vld.idx.msk [tilespmem:v20+s25+$0x0], $0xffff  }
0x1d1: {  	v29 =	vld.idx.msk [tilespmem:v17+s25+$0x0], $0xffff;
	v24 =	vadd.f32 v30, v24;
	v30 =	vmov s22  }
0x1d2: {  	v55 =	vld.idx.msk [tilespmem:v21+s25+$0x0], $0xffff;
	v30 =	vshrl.u32 v30, $0x3  }
0x1d3: {  	v27 =	vadd.f32 v31, v27;
	v30 =	vshll.u32 v30, v22  }
0x1d4: {  	v30 =	vbroadcast v30, $0x0  }
0x1d5: {  	v25 =	vadd.f32 v34, v25;
	[tilespmem:$0x7A80] =	vst v23;
	v23 =	vadd.f32 v28, v27  }
0x1d6: {  	s10 =	simm.s32 $0x7;
	[tilespmem:$0x7A90] =	vst v24;
	v24 =	vadd.f32 v29, v26  }
0x1d7: {  	v56 =	vmov s10;
	[tilespmem:$0x7AA0] =	vst v25;
	v23 =	vadd.f32 v55, v23  }
0x1d8: {  	v33 =	vshrl.u32 v56, $0x3;
	[tilespmem:$0x7AB0] =	vst v24  }
0x1d9: {  	s28 =	simm.s32 $0x1;
	v33 =	vshll.u32 v33, v22;
	[tilespmem:$0x7AC0] =	vst v23  }
0x1da: {  	v31 =	vmov s28;
	v28 =	vadd.s32 $0x7, v33;
	v24 =	vld.idx.msk [tilespmem:v30+s26+$0x0], $0xffff  }
0x1db: {  	v31 =	vshrl.u32 v31, $0x3;
	v26 =	vbroadcast v28, $0x0;
	v28 =	vld [tilespmem:s24+$0xFFFFFE20]  }
0x1dc: {  	v31 =	vshll.u32 v31, v22;
	v29 =	vld [tilespmem:s24+$0xFFFFFE30]  }
0x1dd: {  	v31 =	vadd.s32 $0x1, v31;
	v30 =	vld [tilespmem:s24+$0xFFFFFE40]  }
0x1de: {  	v27 =	vbroadcast v31, $0x0;
	v31 =	vld [tilespmem:s24+$0xFFFFFE50]  }
0x1df: {  	v58 =	vld [tilespmem:s24+$0xFFFFFE60]  }
0x1e0: {  	v59 =	vld [tilespmem:s24+$0x1F0]  }
0x1e1: {  	v60 =	vld [tilespmem:s24+$0xFFFFFE70]  }
0x1e2: {  	v61 =	vld [tilespmem:s24+$0xFFFFFE80]  }
0x1e3: {  	v23 =	vld.idx.msk [tilespmem:v26+s26+$0x0], $0xffff  }
0x1e4: {  	v26 =	vld [tilespmem:s24+$0xFFFFFE00]  }
0x1e5: {  	v25 =	vld.idx.msk [tilespmem:v27+s26+$0x0], $0xffff  }
0x1e6: {  	v27 =	vld [tilespmem:s24+$0xFFFFFE10]  }
0x1e7: {  	v62 =	vld [tilespmem:s24+$0xFFFFFE90];
	v28 =	vmul.f32 v28, v24  }
0x1e8: {  	s28 =	simm.s32 $0x3;
	v38 =	vld [tilespmem:s24+$0xFFFFFEB0];
	v29 =	vmul.f32 v29, v24  }
0x1e9: {  	s22 =	simm.s32 $0x2;
	v40 =	vmov s28;
	v39 =	vld [tilespmem:s24+$0xFFFFFEC0];
	v26 =	vmul.f32 v26, v24;
	[tilespmem:s24+$0xFFFFFE20] =	vst v28  }
0x1ea: {  	v57 =	vmov s22;
	v40 =	vshrl.u32 v40, $0x3;
	v45 =	vld [tilespmem:s24+$0xFFFFFED0];
	v34 =	vmul.f32 v59, v23;
	[tilespmem:s24+$0xFFFFFE30] =	vst v29  }
0x1eb: {  	v32 =	vshrl.u32 v57, $0x3;
	v46 =	vshll.u32 v40, v22;
	v63 =	vld [tilespmem:s24+$0xFFFFFEA0];
	v27 =	vmul.f32 v27, v24;
	[tilespmem:s24+$0xFFFFFE00] =	vst v26  }
0x1ec: {  	v47 =	vld [tilespmem:s24+$0xFFFFFF10];
	v44 =	vmul.f32 v61, v25;
	v26 =	vshll.u32 v32, v22;
	[tilespmem:s24+$0x1F0] =	vst v34;
	v34 =	vadd.s32 $0x3, v46  }
0x1ed: {  	v48 =	vld [tilespmem:s24+$0xFFFFFF30];
	v38 =	vmul.f32 v38, v25;
	[tilespmem:s24+$0xFFFFFE10] =	vst v27;
	v26 =	vadd.s32 $0x2, v26;
	v34 =	vbroadcast v34, $0x0  }
0x1ee: {  	v49 =	vld [tilespmem:s24+$0xFFFFFF40];
	v39 =	vmul.f32 v39, v25;
	[tilespmem:s24+$0xFFFFFE80] =	vst v44;
	v26 =	vbroadcast v26, $0x0  }
0x1ef: {  	v55 =	vld [tilespmem:s24+$0xFFFFFFD0];
	v35 =	vmul.f32 v45, v25;
	[tilespmem:s24+$0xFFFFFEB0] =	vst v38  }
0x1f0: {  	v28 =	vmul.f32 v30, v24;
	v30 =	vld [tilespmem:s24+$0xFFFFFEF0];
	[tilespmem:s24+$0xFFFFFEC0] =	vst v39  }
0x1f1: {  	v29 =	vmul.f32 v31, v24;
	v27 =	vld [tilespmem:s24+$0xFFFFFEE0];
	[tilespmem:s24+$0xFFFFFED0] =	vst v35  }
0x1f2: {  	v31 =	vld [tilespmem:s24+$0xFFFFFF00];
	[tilespmem:s24+$0xFFFFFE40] =	vst v28;
	v28 =	vmul.f32 v58, v24  }
0x1f3: {  	[tilespmem:s24+$0xFFFFFE50] =	vst v29;
	v24 =	vmul.f32 v60, v24;
	v34 =	vld.idx.msk [tilespmem:v34+s26+$0x0], $0xffff  }
0x1f4: {  	[tilespmem:s24+$0xFFFFFE60] =	vst v28;
	v28 =	vmul.f32 v62, v25;
	v26 =	vld.idx.msk [tilespmem:v26+s26+$0x0], $0xffff  }
0x1f5: {  	v51 =	vld [tilespmem:s24+$0xFFFFFF70];
	[tilespmem:s24+$0xFFFFFE70] =	vst v24;
	v24 =	vmul.f32 v63, v25  }
0x1f6: {  	v29 =	vld [tilespmem:s24+$0xFFFFFF20];
	[tilespmem:s24+$0xFFFFFE90] =	vst v28;
	v27 =	vmul.f32 v27, v25  }
0x1f7: {  	v52 =	vld [tilespmem:s24+$0xFFFFFF80];
	[tilespmem:s24+$0xFFFFFEA0] =	vst v24;
	v25 =	vmul.f32 v30, v25  }
0x1f8: {  	s9 =	simm.s32 $0x4;
	v24 =	vld [tilespmem:s24+$0xFFFFFF60];
	[tilespmem:s24+$0xFFFFFEE0] =	vst v27;
	v35 =	vmul.f32 v55, v34  }
0x1f9: {  	v50 =	vmov s9;
	v53 =	vld [tilespmem:s24+$0xFFFFFFA0];
	[tilespmem:s24+$0xFFFFFEF0] =	vst v25;
	v28 =	vmul.f32 v31, v26  }
0x1fa: {  	v37 =	vshrl.u32 v50, $0x3;
	v54 =	vld [tilespmem:s24+$0xFFFFFFC0];
	v27 =	vmul.f32 v47, v26;
	[tilespmem:s24+$0xFFFFFFD0] =	vst v35  }
0x1fb: {  	v31 =	vld [tilespmem:s24+$0xFFFFFF50];
	v25 =	vmul.f32 v29, v26;
	[tilespmem:s24+$0xFFFFFF00] =	vst v28;
	v28 =	vshll.u32 v37, v22  }
0x1fc: {  	v57 =	vld [tilespmem:s24+$0xFFFFFFF0];
	v36 =	vmul.f32 v49, v26;
	[tilespmem:s24+$0xFFFFFF10] =	vst v27;
	v28 =	vadd.s32 $0x4, v28  }
0x1fd: {  	v30 =	vld [tilespmem:s24+$0xFFFFFF90];
	v24 =	vmul.f32 v24, v26;
	[tilespmem:s24+$0xFFFFFF20] =	vst v25;
	v28 =	vbroadcast v28, $0x0  }
0x1fe: {  	s10 =	simm.s32 $0x5;
	v61 =	vld [tilespmem:s24+$0x70];
	v27 =	vmul.f32 v48, v26;
	[tilespmem:s24+$0xFFFFFF40] =	vst v36  }
0x1ff: {  	v56 =	vmov s10;
	v29 =	vld [tilespmem:s24+$0xFFFFFFB0];
	v25 =	vmul.f32 v52, v34;
	[tilespmem:s24+$0xFFFFFF60] =	vst v24  }
0x200: {  	v59 =	vld [tilespmem:s24+$0x40];
	v38 =	vshrl.u32 v56, $0x3;
	[tilespmem:s24+$0xFFFFFF30] =	vst v27;
	v31 =	vmul.f32 v31, v26  }
0x201: {  	v27 =	vld [tilespmem:s24+$0xFFFFFFE0];
	[tilespmem:s24+$0xFFFFFF80] =	vst v25;
	v25 =	vshll.u32 v38, v22;
	v26 =	vmul.f32 v51, v26  }
0x202: {  	v24 =	vmul.f32 v30, v34;
	v25 =	vadd.s32 $0x5, v25;
	[tilespmem:s24+$0xFFFFFF50] =	vst v31;
	v31 =	vld [tilespmem:s24+$0x0]  }
0x203: {  	v25 =	vbroadcast v25, $0x0;
	[tilespmem:s24+$0xFFFFFF70] =	vst v26;
	v26 =	vmul.f32 v53, v34;
	v28 =	vld.idx.msk [tilespmem:v28+s26+$0x0], $0xffff  }
0x204: {  	v30 =	vld [tilespmem:s24+$0x10];
	[tilespmem:s24+$0xFFFFFF90] =	vst v24;
	v24 =	vmul.f32 v29, v34  }
0x205: {  	v58 =	vld [tilespmem:s24+$0x20];
	[tilespmem:s24+$0xFFFFFFA0] =	vst v26;
	v26 =	vmul.f32 v54, v34  }
0x206: {  	v62 =	vld [tilespmem:s24+$0x90];
	[tilespmem:s24+$0xFFFFFFB0] =	vst v24;
	v27 =	vmul.f32 v27, v34  }
0x207: {  	v34 =	vmul.f32 v57, v34;
	[tilespmem:s24+$0xFFFFFFC0] =	vst v26;
	v26 =	vld [tilespmem:s24+$0x60]  }
0x208: {  	s22 =	simm.s32 $0x6;
	v29 =	vld [tilespmem:s24+$0x30];
	[tilespmem:s24+$0xFFFFFFE0] =	vst v27;
	v24 =	vmul.f32 v31, v28  }
0x209: {  	v60 =	vmov s22;
	[tilespmem:s24+$0xFFFFFFF0] =	vst v34;
	v25 =	vld.idx.msk [tilespmem:v25+s26+$0x0], $0xffff;
	v27 =	vmul.f32 v30, v28  }
0x20a: {  	v37 =	vshrl.u32 v60, $0x3;
	v31 =	vld [tilespmem:s24+$0x50];
	v33 =	vmul.f32 v58, v28;
	[tilespmem:s24+$0x0] =	vst v24  }
0x20b: {  	v63 =	vld [tilespmem:s24+$0xB0];
	v32 =	vmul.f32 v59, v28;
	v24 =	vshll.u32 v37, v22;
	[tilespmem:s24+$0x10] =	vst v27  }
0x20c: {  	v30 =	vld [tilespmem:s24+$0x80];
	v26 =	vmul.f32 v26, v28;
	[tilespmem:s24+$0x20] =	vst v33;
	v24 =	vadd.s32 $0x6, v24  }
0x20d: {  	v44 =	vld [tilespmem:s24+$0xD0];
	v27 =	vmul.f32 v29, v28;
	[tilespmem:s24+$0x40] =	vst v32;
	v24 =	vbroadcast v24, $0x0  }
0x20e: {  	s28 =	simm.s32 $0x8;
	v29 =	vld [tilespmem:s24+$0xA0];
	v34 =	vmul.f32 v62, v25;
	[tilespmem:s24+$0x60] =	vst v26  }
0x20f: {  	v45 =	vmov s28;
	[tilespmem:s24+$0x30] =	vst v27;
	v27 =	vmul.f32 v31, v28;
	v31 =	vld [tilespmem:s24+$0xC0]  }
0x210: {  	s28 =	simm.s32 $0xC;
	v46 =	vshrl.u32 v45, $0x3;
	v47 =	vld [tilespmem:s24+$0xF0];
	v33 =	vmul.f32 v63, v25;
	[tilespmem:s24+$0x90] =	vst v34  }
0x211: {  	s9 =	simm.s32 $0x9;
	v35 =	vshll.u32 v46, v22;
	v48 =	vmov s28;
	v30 =	vmul.f32 v30, v25;
	[tilespmem:s24+$0x50] =	vst v27;
	v27 =	vld [tilespmem:s24+$0xE0]  }
0x212: {  	v49 =	vld [tilespmem:s24+$0x100];
	v54 =	vshrl.u32 v48, $0x3;
	v26 =	vmov s9;
	[tilespmem:s24+$0xB0] =	vst v33;
	v28 =	vmul.f32 v61, v28  }
0x213: {  	v41 =	vshrl.u32 v26, $0x3;
	v33 =	vshll.u32 v54, v22;
	[tilespmem:s24+$0x80] =	vst v30;
	v29 =	vmul.f32 v29, v25;
	v24 =	vld.idx.msk [tilespmem:v24+s26+$0x0], $0xffff  }
0x214: {  	s10 =	simm.s32 $0xA;
	v52 =	vld [tilespmem:s24+$0x110];
	v59 =	vshll.u32 v41, v22;
	v33 =	vadd.s32 $0x4, v33;
	[tilespmem:s24+$0x70] =	vst v28;
	v26 =	vmul.f32 v31, v25  }
0x215: {  	s22 =	simm.s32 $0xB;
	v62 =	vadd.s32 $0x1, v59;
	v30 =	vmov s10;
	s10 =	simm.s32 $0xD;
	[tilespmem:s24+$0xA0] =	vst v29;
	v29 =	vld [tilespmem:s24+$0x120];
	v31 =	vmul.f32 v44, v25  }
0x216: {  	v53 =	vld [tilespmem:s24+$0x130];
	v28 =	vmov s22;
	s22 =	simm.s32 $0xE;
	v50 =	vmov s10;
	[tilespmem:s24+$0xC0] =	vst v26;
	v27 =	vmul.f32 v27, v25  }
0x217: {  	v55 =	vld [tilespmem:s24+$0x140];
	v51 =	vmov s22;
	v30 =	vshrl.u32 v30, $0x3;
	[tilespmem:s24+$0xD0] =	vst v31;
	v25 =	vmul.f32 v47, v25  }
0x218: {  	v57 =	vld [tilespmem:s24+$0x150];
	v28 =	vshrl.u32 v28, $0x3;
	v58 =	vshrl.u32 v51, $0x3;
	[tilespmem:s24+$0xE0] =	vst v27;
	v56 =	vmul.f32 v49, v24  }
0x219: {  	v60 =	vld [tilespmem:s24+$0x160];
	v30 =	vshll.u32 v30, v22;
	v27 =	vshll.u32 v28, v22;
	[tilespmem:s24+$0xF0] =	vst v25;
	v28 =	vmul.f32 v52, v24  }
0x21a: {  	v61 =	vshll.u32 v58, v22;
	v63 =	vadd.s32 $0x2, v30;
	v25 =	vld [tilespmem:s24+$0x170];
	v29 =	vmul.f32 v29, v24;
	[tilespmem:s24+$0x100] =	vst v56  }
0x21b: {  	s28 =	smul.u32 $0xA000, s30;
	v32 =	vbroadcast v63, $0x0;
	v31 =	vshrl.u32 v50, $0x3;
	v30 =	vmul.f32 v53, v24;
	[tilespmem:s24+$0x110] =	vst v28;
	v28 =	vld [tilespmem:s24+$0x180]  }
0x21c: {  	v26 =	vbroadcast v35, $0x0;
	v31 =	vshll.u32 v31, v22;
	v42 =	vmul.f32 v55, v24;
	[tilespmem:s24+$0x120] =	vst v29;
	v29 =	vld [tilespmem:s24+$0x190]  }
0x21d: {  	s4 =	sshrl.u32 s28, $0x2;
	v37 =	vadd.s32 $0x3, v27;
	v27 =	vbroadcast v62, $0x0;
	v36 =	vmul.f32 v57, v24;
	[tilespmem:s24+$0x130] =	vst v30;
	v30 =	vld [tilespmem:s24+$0x1A0]  }
0x21e: {  	s31 =	simm.s32 $0x10;
	s10 =	sadd.s32 $0x2A80, s4;
	s4 =	simm.s32 $0xF;
	v35 =	vadd.s32 $0x6, v61;
	v34 =	vadd.s32 $0x5, v31;
	v31 =	vld [tilespmem:s24+$0x1B0];
	v38 =	vmul.f32 v60, v24;
	[tilespmem:s24+$0x140] =	vst v42  }
.LBB2_17:
0x21f: {  	p2 =	slt.u32 s31, $0x48;
	v37 =	vbroadcast v37, $0x0;
	v39 =	vmov s4;
	[tilespmem:s24+$0x150] =	vst v36;
	v24 =	vmul.f32 v25, v24;
	v25 =	vld [tilespmem:s24+$0x1C0]  }
0x220: {  	v33 =	vbroadcast v33, $0x0;
	v36 =	vshrl.u32 v39, $0x3;
	[tilespmem:s24+$0x160] =	vst v38;
	v28 =	vmul.f32 v28, v23;
	v38 =	vld [tilespmem:s24+$0x1D0]  }
0x221: {  	v34 =	vbroadcast v34, $0x0;
	v36 =	vshll.u32 v36, v22;
	[tilespmem:s24+$0x170] =	vst v24;
	v24 =	vmul.f32 v29, v23;
	v29 =	vld [tilespmem:s24+$0x1E0]  }
0x222: {  	v35 =	vbroadcast v35, $0x0;
	v39 =	vld.idx.msk [tilespmem:v26+s26+$0x0], $0xffff;
	v26 =	vadd.s32 $0x7, v36;
	[tilespmem:s24+$0x180] =	vst v28;
	v28 =	vmul.f32 v30, v23  }
0x223: {  	v30 =	vld.idx.msk [tilespmem:v27+s26+$0x0], $0xffff;
	v36 =	vbroadcast v26, $0x0;
	[tilespmem:s24+$0x190] =	vst v24;
	v24 =	vmul.f32 v31, v23  }
0x224: {  	v31 =	vld.idx.msk [tilespmem:v32+s26+$0x0], $0xffff;
	[tilespmem:s24+$0x1A0] =	vst v28;
	v25 =	vmul.f32 v25, v23  }
0x225: {  	v27 =	vld.idx.msk [tilespmem:v37+s26+$0x0], $0xffff;
	[tilespmem:s24+$0x1B0] =	vst v24;
	v24 =	vmul.f32 v38, v23  }
0x226: {  	v26 =	vld.idx.msk [tilespmem:v33+s26+$0x0], $0xffff;
	[tilespmem:s24+$0x1C0] =	vst v25;
	v23 =	vmul.f32 v29, v23  }
0x227: {  	v25 =	vld.idx.msk [tilespmem:v34+s26+$0x0], $0xffff;
	[tilespmem:s24+$0x1D0] =	vst v24  }
0x228: {  	v24 =	vld.idx.msk [tilespmem:v35+s26+$0x0], $0xffff;
	[tilespmem:s24+$0x1E0] =	vst v23  }
0x229: {  	s24 =	sadd.s32 $0x400, s24;
	v23 =	vld.idx.msk [tilespmem:v36+s26+$0x0], $0xffff  }
0x22a: {  	v28 =	vld [tilespmem:s24+$0x1F0]  }
0x22b: {  	v29 =	vld [tilespmem:s24+$0xFFFFFE00]  }
0x22c: {  	v32 =	vld [tilespmem:s24+$0xFFFFFE10]  }
0x22d: {  	v33 =	vld [tilespmem:s24+$0xFFFFFE20]  }
0x22e: {  	v34 =	vld [tilespmem:s24+$0xFFFFFE30]  }
0x22f: {  	v35 =	vld [tilespmem:s24+$0xFFFFFE40];
	v28 =	vmul.f32 v28, v23  }
0x230: {  	v29 =	vmul.f32 v29, v39;
	v36 =	vld [tilespmem:s24+$0xFFFFFE50]  }
0x231: {  	v32 =	vmul.f32 v32, v39;
	v37 =	vld [tilespmem:s24+$0xFFFFFE60];
	[tilespmem:s24+$0x1F0] =	vst v28  }
0x232: {  	[tilespmem:s24+$0xFFFFFE00] =	vst v29;
	v28 =	vmul.f32 v33, v39;
	v29 =	vld [tilespmem:s24+$0xFFFFFE70]  }
0x233: {  	[tilespmem:s24+$0xFFFFFE10] =	vst v32;
	v32 =	vmul.f32 v34, v39;
	v33 =	vld [tilespmem:s24+$0xFFFFFE80]  }
0x234: {  	[tilespmem:s24+$0xFFFFFE20] =	vst v28;
	v28 =	vmul.f32 v35, v39;
	v34 =	vld [tilespmem:s24+$0xFFFFFE90]  }
0x235: {  	[tilespmem:s24+$0xFFFFFE30] =	vst v32;
	v32 =	vmul.f32 v36, v39;
	v35 =	vld [tilespmem:s24+$0xFFFFFEA0]  }
0x236: {  	[tilespmem:s24+$0xFFFFFE40] =	vst v28;
	v28 =	vmul.f32 v37, v39;
	v36 =	vld [tilespmem:s24+$0xFFFFFEB0]  }
0x237: {  	[tilespmem:s24+$0xFFFFFE50] =	vst v32;
	v29 =	vmul.f32 v29, v39;
	v32 =	vld [tilespmem:s24+$0xFFFFFEC0]  }
0x238: {  	[tilespmem:s24+$0xFFFFFE60] =	vst v28;
	v28 =	vmul.f32 v33, v30;
	v33 =	vld [tilespmem:s24+$0xFFFFFED0]  }
0x239: {  	[tilespmem:s24+$0xFFFFFE70] =	vst v29;
	v29 =	vmul.f32 v34, v30;
	v34 =	vld [tilespmem:s24+$0xFFFFFEE0]  }
0x23a: {  	[tilespmem:s24+$0xFFFFFE80] =	vst v28;
	v28 =	vmul.f32 v35, v30;
	v35 =	vld [tilespmem:s24+$0xFFFFFEF0]  }
0x23b: {  	[tilespmem:s24+$0xFFFFFE90] =	vst v29;
	v29 =	vmul.f32 v36, v30;
	v36 =	vld [tilespmem:s24+$0xFFFFFF00]  }
0x23c: {  	[tilespmem:s24+$0xFFFFFEA0] =	vst v28;
	v28 =	vmul.f32 v32, v30;
	v32 =	vld [tilespmem:s24+$0xFFFFFF10]  }
0x23d: {  	[tilespmem:s24+$0xFFFFFEB0] =	vst v29;
	v29 =	vmul.f32 v33, v30;
	v33 =	vld [tilespmem:s24+$0xFFFFFF20]  }
0x23e: {  	[tilespmem:s24+$0xFFFFFEC0] =	vst v28;
	v28 =	vmul.f32 v34, v30;
	v34 =	vld [tilespmem:s24+$0xFFFFFF30]  }
0x23f: {  	[tilespmem:s24+$0xFFFFFED0] =	vst v29;
	v29 =	vmul.f32 v35, v30;
	v30 =	vld [tilespmem:s24+$0xFFFFFF40]  }
0x240: {  	[tilespmem:s24+$0xFFFFFEE0] =	vst v28;
	v28 =	vmul.f32 v36, v31;
	v35 =	vld [tilespmem:s24+$0xFFFFFF50]  }
0x241: {  	[tilespmem:s24+$0xFFFFFEF0] =	vst v29;
	v29 =	vmul.f32 v32, v31;
	v32 =	vld [tilespmem:s24+$0xFFFFFF60]  }
0x242: {  	[tilespmem:s24+$0xFFFFFF00] =	vst v28;
	v28 =	vmul.f32 v33, v31;
	v33 =	vld [tilespmem:s24+$0xFFFFFF70]  }
0x243: {  	[tilespmem:s24+$0xFFFFFF10] =	vst v29;
	v29 =	vmul.f32 v34, v31;
	v34 =	vld [tilespmem:s24+$0xFFFFFF80]  }
0x244: {  	[tilespmem:s24+$0xFFFFFF20] =	vst v28;
	v28 =	vmul.f32 v30, v31;
	v30 =	vld [tilespmem:s24+$0xFFFFFF90]  }
0x245: {  	[tilespmem:s24+$0xFFFFFF30] =	vst v29;
	v29 =	vmul.f32 v35, v31;
	v35 =	vld [tilespmem:s24+$0xFFFFFFA0]  }
0x246: {  	[tilespmem:s24+$0xFFFFFF40] =	vst v28;
	v28 =	vmul.f32 v32, v31;
	v32 =	vld [tilespmem:s24+$0xFFFFFFB0]  }
0x247: {  	[tilespmem:s24+$0xFFFFFF50] =	vst v29;
	v29 =	vmul.f32 v33, v31;
	v31 =	vld [tilespmem:s24+$0xFFFFFFC0]  }
0x248: {  	[tilespmem:s24+$0xFFFFFF60] =	vst v28;
	v28 =	vmul.f32 v34, v27;
	v33 =	vld [tilespmem:s24+$0xFFFFFFD0]  }
0x249: {  	[tilespmem:s24+$0xFFFFFF70] =	vst v29;
	v29 =	vmul.f32 v30, v27;
	v30 =	vld [tilespmem:s24+$0xFFFFFFE0]  }
0x24a: {  	[tilespmem:s24+$0xFFFFFF80] =	vst v28;
	v28 =	vmul.f32 v35, v27;
	v34 =	vld [tilespmem:s24+$0xFFFFFFF0]  }
0x24b: {  	[tilespmem:s24+$0xFFFFFF90] =	vst v29;
	v29 =	vmul.f32 v32, v27;
	v32 =	vld [tilespmem:s24+$0x0]  }
0x24c: {  	[tilespmem:s24+$0xFFFFFFA0] =	vst v28;
	v28 =	vmul.f32 v31, v27;
	v31 =	vld [tilespmem:s24+$0x10]  }
0x24d: {  	[tilespmem:s24+$0xFFFFFFB0] =	vst v29;
	v29 =	vmul.f32 v33, v27;
	v33 =	vld [tilespmem:s24+$0x20]  }
0x24e: {  	[tilespmem:s24+$0xFFFFFFC0] =	vst v28;
	v28 =	vmul.f32 v30, v27;
	v30 =	vld [tilespmem:s24+$0x30]  }
0x24f: {  	[tilespmem:s24+$0xFFFFFFD0] =	vst v29;
	v27 =	vmul.f32 v34, v27;
	v29 =	vld [tilespmem:s24+$0x40]  }
0x250: {  	[tilespmem:s24+$0xFFFFFFE0] =	vst v28;
	v28 =	vmul.f32 v32, v26;
	v32 =	vld [tilespmem:s24+$0x50]  }
0x251: {  	[tilespmem:s24+$0xFFFFFFF0] =	vst v27;
	v27 =	vmul.f32 v31, v26;
	v31 =	vld [tilespmem:s24+$0x60]  }
0x252: {  	[tilespmem:s24+$0x0] =	vst v28;
	v28 =	vmul.f32 v33, v26;
	v33 =	vld [tilespmem:s24+$0x70]  }
0x253: {  	[tilespmem:s24+$0x10] =	vst v27;
	v27 =	vmul.f32 v30, v26;
	v30 =	vld [tilespmem:s24+$0x80]  }
0x254: {  	[tilespmem:s24+$0x20] =	vst v28;
	v28 =	vmul.f32 v29, v26;
	v29 =	vld [tilespmem:s24+$0x90]  }
0x255: {  	[tilespmem:s24+$0x30] =	vst v27;
	v27 =	vmul.f32 v32, v26;
	v32 =	vld [tilespmem:s24+$0xA0]  }
0x256: {  	[tilespmem:s24+$0x40] =	vst v28;
	v28 =	vmul.f32 v31, v26;
	v31 =	vld [tilespmem:s24+$0xB0]  }
0x257: {  	v34 =	vmov s31;
	[tilespmem:s24+$0x50] =	vst v27;
	v26 =	vmul.f32 v33, v26;
	v27 =	vld [tilespmem:s24+$0xC0]  }
0x258: {  	s4 =	sadd.s32 $0x1, s31;
	s9 =	sadd.s32 $0x2, s31;
	v33 =	vshrl.u32 v34, $0x3;
	[tilespmem:s24+$0x60] =	vst v28;
	v28 =	vmul.f32 v30, v25;
	v30 =	vld [tilespmem:s24+$0xD0]  }
0x259: {  	v35 =	vmov s9;
	s9 =	sadd.s32 $0x4, s31;
	v34 =	vmov s4;
	s4 =	sadd.s32 $0x3, s31;
	[tilespmem:s24+$0x70] =	vst v26;
	v26 =	vmul.f32 v29, v25;
	v29 =	vld [tilespmem:s24+$0xE0]  }
0x25a: {  	v37 =	vmov s9;
	s9 =	sadd.s32 $0x6, s31;
	v36 =	vmov s4;
	s4 =	sadd.s32 $0x5, s31;
	[tilespmem:s24+$0x80] =	vst v28;
	v28 =	vmul.f32 v32, v25;
	v32 =	vld [tilespmem:s24+$0xF0]  }
0x25b: {  	v39 =	vmov s9;
	v38 =	vmov s4;
	[tilespmem:s24+$0x90] =	vst v26;
	v26 =	vmul.f32 v31, v25;
	v31 =	vld [tilespmem:s24+$0x100]  }
0x25c: {  	v33 =	vshll.u32 v33, v22;
	v34 =	vshrl.u32 v34, $0x3;
	[tilespmem:s24+$0xA0] =	vst v28;
	v27 =	vmul.f32 v27, v25;
	v28 =	vld [tilespmem:s24+$0x110]  }
0x25d: {  	v35 =	vshrl.u32 v35, $0x3;
	v36 =	vshrl.u32 v36, $0x3;
	[tilespmem:s24+$0xB0] =	vst v26;
	v30 =	vmul.f32 v30, v25;
	v40 =	vld [tilespmem:s24+$0x120]  }
0x25e: {  	v37 =	vshrl.u32 v37, $0x3;
	v38 =	vshrl.u32 v38, $0x3;
	[tilespmem:s24+$0xC0] =	vst v27;
	v27 =	vmul.f32 v29, v25;
	v29 =	vld [tilespmem:s24+$0x130]  }
0x25f: {  	v26 =	vbroadcast v33, $0x0;
	v33 =	vshrl.u32 v39, $0x3;
	[tilespmem:s24+$0xD0] =	vst v30;
	v25 =	vmul.f32 v32, v25;
	v30 =	vld [tilespmem:s24+$0x140]  }
0x260: {  	v32 =	vshll.u32 v34, v22;
	v34 =	vshll.u32 v35, v22;
	[tilespmem:s24+$0xE0] =	vst v27;
	v27 =	vmul.f32 v31, v24;
	v31 =	vld [tilespmem:s24+$0x150]  }
0x261: {  	v35 =	vshll.u32 v36, v22;
	v36 =	vshll.u32 v37, v22;
	[tilespmem:s24+$0xF0] =	vst v25;
	v28 =	vmul.f32 v28, v24;
	v39 =	vld [tilespmem:s24+$0x160]  }
.Ltmp11:
0x262: {  	v38 =	vshll.u32 v38, v22;
	v41 =	vshll.u32 v33, v22;
	[tilespmem:s24+$0x100] =	vst v27;
	v27 =	vmul.f32 v40, v24;
	v25 =	vld [tilespmem:s24+$0x170];
	(pc) =	sbr.rel @p2 .LBB2_17-.Ltmp11, $4  }
0x263: {  	v32 =	vadd.s32 $0x1, v32;
	v40 =	vadd.s32 $0x2, v34;
	[tilespmem:s24+$0x110] =	vst v28;
	v42 =	vmul.f32 v29, v24;
	v28 =	vld [tilespmem:s24+$0x180]  }
0x264: {  	v37 =	vadd.s32 $0x3, v35;
	v33 =	vadd.s32 $0x4, v36;
	[tilespmem:s24+$0x120] =	vst v27;
	v43 =	vmul.f32 v30, v24;
	v29 =	vld [tilespmem:s24+$0x190]  }
0x265: {  	v34 =	vadd.s32 $0x5, v38;
	v27 =	vbroadcast v32, $0x0;
	[tilespmem:s24+$0x130] =	vst v42;
	v36 =	vmul.f32 v31, v24;
	v30 =	vld [tilespmem:s24+$0x1A0]  }
0x266: {  	s4 =	sadd.s32 $0x7, s31;
	s31 =	sadd.s32 $0x8, s31;
	v35 =	vadd.s32 $0x6, v41;
	v32 =	vbroadcast v40, $0x0;
	[tilespmem:s24+$0x140] =	vst v43;
	v38 =	vmul.f32 v39, v24;
	v31 =	vld [tilespmem:s24+$0x1B0]  }
0x267: {  	_ = 	snop  }
0x268: {  	v40 =	vld [tilespmem:s24+$0x1C0]  }
0x269: {  	v41 =	vld [tilespmem:s24+$0x1D0]  }
0x26a: {  	v42 =	vld [tilespmem:s24+$0x1E0]  }
0x26b: {  	v43 =	vld.idx.msk [tilespmem:v26+s26+$0x0], $0xffff  }
0x26c: {  	s31 =	sadd.s32 $0x400, s24;
	v32 =	vld.idx.msk [tilespmem:v32+s26+$0x0], $0xffff  }
0x26d: {  	v52 =	vld [tilespmem:s31+$0x1F0]  }
0x26e: {  	v54 =	vld [tilespmem:s31+$0xFFFFFE00]  }
0x26f: {  	v56 =	vld [tilespmem:s31+$0xFFFFFE10]  }
0x270: {  	v58 =	vld [tilespmem:s31+$0xFFFFFE20]  }
0x271: {  	[tilespmem:s24+$0x150] =	vst v36;
	v24 =	vmul.f32 v25, v24;
	v59 =	vld [tilespmem:s31+$0xFFFFFE30]  }
0x272: {  	[tilespmem:s24+$0x160] =	vst v38;
	v28 =	vmul.f32 v28, v23;
	v60 =	vld [tilespmem:s31+$0xFFFFFE40]  }
0x273: {  	v33 =	vbroadcast v33, $0x0;
	v61 =	vld [tilespmem:s31+$0xFFFFFE50];
	[tilespmem:s24+$0x170] =	vst v24;
	v29 =	vmul.f32 v29, v23  }
0x274: {  	v62 =	vld [tilespmem:s31+$0xFFFFFE60];
	[tilespmem:s24+$0x180] =	vst v28;
	v51 =	vmul.f32 v30, v23  }
0x275: {  	v39 =	vmov s4;
	v63 =	vld [tilespmem:s31+$0xFFFFFE70];
	[tilespmem:s24+$0x190] =	vst v29;
	v53 =	vmul.f32 v31, v23  }
0x276: {  	v39 =	vshrl.u32 v39, $0x3;
	v36 =	vld [tilespmem:s31+$0xFFFFFE80];
	[tilespmem:s24+$0x1A0] =	vst v51;
	v55 =	vmul.f32 v40, v23  }
0x277: {  	v38 =	vld [tilespmem:s31+$0xFFFFFE90];
	v39 =	vshll.u32 v39, v22;
	v57 =	vmul.f32 v41, v23;
	[tilespmem:s24+$0x1B0] =	vst v53  }
0x278: {  	v50 =	vadd.s32 $0x7, v39;
	v39 =	vld.idx.msk [tilespmem:v27+s26+$0x0], $0xffff;
	v23 =	vmul.f32 v42, v23;
	[tilespmem:s24+$0x1C0] =	vst v55  }
0x279: {  	v27 =	vld.idx.msk [tilespmem:v33+s26+$0x0], $0xffff;
	v33 =	vmul.f32 v56, v43;
	[tilespmem:s24+$0x1D0] =	vst v57  }
0x27a: {  	v45 =	vld [tilespmem:s31+$0xFFFFFED0];
	v44 =	vbroadcast v50, $0x0;
	[tilespmem:s24+$0x1E0] =	vst v23;
	v23 =	vmul.f32 v54, v43  }
0x27b: {  	v47 =	vld [tilespmem:s31+$0xFFFFFEE0];
	v28 =	vmul.f32 v59, v43;
	[tilespmem:s31+$0xFFFFFE10] =	vst v33  }
0x27c: {  	v48 =	vld [tilespmem:s31+$0xFFFFFEF0];
	[tilespmem:s31+$0xFFFFFE00] =	vst v23;
	v23 =	vmul.f32 v58, v43  }
0x27d: {  	v41 =	vld [tilespmem:s31+$0xFFFFFEA0];
	v40 =	vmul.f32 v61, v43;
	[tilespmem:s31+$0xFFFFFE30] =	vst v28  }
0x27e: {  	v37 =	vbroadcast v37, $0x0;
	v42 =	vld [tilespmem:s31+$0xFFFFFEB0];
	[tilespmem:s31+$0xFFFFFE20] =	vst v23;
	v23 =	vmul.f32 v60, v43  }
0x27f: {  	v34 =	vbroadcast v34, $0x0;
	v51 =	vld [tilespmem:s31+$0xFFFFFF10];
	[tilespmem:s31+$0xFFFFFE50] =	vst v40;
	v46 =	vmul.f32 v38, v39  }
0x280: {  	v24 =	vld.idx.msk [tilespmem:v44+s26+$0x0], $0xffff;
	[tilespmem:s31+$0xFFFFFE40] =	vst v23;
	v23 =	vmul.f32 v62, v43  }
0x281: {  	v55 =	vmul.f32 v48, v39;
	v44 =	vld [tilespmem:s31+$0xFFFFFEC0];
	[tilespmem:s31+$0xFFFFFE90] =	vst v46  }
0x282: {  	v35 =	vbroadcast v35, $0x0;
	v54 =	vld [tilespmem:s31+$0xFFFFFF30];
	[tilespmem:s31+$0xFFFFFE60] =	vst v23;
	v23 =	vmul.f32 v36, v39  }
0x283: {  	v50 =	vld [tilespmem:s31+$0xFFFFFF00];
	v49 =	vmul.f32 v42, v39;
	[tilespmem:s31+$0xFFFFFEF0] =	vst v55  }
0x284: {  	v37 =	vld.idx.msk [tilespmem:v37+s26+$0x0], $0xffff;
	[tilespmem:s31+$0xFFFFFE80] =	vst v23;
	v23 =	vmul.f32 v41, v39  }
0x285: {  	v26 =	vld.idx.msk [tilespmem:v34+s26+$0x0], $0xffff;
	v58 =	vmul.f32 v51, v32;
	[tilespmem:s31+$0xFFFFFEB0] =	vst v49  }
0x286: {  	v48 =	vld [tilespmem:s31+$0x10];
	[tilespmem:s31+$0xFFFFFEA0] =	vst v23;
	v23 =	vmul.f32 v44, v39  }
0x287: {  	v53 =	vld [tilespmem:s31+$0xFFFFFF20];
	[tilespmem:s31+$0xFFFFFF10] =	vst v58;
	v61 =	vmul.f32 v54, v32  }
0x288: {  	v25 =	vld.idx.msk [tilespmem:v35+s26+$0x0], $0xffff;
	[tilespmem:s31+$0xFFFFFEC0] =	vst v23;
	v23 =	vmul.f32 v47, v39  }
0x289: {  	v56 =	vld [tilespmem:s31+$0xFFFFFF40];
	v43 =	vmul.f32 v63, v43;
	[tilespmem:s31+$0xFFFFFF30] =	vst v61  }
0x28a: {  	v59 =	vld [tilespmem:s31+$0xFFFFFF60];
	[tilespmem:s31+$0xFFFFFEE0] =	vst v23;
	v23 =	vmul.f32 v50, v32  }
0x28b: {  	v57 =	vld [tilespmem:s31+$0xFFFFFF50];
	v55 =	vmul.f32 v48, v27;
	[tilespmem:s31+$0xFFFFFE70] =	vst v43  }
0x28c: {  	v38 =	vld [tilespmem:s31+$0xFFFFFFA0];
	[tilespmem:s31+$0xFFFFFF00] =	vst v23;
	v23 =	vmul.f32 v53, v32  }
0x28d: {  	v62 =	vld [tilespmem:s31+$0xFFFFFF80];
	v30 =	vmul.f32 v52, v24;
	[tilespmem:s31+$0x10] =	vst v55  }
0x28e: {  	v42 =	vld [tilespmem:s31+$0xFFFFFFD0];
	[tilespmem:s31+$0xFFFFFF20] =	vst v23;
	v23 =	vmul.f32 v56, v32  }
0x28f: {  	v51 =	vld [tilespmem:s31+$0x30];
	v52 =	vmul.f32 v45, v39;
	[tilespmem:s31+$0x1F0] =	vst v30  }
0x290: {  	v60 =	vld [tilespmem:s31+$0xFFFFFF70];
	[tilespmem:s31+$0xFFFFFF40] =	vst v23;
	v23 =	vmul.f32 v59, v32  }
0x291: {  	v36 =	vmul.f32 v57, v32;
	[tilespmem:s31+$0xFFFFFED0] =	vst v52;
	v41 =	vld [tilespmem:s31+$0xFFFFFFC0]  }
0x292: {  	v54 =	vld [tilespmem:s31+$0x50];
	[tilespmem:s31+$0xFFFFFF60] =	vst v23;
	v23 =	vmul.f32 v62, v37  }
0x293: {  	v49 =	vmul.f32 v42, v37;
	[tilespmem:s31+$0xFFFFFF50] =	vst v36;
	v44 =	vld [tilespmem:s31+$0xFFFFFFE0]  }
0x294: {  	v63 =	vld [tilespmem:s31+$0xFFFFFF90];
	[tilespmem:s31+$0xFFFFFF80] =	vst v23;
	v23 =	vmul.f32 v38, v37  }
0x295: {  	v58 =	vmul.f32 v51, v27;
	[tilespmem:s31+$0xFFFFFFD0] =	vst v49;
	v47 =	vld [tilespmem:s31+$0x0]  }
0x296: {  	v48 =	vld [tilespmem:s31+$0x150];
	[tilespmem:s31+$0xFFFFFFA0] =	vst v23;
	v23 =	vmul.f32 v41, v37  }
0x297: {  	v40 =	vmul.f32 v60, v32;
	[tilespmem:s31+$0x30] =	vst v58;
	v50 =	vld [tilespmem:s31+$0x20]  }
0x298: {  	v45 =	vld [tilespmem:s31+$0xFFFFFFF0];
	[tilespmem:s31+$0xFFFFFFC0] =	vst v23;
	v23 =	vmul.f32 v44, v37  }
0x299: {  	v61 =	vmul.f32 v54, v27;
	[tilespmem:s31+$0xFFFFFF70] =	vst v40;
	v53 =	vld [tilespmem:s31+$0x40]  }
0x29a: {  	v39 =	vld [tilespmem:s31+$0xFFFFFFB0];
	[tilespmem:s31+$0xFFFFFFE0] =	vst v23;
	v23 =	vmul.f32 v47, v27  }
0x29b: {  	v43 =	vmul.f32 v63, v37;
	[tilespmem:s31+$0x50] =	vst v61;
	v56 =	vld [tilespmem:s31+$0x60]  }
0x29c: {  	v57 =	vld [tilespmem:s31+$0x70];
	[tilespmem:s31+$0x0] =	vst v23;
	v23 =	vmul.f32 v50, v27  }
0x29d: {  	v55 =	vmul.f32 v48, v25;
	[tilespmem:s31+$0xFFFFFF90] =	vst v43;
	v59 =	vld [tilespmem:s31+$0x80]  }
0x29e: {  	v43 =	vld [tilespmem:s31+$0x110];
	[tilespmem:s31+$0x20] =	vst v23;
	v23 =	vmul.f32 v53, v27  }
0x29f: {  	[tilespmem:s31+$0x150] =	vst v55;
	v46 =	vmul.f32 v39, v37;
	v62 =	vld [tilespmem:s31+$0xA0]  }
0x2a0: {  	v60 =	vld [tilespmem:s31+$0x90];
	[tilespmem:s31+$0x40] =	vst v23;
	v23 =	vmul.f32 v56, v27  }
0x2a1: {  	v36 =	vld [tilespmem:s31+$0xC0];
	v52 =	vmul.f32 v45, v37;
	[tilespmem:s31+$0xFFFFFFB0] =	vst v46  }
0x2a2: {  	v46 =	vld [tilespmem:s31+$0x130];
	[tilespmem:s31+$0x60] =	vst v23;
	v23 =	vmul.f32 v59, v26  }
0x2a3: {  	[tilespmem:s31+$0xFFFFFFF0] =	vst v52;
	v49 =	vmul.f32 v43, v25;
	v39 =	vld [tilespmem:s31+$0xE0]  }
0x2a4: {  	v54 =	vld [tilespmem:s31+$0x190];
	[tilespmem:s31+$0x80] =	vst v23;
	v23 =	vmul.f32 v62, v26  }
0x2a5: {  	v42 =	vld [tilespmem:s31+$0x100];
	[tilespmem:s31+$0x110] =	vst v49;
	v38 =	vmul.f32 v60, v26  }
0x2a6: {  	v63 =	vld [tilespmem:s31+$0xB0];
	[tilespmem:s31+$0xA0] =	vst v23;
	v23 =	vmul.f32 v36, v26  }
0x2a7: {  	v45 =	vld [tilespmem:s31+$0x120];
	v52 =	vmul.f32 v46, v25;
	[tilespmem:s31+$0x90] =	vst v38  }
0x2a8: {  	v37 =	vld [tilespmem:s31+$0xD0];
	[tilespmem:s31+$0xC0] =	vst v23;
	v23 =	vmul.f32 v39, v26  }
0x2a9: {  	v60 =	vmul.f32 v54, v24;
	[tilespmem:s31+$0x130] =	vst v52;
	v47 =	vld [tilespmem:s31+$0x140]  }
0x2aa: {  	[tilespmem:s31+$0xE0] =	vst v23;
	v23 =	vmul.f32 v42, v25  }
0x2ab: {  	v41 =	vmul.f32 v63, v26;
	[tilespmem:s31+$0x190] =	vst v60;
	v50 =	vld [tilespmem:s31+$0x160]  }
0x2ac: {  	v27 =	vmul.f32 v57, v27;
	v57 =	vld [tilespmem:s31+$0x1B0];
	[tilespmem:s31+$0x100] =	vst v23;
	v23 =	vmul.f32 v45, v25  }
0x2ad: {  	[tilespmem:s31+$0xB0] =	vst v41;
	v44 =	vmul.f32 v37, v26;
	v53 =	vld [tilespmem:s31+$0x180]  }
0x2ae: {  	v59 =	vld [tilespmem:s31+$0x1D0];
	[tilespmem:s31+$0x120] =	vst v23;
	v23 =	vmul.f32 v47, v25  }
0x2af: {  	[tilespmem:s31+$0xD0] =	vst v44;
	v56 =	vld [tilespmem:s31+$0x1A0]  }
0x2b0: {  	v40 =	vld [tilespmem:s31+$0xF0];
	[tilespmem:s31+$0x140] =	vst v23;
	v23 =	vmul.f32 v50, v25  }
0x2b1: {  	v58 =	vld [tilespmem:s31+$0x1C0];
	[tilespmem:s31+$0x70] =	vst v27;
	v62 =	vmul.f32 v57, v24  }
0x2b2: {  	v51 =	vld [tilespmem:s31+$0x170];
	[tilespmem:s31+$0x160] =	vst v23;
	v23 =	vmul.f32 v53, v24  }
0x2b3: {  	v61 =	vld [tilespmem:s31+$0x1E0];
	[tilespmem:s31+$0x1B0] =	vst v62;
	v63 =	vmul.f32 v59, v24  }
0x2b4: {  	[tilespmem:s31+$0x180] =	vst v23;
	v23 =	vmul.f32 v56, v24  }
0x2b5: {  	v26 =	vmul.f32 v40, v26;
	[tilespmem:s31+$0x1D0] =	vst v63  }
0x2b6: {  	[tilespmem:s31+$0x1A0] =	vst v23;
	v23 =	vmul.f32 v58, v24  }
0x2b7: {  	s30 =	smul.u32 $0x280, s30;
	[tilespmem:s31+$0xF0] =	vst v26;
	v25 =	vmul.f32 v51, v25  }
0x2b8: {  	[tilespmem:s31+$0x1C0] =	vst v23;
	v23 =	vmul.f32 v61, v24  }
0x2b9: {  	s9 =	smin.u32 s29, $0x7A;
	s4 =	sshrl.u32 s30, $0x2;
	[tilespmem:s31+$0x170] =	vst v25  }
0x2ba: {  	s9 =	smul.u32 $0x50, s9;
	s22 =	sadd.s32 $0x50, s4;
	[tilespmem:s31+$0x1E0] =	vst v23  }
0x2bb: {  	[spmem:s2] =	stream.indirect.scatter.add.f32 [tilespmem:s10], [sflag:$0x7], $0x80, s22, s16, $0xb8;
	[tilespmem:$0x1DF60] =	vst v63  }
0x2bc: {  	s9 =	sadd.s32 s9, s11;
	_ =	swait.ge [sflag:s15], $0x2800  }
0x2bd: {  	s9 =	sshrl.u32 s9, $0x3;
	[sflag:s15] =	ssyncset.done $0x0  }
0x2be: {  	s9 =	sadd.s32 s8, s9;
	[sflag:s15] =	ssyncadd.s32 $0xFFFFD800  }
0x2bf: {  	[tilespmem:s4], [sflag:$0x5] =	stream.strided.gather [hbm4b:s9+s16], $0xA0, s17, s16, $0x38;
	[tilespmem:$0x1DF60] =	vst v63  }
0x2c0: {  	_ =	swait.ge [sflag:s20], $0x500  }
0x2c1: {  	[sflag:s20] =	ssyncset.done $0x0  }
0x2c2: {  	[sflag:s20] =	ssyncadd.s32 $0xFFFFFB00  }
0x2c3: {  	_ =	swait.ge [sflag:s21], $0x500  }
0x2c4: {  	[sflag:s21] =	ssyncset.done $0x0  }
0x2c5: {  	s29 =	sadd.s32 $0x1, s29;
	[sflag:s21] =	ssyncadd.s32 $0xFFFFFB00  }
0x2c6: {  	p2 =	sne.s32 s29, $0x7D;
	_ =	swait.ge [sflag:s18], $0x2800  }
.Ltmp12:
0x2c7: {  	[sflag:s18] =	ssyncset.done $0x0;
	(pc) =	sbr.rel @p2 .LBB2_14-.Ltmp12, $4  }
0x2c8: {  	[sflag:s18] =	ssyncadd.s32 $0xFFFFD800  }
0x2c9: {  	_ =	swait.ge [sflag:s19], $0x500  }
0x2ca: {  	[sflag:s19] =	ssyncset.done $0x0  }
0x2cb: {  	p1 =	por !p1, !p1;
	[sflag:s19] =	ssyncadd.s32 $0xFFFFFB00  }
0x2cc: {  	_ =	swait.ge [sflag:s23], $0xA0  }
.Ltmp13:
0x2cd: {  	[sflag:s23] =	ssyncset.done $0x0;
	(pc) =	sbr.rel .LBB2_20-.Ltmp13, $4  }
0x2ce: {  	[sflag:s23] =	ssyncadd.s32 $0xFFFFFF60  }
0x2cf: {  	[bflag:$0x0] =	sbarrier.arrive $0xFFFF  }
0x2d0: {  	s22 =	rddreg [dreg:$0x5]  }
0x2d1: {  	s10 =	simm.s32 $0x0;
	s9 =	simm.s32 $0x80;
	s28 =	rddreg [dreg:$0x6]  }
.LBB2_24:
0x2d2: {  	s10 =	sadd.s32 $0x1, s10  }
0x2d3: {  	p1 =	sne.s32 s10, $0x8  }
.Ltmp14:
0x2d4: {  	_ = 	snop;
	(pc) =	sbr.rel @!p1 .LBB2_25-.Ltmp14, $1  }
0x2d5: {  	_ =	sdelay $0x3  }
.LBB2_20:
0x2d6: {  	s4 =	sshll.u32 s10, $0x4  }
0x2d7: {  	s24 =	sor.u32 s5, s4  }
0x2d8: {  	p1 =	sgt.u32 s24, $0x7C  }
.Ltmp15:
0x2d9: {  	_ = 	snop;
	(pc) =	sbr.rel @p1 .LBB2_24-.Ltmp15, $1  }
0x2da: {  	_ =	sdelay $0x3  }
0x2db: {  	s4 =	smul.u32 $0xA000, s24;
	_ =	sdelay $0x1  }
0x2dc: {  	s4 =	sshra.s32 s4, $0x2  }
0x2dd: {  	s4 =	sadd.s32 s4, s2  }
0x2de: {  	[tilespmem:s0], [sflag:$0x8] =	stream.linear.gather [spmem:s4], $0x2800, $0x38;
	[tilespmem:$0x1DF60] =	vst v63  }
0x2df: {  	_ =	swait.ge [sflag:s13], $0x2800  }
0x2e0: {  	[sflag:s13] =	ssyncset.done $0x0  }
0x2e1: {  	s29 =	simm.s32 $0x2B00;
	[sflag:s13] =	ssyncadd.s32 $0xFFFFD800  }
0x2e2: {  	v23 =	vld [tilespmem:s29+$0x70]  }
0x2e3: {  	v24 =	vld [tilespmem:s29+$0x60]  }
0x2e4: {  	v25 =	vld [tilespmem:s29+$0xFFFFFF90]  }
0x2e5: {  	v26 =	vld [tilespmem:s29+$0x20]  }
0x2e6: {  	v27 =	vld [tilespmem:s29+$0x30]  }
0x2e7: {  	v28 =	vld [tilespmem:s29+$0x10]  }
0x2e8: {  	v34 =	vld [tilespmem:s29+$0xFFFFFFB0]  }
0x2e9: {  	v32 =	vmul.f32 $2.500000000e-01, v23;
	v36 =	vmul.f32 $2.500000000e-01, v24;
	v24 =	vld [tilespmem:s29+$0xFFFFFF80]  }
0x2ea: {  	v39 =	vmul.f32 $2.500000000e-01, v25;
	v25 =	vld [tilespmem:s29+$0xFFFFFFE0];
	v30 =	vmul.f32 $2.500000000e-01, v26  }
0x2eb: {  	v57 =	vld [tilespmem:s29+$0x0];
	v23 =	vmul.f32 $1.442695020e+00, v32;
	v31 =	vmul.f32 $1.442695020e+00, v36  }
0x2ec: {  	v26 =	vld [tilespmem:s29+$0xFFFFFFA0];
	v33 =	vmul.f32 $1.442695020e+00, v39;
	v40 =	vmul.f32 $1.442695020e+00, v30  }
0x2ed: {  	v29 =	vld [tilespmem:s29+$0xFFFFFFF0];
	(erf) = vpow2.f32 v23;
	v23 =	vmul.f32 $2.500000000e-01, v27  }
0x2ee: {  	v37 =	vld [tilespmem:s29+$0xFFFFFFD0];
	v27 =	vmul.f32 $2.500000000e-01, v28;
	(erf) = vpow2.f32 v31  }
0x2ef: {  	v35 =	vmul.f32 $2.500000000e-01, v24;
	v31 =	vmul.f32 $2.500000000e-01, v25  }
0x2f0: {  	v25 =	vld [tilespmem:s29+$0x50];
	v24 =	vmul.f32 $2.500000000e-01, v34;
	(erf) = vpow2.f32 v33  }
0x2f1: {  	v28 =	vmul.f32 $2.500000000e-01, v26;
	v26 =	vld [tilespmem:s29+$0x40];
	v34 =	vmul.f32 $2.500000000e-01, v57  }
0x2f2: {  	v41 =	vmul.f32 $1.442695020e+00, v27;
	v33 =	vmul.f32 $2.500000000e-01, v29  }
0x2f3: {  	v29 =	vmul.f32 $2.500000000e-01, v37;
	v38 =	vmul.f32 $1.442695020e+00, v35  }
0x2f4: {  	v58 =	vmul.f32 $1.442695020e+00, v23;
	v43 =	vmul.f32 $1.442695020e+00, v31  }
0x2f5: {  	v42 =	vld [tilespmem:s29+$0xFFFFFFC0];
	(erf) = vpow2.f32 v38;
	v25 =	vmul.f32 $2.500000000e-01, v25  }
0x2f6: {  	vm1 =	vgt.f32 v32, $0.0e+00;
	(erf) = vpow2.f32 v58;
	v26 =	vmul.f32 $2.500000000e-01, v26  }
0x2f7: {  	vm2 =	vgt.f32 v36, $0.0e+00;
	v62 =	vmul.f32 $1.442695020e+00, v34;
	v44 =	vmul.f32 $1.442695020e+00, v33;
	v45 =	vpop (erf)  }
0x2f8: {  	v37 =	vmul.f32 $1.442695020e+00, v25;
	v38 =	vmul.f32 $1.442695020e+00, v26;
	v59 =	vadd.f32 $-1.000000000e+00, v45;
	v60 =	vpop (erf)  }
0x2f9: {  	vm3 =	vgt.f32 v35, $0.0e+00;
	(erf) = vpow2.f32 v41;
	v41 =	vmul.f32 $1.442695020e+00, v29;
	v61 =	vpop (erf)  }
0x2fa: {  	v46 =	vsel vm1, v32, v59;
	v32 =	vmul.f32 $2.500000000e-01, v42;
	v42 =	vadd.f32 $-1.000000000e+00, v61  }
0x2fb: {  	(erf) = vpow2.f32 v40;
	v45 =	vadd.f32 $-1.000000000e+00, v60;
	vm1 =	vgt.f32 v39, $0.0e+00  }
0x2fc: {  	(erf) = vpow2.f32 v44;
	v47 =	vmul.f32 $1.442695020e+00, v32;
	v39 =	vsel vm1, v39, v42  }
0x2fd: {  	v40 =	vmul.f32 $1.442695020e+00, v24;
	(erf) = vpow2.f32 v62;
	v36 =	vsel vm2, v36, v45;
	[tilespmem:s29+$0x70] =	vst v46  }
0x2fe: {  	vm2 =	vgt.f32 v29, $0.0e+00;
	[tilespmem:s29+$0x60] =	vst v36;
	v36 =	vmul.f32 $1.442695020e+00, v28;
	v63 =	vpop (erf);
	(erf) = vpow2.f32 v47  }
0x2ff: {  	s30 =	simm.s32 $0x0;
	s31 =	simm.s32 $0x2C00;
	vm1 =	vgt.f32 v23, $0.0e+00;
	v42 =	vadd.f32 $-1.000000000e+00, v63;
	[tilespmem:s29+$0xFFFFFF90] =	vst v39;
	(erf) = vpow2.f32 v43;
	v39 =	vpop (erf)  }
.LBB2_22:
0x300: {  	v43 =	vld [tilespmem:s31+$0xFFFFFF90];
	s30 =	sadd.s32 $0x2, s30;
	vm5 =	vgt.f32 v24, $0.0e+00;
	vm10 =	vgt.f32 v33, $0.0e+00;
	(erf) = vpow2.f32 v41  }
0x301: {  	vm6 =	vgt.f32 v32, $0.0e+00;
	v41 =	vld [tilespmem:s31+$0x70];
	p1 =	slt.u32 s30, $0x4E;
	v44 =	vsel vm3, v35, v42;
	(erf) = vpow2.f32 v36  }
0x302: {  	vm8 =	vgt.f32 v34, $0.0e+00;
	vm4 =	vgt.f32 v26, $0.0e+00;
	v42 =	vld [tilespmem:s31+$0x60];
	[tilespmem:s29+$0xFFFFFF80] =	vst v44;
	(erf) = vpow2.f32 v40  }
0x303: {  	vm9 =	vgt.f32 v27, $0.0e+00;
	vm3 =	vgt.f32 v25, $0.0e+00;
	v40 =	vld [tilespmem:s31+$0x50];
	v35 =	vpop (erf);
	(erf) = vpow2.f32 v38  }
0x304: {  	vm7 =	vgt.f32 v28, $0.0e+00;
	vm11 =	vgt.f32 v31, $0.0e+00;
	v38 =	vld [tilespmem:s31+$0x20];
	v44 =	vpop (erf);
	(erf) = vpow2.f32 v37  }
0x305: {  	v36 =	vmul.f32 $2.500000000e-01, v43;
	v37 =	vld [tilespmem:s31+$0x30];
	v43 =	vadd.f32 $-1.000000000e+00, v35;
	v49 =	vadd.f32 $-1.000000000e+00, v44;
	v44 =	vpop (erf)  }
0x306: {  	vm12 =	vgt.f32 v30, $0.0e+00;
	v45 =	vld [tilespmem:s31+$0xFFFFFFF0];
	v41 =	vmul.f32 $2.500000000e-01, v41;
	v51 =	vadd.f32 $-1.000000000e+00, v44;
	v46 =	vpop (erf)  }
0x307: {  	v47 =	vmul.f32 $1.442695020e+00, v36;
	v48 =	vld [tilespmem:s31+$0x10];
	v42 =	vmul.f32 $2.500000000e-01, v42;
	v30 =	vsel vm12, v30, v49;
	v35 =	vpop (erf)  }
0x308: {  	v39 =	vadd.f32 $-1.000000000e+00, v39;
	v49 =	vld [tilespmem:s31+$0xFFFFFF80];
	v50 =	vmul.f32 $1.442695020e+00, v41;
	v52 =	vsel vm10, v33, v51;
	[tilespmem:s29+$0x20] =	vst v30;
	v44 =	vpop (erf)  }
0x309: {  	v51 =	vld [tilespmem:s31+$0xFFFFFFE0];
	v30 =	vmul.f32 $2.500000000e-01, v38;
	v38 =	vmul.f32 $1.442695020e+00, v42;
	v54 =	vadd.f32 $-1.000000000e+00, v44;
	[tilespmem:s29+$0xFFFFFFF0] =	vst v52;
	v33 =	vpop (erf)  }
0x30a: {  	v52 =	vld [tilespmem:s31+$0xFFFFFFB0];
	v53 =	vmul.f32 $2.500000000e-01, v37;
	(erf) = vpow2.f32 v50;
	v37 =	vadd.f32 $-1.000000000e+00, v46;
	v46 =	vpop (erf)  }
0x30b: {  	v50 =	vld [tilespmem:s31+$0xFFFFFFA0];
	(erf) = vpow2.f32 v38;
	v38 =	vadd.f32 $-1.000000000e+00, v35;
	v31 =	vsel vm11, v31, v54;
	v44 =	vpop (erf)  }
0x30c: {  	v54 =	vld [tilespmem:s31+$0xFFFFFFD0];
	v48 =	vmul.f32 $2.500000000e-01, v48;
	(erf) = vpow2.f32 v47;
	v47 =	vadd.f32 $-1.000000000e+00, v33;
	[tilespmem:s29+$0xFFFFFFE0] =	vst v31;
	v55 =	vpop (erf)  }
0x30d: {  	v46 =	vadd.f32 $-1.000000000e+00, v46;
	v35 =	vmul.f32 $2.500000000e-01, v49;
	v49 =	vmul.f32 $1.442695020e+00, v30;
	v56 =	vpop (erf)  }
0x30e: {  	v33 =	vsel vm8, v34, v37;
	v31 =	vmul.f32 $2.500000000e-01, v51;
	v51 =	vmul.f32 $1.442695020e+00, v48  }
0x30f: {  	v37 =	vsel vm9, v27, v43;
	v27 =	vmovc v48;
	v34 =	vmul.f32 $1.442695020e+00, v35;
	v52 =	vmul.f32 $2.500000000e-01, v52;
	[tilespmem:s29+$0x0] =	vst v33  }
0x310: {  	v47 =	vsel vm2, v29, v47;
	v33 =	vmul.f32 $2.500000000e-01, v45;
	v43 =	vmul.f32 $2.500000000e-01, v50;
	v45 =	vld [tilespmem:s31+$0x40];
	[tilespmem:s29+$0x10] =	vst v37  }
0x311: {  	v44 =	vadd.f32 $-1.000000000e+00, v44;
	v48 =	vmul.f32 $1.442695020e+00, v53;
	v29 =	vmul.f32 $2.500000000e-01, v54;
	[tilespmem:s29+$0xFFFFFFD0] =	vst v47  }
0x312: {  	v57 =	vsel vm7, v28, v46;
	vm2 =	vgt.f32 v41, $0.0e+00;
	v47 =	vmul.f32 $1.442695020e+00, v31;
	v28 =	vmovc v43  }
0x313: {  	vm7 =	vgt.f32 v42, $0.0e+00;
	v54 =	vadd.f32 $-1.000000000e+00, v55;
	v43 =	vmul.f32 $1.442695020e+00, v33;
	v46 =	vld [tilespmem:s31+$0x0];
	v50 =	vpop (erf);
	[tilespmem:s29+$0xFFFFFFA0] =	vst v57  }
0x314: {  	v40 =	vmul.f32 $2.500000000e-01, v40;
	v32 =	vsel vm6, v32, v38;
	v55 =	vld [tilespmem:s31+$0xFFFFFFC0];
	v50 =	vadd.f32 $-1.000000000e+00, v50;
	v37 =	vpop (erf)  }
0x315: {  	v45 =	vmul.f32 $2.500000000e-01, v45;
	v57 =	vadd.f32 $-1.000000000e+00, v37;
	(erf) = vpow2.f32 v34;
	v58 =	vpop (erf);
	[tilespmem:s29+$0xFFFFFFC0] =	vst v32  }
0x316: {  	v37 =	vmul.f32 $1.442695020e+00, v40;
	v32 =	vsel vm2, v41, v50;
	(erf) = vpow2.f32 v48  }
0x317: {  	v38 =	vmul.f32 $1.442695020e+00, v45;
	v41 =	vsel vm7, v42, v57;
	[tilespmem:s31+$0x70] =	vst v32;
	v32 =	vsel vm5, v24, v44;
	v24 =	vmovc v52  }
0x318: {  	v39 =	vsel vm1, v23, v39;
	v23 =	vmovc v53;
	vm5 =	vgt.f32 v36, $0.0e+00;
	v34 =	vmul.f32 $2.500000000e-01, v46;
	[tilespmem:s29+$0xFFFFFFB0] =	vst v32  }
0x319: {  	v42 =	vadd.f32 $-1.000000000e+00, v58;
	v32 =	vmul.f32 $2.500000000e-01, v55;
	[tilespmem:s29+$0x30] =	vst v39;
	v39 =	vadd.f32 $-1.000000000e+00, v56  }
0x31a: {  	v44 =	vmul.f32 $1.442695020e+00, v34;
	[tilespmem:s31+$0x60] =	vst v41;
	(erf) = vpow2.f32 v51;
	v41 =	vsel vm4, v26, v54;
	v26 =	vmovc v45  }
.Ltmp16:
0x31b: {  	v45 =	vmul.f32 $1.442695020e+00, v32;
	(erf) = vpow2.f32 v49;
	[tilespmem:s29+$0x40] =	vst v41;
	v39 =	vsel vm3, v25, v39;
	v25 =	vmovc v40;
	(pc) =	sbr.rel @p1 .LBB2_22-.Ltmp16, $4  }
0x31c: {  	vm3 =	vgt.f32 v35, $0.0e+00;
	v40 =	vmul.f32 $1.442695020e+00, v24;
	(erf) = vpow2.f32 v43;
	[tilespmem:s29+$0x50] =	vst v39;
	s29 =	smov.u32 s31  }
0x31d: {  	vm2 =	vgt.f32 v29, $0.0e+00;
	v41 =	vmul.f32 $1.442695020e+00, v29;
	(erf) = vpow2.f32 v44  }
0x31e: {  	v43 =	vsel vm5, v36, v42;
	v36 =	vmul.f32 $1.442695020e+00, v28;
	v42 =	vpop (erf);
	(erf) = vpow2.f32 v45  }
0x31f: {  	vm1 =	vgt.f32 v23, $0.0e+00;
	s31 =	sadd.s32 $0x100, s31;
	v42 =	vadd.f32 $-1.000000000e+00, v42;
	[tilespmem:s29+$0xFFFFFF90] =	vst v43;
	(erf) = vpow2.f32 v47;
	v39 =	vpop (erf)  }
0x320: {  	_ = 	snop  }
0x321: {  	(erf) = vpow2.f32 v41  }
0x322: {  	(erf) = vpow2.f32 v36  }
0x323: {  	v63 =	vpop (erf)  }
0x324: {  	(erf) = vpow2.f32 v40;
	v45 =	vpop (erf)  }
0x325: {  	v59 =	vadd.f32 $-1.000000000e+00, v39;
	(erf) = vpow2.f32 v38;
	v46 =	vpop (erf)  }
0x326: {  	v35 =	vsel vm3, v35, v42;
	v47 =	vadd.f32 $-1.000000000e+00, v45;
	(erf) = vpow2.f32 v37;
	v43 =	vpop (erf)  }
0x327: {  	vm3 =	vgt.f32 v30, $0.0e+00;
	[tilespmem:s29+$0xFFFFFF80] =	vst v35;
	v23 =	vsel vm1, v23, v59;
	v49 =	vadd.f32 $-1.000000000e+00, v46;
	v48 =	vpop (erf)  }
0x328: {  	vm4 =	vgt.f32 v33, $0.0e+00;
	[tilespmem:s29+$0x30] =	vst v23;
	v30 =	vsel vm3, v30, v47;
	v52 =	vadd.f32 $-1.000000000e+00, v43;
	v50 =	vpop (erf)  }
0x329: {  	vm15 =	vgt.f32 v34, $0.0e+00;
	v33 =	vsel vm4, v33, v49;
	[tilespmem:s29+$0x20] =	vst v30;
	v51 =	vadd.f32 $-1.000000000e+00, v50  }
0x32a: {  	v36 =	vadd.f32 $-1.000000000e+00, v63;
	vm3 =	vgt.f32 v31, $0.0e+00;
	[tilespmem:s29+$0xFFFFFFF0] =	vst v33;
	v53 =	vpop (erf);
	v30 =	vsel vm15, v34, v52  }
0x32b: {  	v54 =	vpop (erf);
	v33 =	vadd.f32 $-1.000000000e+00, v53;
	[tilespmem:s29+$0x0] =	vst v30;
	v31 =	vsel vm3, v31, v51;
	vm3 =	vgt.f32 v27, $0.0e+00  }
0x32c: {  	v55 =	vadd.f32 $-1.000000000e+00, v54;
	[tilespmem:s29+$0xFFFFFFE0] =	vst v31;
	v27 =	vsel vm3, v27, v36  }
0x32d: {  	v56 =	vadd.f32 $-1.000000000e+00, v48;
	vm3 =	vgt.f32 v28, $0.0e+00;
	v57 =	vpop (erf);
	v29 =	vsel vm2, v29, v33;
	[tilespmem:s29+$0x10] =	vst v27  }
0x32e: {  	vm2 =	vgt.f32 v32, $0.0e+00;
	v58 =	vadd.f32 $-1.000000000e+00, v57;
	[tilespmem:s29+$0xFFFFFFD0] =	vst v29;
	v28 =	vsel vm3, v28, v55;
	v60 =	vpop (erf)  }
0x32f: {  	s4 =	smul.u32 $0x5000, s24;
	vm3 =	vgt.f32 v24, $0.0e+00;
	v61 =	vsel vm2, v32, v56;
	[tilespmem:s29+$0xFFFFFFA0] =	vst v28;
	v62 =	vpop (erf);
	v31 =	vadd.f32 $-1.000000000e+00, v60  }
0x330: {  	vm2 =	vgt.f32 v26, $0.0e+00;
	[tilespmem:s29+$0xFFFFFFC0] =	vst v61;
	v24 =	vsel vm3, v24, v58;
	v63 =	vadd.f32 $-1.000000000e+00, v62  }
0x331: {  	vm1 =	vgt.f32 v25, $0.0e+00;
	s4 =	sor.u32 s12, s4;
	[tilespmem:s29+$0xFFFFFFB0] =	vst v24;
	v23 =	vsel vm2, v26, v31  }
0x332: {  	s4 =	sshrl.u32 s4, $0x3;
	[tilespmem:s29+$0x40] =	vst v23;
	v23 =	vsel vm1, v25, v63  }
.Ltmp17:
0x333: {  	s31 =	simm.s32 $0x100;
	s4 =	sadd.s32 s28, s4;
	[tilespmem:s29+$0x50] =	vst v23;
	(pc) =	sbr.rel .LBB2_24-.Ltmp17, $4  }
0x334: {  	[hbm4b:s4+s9] =	stream.strided.scatter [tilespmem:s0], [sflag:$0x7], $0x2800, s31, s9, $0x38;
	[tilespmem:$0x1DF60] =	vst v63  }
0x335: {  	_ =	swait.ge [sflag:s15], $0x2800  }
0x336: {  	[sflag:s15] =	ssyncset.done $0x0  }
0x337: {  	[sflag:s15] =	ssyncadd.s32 $0xFFFFD800  }
.LBB2_26:
0x338: {  	_ =	sfence.sel $0x180000  }
0x339: {  	[bflag:$0x0] =	sbarrier.arrive $0xFFFF  }
0x33a: {  	_ =	strace $0x90000047  }
0x33b: {  	[bflag:$0x2] =	sbarrier.arrive $0xFFFF  }
0x33c: {  	p0 =	sne.s32 s5, $0x0;
	s0 =	rddreg [dreg:$0x4]  }
0x33d: {  	s0 =	sadd.s32 @!p0 $0x100000, s0  }
0x33e: {  	[sflag:s0] =	ssyncadd.tile.s32 @!p0 $0x1;
	_ =	shalt  }
.Lfunc_end2:
_tile_overlayer_lowered:
.L_overlay_start_2:
0x33f: {  	(tag) =	ssettag $0x2  }
0x340: {  	s0 =	rddreg [dreg:$0x0];
	s2 =	stileid.u32  }
0x341: {  	s1 =	rddreg [dreg:$0x1];
	p0 =	sne.s32 s2, $0x0  }
0x342: {  	s3 =	rddreg [dreg:$0x2];
	[bflag:$0x3] =	sbarrier.arrive $0xFFFF;
	s2 =	simm.s32 @!p0 $0x1C07  }
0x343: {  	[timem:s3], [sflag:s2] =	dma.local @!p0 [hbm:s0], s1  }
0x344: {  	s0 =	simm.s32 @!p0 $0x7  }
0x345: {  	_ =	swait.ge @!p0 [sflag:s0], s1  }
0x346: {  	s1 =	ssub.s32 @!p0 $0x0, s1;
	[sflag:s0] =	ssyncset.done @!p0 $0x0  }
0x347: {  	[sflag:s0] =	ssyncadd.s32 @!p0 s1  }
0x348: {  	[bflag:$0x3] =	sbarrier.arrive $0xFFFF  }
0x349: {  	_ =	shalt  }

</sc_bundles>
